<compile_context>
chip_gen: v7x
topology: tpu7x:2x2x1
jax: 0.10.2.dev20260603
libtpu: 0.0.44.dev20260713+nightly
codegen_flags: <defaults>
</compile_context>

<pallas_src>
import functools

import jax
import jax.numpy as jnp
from jax import lax
from jax.experimental import pallas as pl
from jax.experimental.pallas import tpu as pltpu
from jax.experimental.pallas import tpu_sc as plsc

_NEG_INF = float("-inf")

T = 2048
D = 768
E = 8
H2 = 1536
TILE = 128
NR = 2 * T + E * TILE
NT = NR // TILE
NTE = 64
TT = 512
NTT = T // TT


def _prep_kernel(x_ref, rw_ref, rb_ref,
                 w_ref, pos_ref, te_ref,
                 ish, tril, carry, base):
    p = pl.program_id(0)
    i = pl.program_id(1)
    tsl = pl.ds(i * TT, TT)

    @pl.when(jnp.logical_and(p == 0, i == 0))
    def _init():
        r = jax.lax.broadcasted_iota(jnp.int32, (TT, TT), 0)
        c = jax.lax.broadcasted_iota(jnp.int32, (TT, TT), 1)
        tril[...] = (r < c).astype(jnp.float32)
        carry[...] = jnp.zeros((E, 1), jnp.float32)

    @pl.when(p == 0)
    def _router():
        lg = jax.lax.dot_general(
            rw_ref[...], x_ref[tsl, :],
            dimension_numbers=(((1,), (1,)), ((), ())),
            preferred_element_type=jnp.float32,
        ) + rb_ref[...][:, None]
        row = jax.lax.broadcasted_iota(jnp.int32, lg.shape, 0)
        m1 = jnp.max(lg, axis=0, keepdims=True)
        i1 = jnp.min(jnp.where(lg == m1, row, E), axis=0, keepdims=True)
        l2 = jnp.where(row == i1, _NEG_INF, lg)
        m2 = jnp.max(l2, axis=0, keepdims=True)
        i2 = jnp.min(jnp.where(l2 == m2, row, E), axis=0, keepdims=True)
        b = jnp.exp(m2 - m1)
        w1 = 1.0 / (1.0 + b)
        ish[0:1, tsl] = i1
        ish[1:2, tsl] = i2
        w_ref[0:1, tsl] = w1
        w_ref[1:2, tsl] = 1.0 - w1
        oh = ((row == i1).astype(jnp.float32)
              + (row == i2).astype(jnp.float32))
        carry[...] += jnp.sum(oh, axis=1, keepdims=True)

    @pl.when(jnp.logical_and(p == 0, i == NTT - 1))
    def _bases():
        ci = carry[...].astype(jnp.int32)
        cp = ((ci + (TILE - 1)) >> 7) << 7
        re = jax.lax.broadcasted_iota(jnp.int32, (E, E), 0)
        ce = jax.lax.broadcasted_iota(jnp.int32, (E, E), 1)
        stril8 = (ce < re).astype(jnp.float32)
        basef = jax.lax.dot_general(
            stril8, cp.astype(jnp.float32),
            dimension_numbers=(((1,), (0,)), ((), ())),
            preferred_element_type=jnp.float32,
        )
        base[...] = basef
        endi = (basef.astype(jnp.int32) + cp) >> 7
        jl = jax.lax.broadcasted_iota(jnp.int32, (1, NTE), 1)
        acc = jnp.zeros((1, NTE), jnp.int32)
        for e in range(E):
            acc = acc + (jl >= endi[e:e + 1, 0:1]).astype(jnp.int32)
        te_ref[...] = jnp.minimum(acc, E - 1)
        carry[...] = basef

    @pl.when(p == 1)
    def _positions():
        i1 = ish[0:1, tsl]
        i2 = ish[1:2, tsl]
        row = jax.lax.broadcasted_iota(jnp.int32, (E, TT), 0)
        oh1 = (row == i1).astype(jnp.float32)
        oh2 = (row == i2).astype(jnp.float32)
        cum1 = jax.lax.dot_general(
            oh1, tril[...],
            dimension_numbers=(((1,), (0,)), ((), ())),
            preferred_element_type=jnp.float32,
        )
        s1 = jnp.sum(oh1, axis=1, keepdims=True)
        cum2 = jax.lax.dot_general(
            oh2, tril[...],
            dimension_numbers=(((1,), (0,)), ((), ())),
            preferred_element_type=jnp.float32,
        ) + s1
        off = carry[...]
        pos1 = jnp.sum(oh1 * (off + cum1), axis=0, keepdims=True)
        pos2 = jnp.sum(oh2 * (off + cum2), axis=0, keepdims=True)
        pos_ref[0:1, tsl] = pos1.astype(jnp.int32)
        pos_ref[1:2, tsl] = pos2.astype(jnp.int32)
        carry[...] = off + s1 + jnp.sum(oh2, axis=1, keepdims=True)


def _prep(x2d, router_w, router_b):
    return pl.pallas_call(
        _prep_kernel,
        grid=(2, NTT),
        in_specs=[
            pl.BlockSpec((T, D), lambda p, i: (0, 0)),
            pl.BlockSpec((E, D), lambda p, i: (0, 0)),
            pl.BlockSpec((E,), lambda p, i: (0,)),
        ],
        out_specs=[
            pl.BlockSpec((2, T), lambda p, i: (0, 0)),
            pl.BlockSpec((2, T), lambda p, i: (0, 0)),
            pl.BlockSpec((1, NTE), lambda p, i: (0, 0)),
        ],
        out_shape=[
            jax.ShapeDtypeStruct((2, T), jnp.float32),
            jax.ShapeDtypeStruct((2, T), jnp.int32),
            jax.ShapeDtypeStruct((1, NTE), jnp.int32),
        ],
        scratch_shapes=[
            pltpu.VMEM((2, T), jnp.int32),
            pltpu.VMEM((TT, TT), jnp.float32),
            pltpu.VMEM((E, 1), jnp.float32),
            pltpu.VMEM((E, 1), jnp.float32),
        ],
        compiler_params=pltpu.CompilerParams(
            dimension_semantics=("arbitrary", "arbitrary"),
        ),
    )(x2d, router_w, router_b)


_TPW = T // 32


def _dispatch_body(pos_ref, w_ref, x_ref, xg_ref, wrow_ref,
                   pidx, wvals, xrows, sem):
    cid = lax.axis_index("c")
    sid = lax.axis_index("s")
    t0 = (sid * 2 + cid) * _TPW

    pltpu.sync_copy(pos_ref.at[0, pl.ds(t0, _TPW)], pidx.at[0])
    pltpu.sync_copy(pos_ref.at[1, pl.ds(t0, _TPW)], pidx.at[1])
    pltpu.sync_copy(w_ref.at[0, pl.ds(t0, _TPW)], wvals.at[0])
    pltpu.sync_copy(w_ref.at[1, pl.ds(t0, _TPW)], wvals.at[1])
    pltpu.sync_copy(x_ref.at[pl.ds(t0, _TPW)], xrows)
    c1 = pltpu.async_copy(xrows, xg_ref.at[pidx.at[0]], sem)
    c2 = pltpu.async_copy(xrows, xg_ref.at[pidx.at[1]], sem)
    c3 = pltpu.async_copy(wvals.at[0], wrow_ref.at[pidx.at[0]], sem)
    c4 = pltpu.async_copy(wvals.at[1], wrow_ref.at[pidx.at[1]], sem)
    c1.wait()
    c2.wait()
    c3.wait()
    c4.wait()


def _dispatch(pos2t, wcat, x2d):
    mesh = plsc.VectorSubcoreMesh(core_axis_name="c", subcore_axis_name="s")
    fn = functools.partial(
        pl.kernel,
        mesh=mesh,
        out_type=[
            jax.ShapeDtypeStruct((NR, D), jnp.float32),
            jax.ShapeDtypeStruct((NR,), jnp.float32),
        ],
        scratch_types=[
            pltpu.VMEM((2, _TPW), jnp.int32),
            pltpu.VMEM((2, _TPW), jnp.float32),
            pltpu.VMEM((_TPW, D), jnp.float32),
            pltpu.SemaphoreType.DMA,
        ],
    )(_dispatch_body)
    return fn(pos2t, wcat, x2d)


def _ffn_kernel(te_ref, xg_ref, wrow_ref, fc1w_ref, fc1b_ref,
                fc2w_ref, fc2b_ref, yg_ref, w1b_scr, w2b_scr):
    i = pl.program_id(0)
    e = te_ref[i]
    prev = te_ref[jnp.maximum(i - 1, 0)]

    @pl.when(jnp.logical_or(i == 0, e != prev))
    def _cache():
        w1b_scr[...] = fc1w_ref[0].astype(jnp.bfloat16)
        w2b_scr[...] = fc2w_ref[0].astype(jnp.bfloat16)

    h = jax.lax.dot_general(
        xg_ref[...].astype(jnp.bfloat16), w1b_scr[...],
        dimension_numbers=(((1,), (1,)), ((), ())),
        preferred_element_type=jnp.float32,
    ) + fc1b_ref[pl.ds(e, 1), :]
    h1 = h[:, :H2 // 2]
    h2 = h[:, H2 // 2:]
    g = h1 * jax.nn.sigmoid(h1) * h2
    y = jax.lax.dot_general(
        g.astype(jnp.bfloat16), w2b_scr[...],
        dimension_numbers=(((1,), (1,)), ((), ())),
        preferred_element_type=jnp.float32,
    ) + fc2b_ref[pl.ds(e, 1), :]
    yg_ref[...] = y * wrow_ref[...]


def _ffn(te, xg, wrow, fc1_w, fc1_b, fc2_w, fc2_b):
    grid_spec = pltpu.PrefetchScalarGridSpec(
        num_scalar_prefetch=1,
        grid=(NT,),
        in_specs=[
            pl.BlockSpec((TILE, D), lambda i, te: (i, 0)),
            pl.BlockSpec((TILE, 1), lambda i, te: (i, 0)),
            pl.BlockSpec((1, H2, D), lambda i, te: (te[i], 0, 0)),
            pl.BlockSpec((E, H2), lambda i, te: (0, 0)),
            pl.BlockSpec((1, D, H2 // 2), lambda i, te: (te[i], 0, 0)),
            pl.BlockSpec((E, D), lambda i, te: (0, 0)),
        ],
        out_specs=pl.BlockSpec((TILE, D), lambda i, te: (i, 0)),
        scratch_shapes=[
            pltpu.VMEM((H2, D), jnp.bfloat16),
            pltpu.VMEM((D, H2 // 2), jnp.bfloat16),
        ],
    )
    return pl.pallas_call(
        _ffn_kernel,
        grid_spec=grid_spec,
        out_shape=jax.ShapeDtypeStruct((NR, D), jnp.float32),
        compiler_params=pltpu.CompilerParams(
            dimension_semantics=("arbitrary",),
        ),
    )(te, xg, wrow, fc1_w, fc1_b, fc2_w, fc2_b)


def _combine_body(yg_ref, pos_ref, out_ref, pidx, rowsA, rowsB, sem):
    cid = lax.axis_index("c")
    sid = lax.axis_index("s")
    wid = sid * 2 + cid
    t0 = wid * _TPW

    pltpu.sync_copy(pos_ref.at[0, pl.ds(t0, _TPW)], pidx.at[0])
    pltpu.sync_copy(pos_ref.at[1, pl.ds(t0, _TPW)], pidx.at[1])
    cA = pltpu.async_copy(yg_ref.at[pidx.at[0]], rowsA, sem)
    cB = pltpu.async_copy(yg_ref.at[pidx.at[1]], rowsB, sem)
    cA.wait()
    cB.wait()

    def body(t, carry):
        for k in range(D // 16):
            a = rowsA[t, pl.ds(16 * k, 16)]
            b = rowsB[t, pl.ds(16 * k, 16)]
            rowsA[t, pl.ds(16 * k, 16)] = a + b
        return carry

    jax.lax.fori_loop(0, _TPW, body, 0)
    pltpu.sync_copy(rowsA, out_ref.at[pl.ds(t0, _TPW)])


def _combine(yg, pos2t):
    mesh = plsc.VectorSubcoreMesh(core_axis_name="c", subcore_axis_name="s")
    fn = functools.partial(
        pl.kernel,
        mesh=mesh,
        out_type=jax.ShapeDtypeStruct((T, D), jnp.float32),
        scratch_types=[
            pltpu.VMEM((2, _TPW), jnp.int32),
            pltpu.VMEM((_TPW, D), jnp.float32),
            pltpu.VMEM((_TPW, D), jnp.float32),
            pltpu.SemaphoreType.DMA,
        ],
    )(_combine_body)
    return fn(yg, pos2t)


def kernel(x, router_w, router_b, fc1_w, fc1_b, fc2_w, fc2_b):
    B = x.shape[0]
    x2d = x.reshape(T, D)
    wcat, pos, te = _prep(x2d, router_w, router_b)
    xg, wrow = _dispatch(pos, wcat, x2d)
    yg = _ffn(te.reshape(NTE), xg, wrow.reshape(NR, 1),
              fc1_w, fc1_b, fc2_w, fc2_b)
    out = _combine(yg, pos)
    return out.reshape(B, T, D)

# --- scband reference (transcript-rebuilt; emitter-appended) ---
"""Pipeline reference for scband-evolution-block-51445118271944 (READ-ONLY COPY).

The authoritative reference and input builder live on the scoring server;
editing this copy changes nothing except your own understanding.
"""

import jax, jax.numpy as jnp
import numpy as np

E = 8       # n_experts
K = 2       # top_k
D = 768     # d_model
H = 768     # expert hidden (swiglu -> fc1 out = 2*H)
B = 1
T = 2048
TEMP = 1.0


def setup_inputs(seed: int = 0) -> dict:
    key = jax.random.key(seed)
    ks = jax.random.split(key, 6)
    x = jax.random.normal(ks[0], (B, T, D), dtype=jnp.float32)
    router_w = jax.random.normal(ks[1], (E, D), dtype=jnp.float32) * 0.02
    router_b = jnp.zeros((E,), dtype=jnp.float32)
    fc1_w = jax.random.normal(ks[2], (E, 2 * H, D), dtype=jnp.float32) * 0.02
    fc1_b = jnp.zeros((E, 2 * H), dtype=jnp.float32)
    fc2_w = jax.random.normal(ks[3], (E, D, H), dtype=jnp.float32) * 0.02
    fc2_b = jnp.zeros((E, D), dtype=jnp.float32)
    return {
        "x": x,
        "router_w": router_w,
        "router_b": router_b,
        "fc1_w": fc1_w,
        "fc1_b": fc1_b,
        "fc2_w": fc2_w,
        "fc2_b": fc2_b,
    }


def _swiglu(h):
    h1, h2 = jnp.split(h, 2, axis=-1)
    return jax.nn.silu(h1) * h2


def reference(x, router_w, router_b, fc1_w, fc1_b, fc2_w, fc2_b):
    # Router (nn.Linear: y = x @ W.T + b), divided by temperature
    logits = (x @ router_w.T + router_b) / TEMP          # [B, T, E]
    topk_val, topk_idx = jax.lax.top_k(logits, K)        # [B, T, K]
    weights = jax.nn.softmax(topk_val, axis=-1)          # [B, T, K]

    # Expert = DenseFFN with swiglu: fc2(silu(h1) * h2) where [h1,h2] = fc1(x)
    expert_outs = []
    for e in range(E):
        h = x @ fc1_w[e].T + fc1_b[e]                    # [B, T, 2H]
        h = _swiglu(h)                                   # [B, T, H]
        expert_outs.append(h @ fc2_w[e].T + fc2_b[e])    # [B, T, D]
    expert_outs = jnp.stack(expert_outs, axis=0)         # [E, B, T, D]

    # Combine per top-k slot: mask-select (math-equivalent to torch index_put dispatch)
    outputs = jnp.zeros_like(x)
    for pos in range(K):
        idx = topk_idx[..., pos]                         # [B, T]
        w = weights[..., pos][..., None]                 # [B, T, 1]
        sel = jnp.zeros_like(x)
        for e in range(E):
            mask = (idx == e)[..., None].astype(x.dtype)
            sel = sel + mask * expert_outs[e]
        outputs = outputs + sel * w
    return outputs

if __name__ == "__main__":
    import jax
    _d = setup_inputs()
    print(jax.jit(kernel)(*tuple(_d.values())))

</pallas_src>

<mosaic_0001>
#map = affine_map<(d0, d1) -> (0, 0)>
#map1 = affine_map<(d0, d1) -> (0)>
module attributes {stable_mosaic.version = 14 : i64} {
  func.func @_dispatch_body(%arg0: i32, %arg1: i32, %arg2: memref<2x2048xi32, #tpu.memory_space<hbm>>, %arg3: memref<2x2048xf32, #tpu.memory_space<hbm>>, %arg4: memref<2048x768xf32, #tpu.memory_space<hbm>>, %arg5: memref<5120x768xf32, #tpu.memory_space<hbm>>, %arg6: memref<5120xf32, #tpu.memory_space<hbm>>, %arg7: memref<2x64xi32, #tpu.memory_space<vmem>>, %arg8: memref<2x64xf32, #tpu.memory_space<vmem>>, %arg9: memref<64x768xf32, #tpu.memory_space<vmem>>, %arg10: memref<!tpu.dma_semaphore, #tpu.memory_space<semaphore_mem>>) attributes {dimension_semantics = [#tpu.dimension_semantics<core_parallel>, #tpu.dimension_semantics<subcore_parallel>], iteration_bounds = array<i64: 2, 16>, scalar_prefetch = 0 : i64, scratch_operands = 4 : i64, tpu.core_type = #tpu.core_type<sc_vector_subcore>, window_params = [{transform_indices = #map}, {transform_indices = #map}, {transform_indices = #map}, {transform_indices = #map}, {transform_indices = #map1}]} {
    %mul3A = arith.constant 2 : i32
    %mul3A_0 = arith.muli %arg1, %mul3A : i32
    %add3A = arith.addi %mul3A_0, %arg0 : i32
    %mul3A_1 = arith.constant 64 : i32
    %mul3A_2 = arith.muli %add3A, %mul3A_1 : i32
    %run_scoped3A = arith.constant 0 : i32
    %run_scoped3A_3 = arith.constant 0 : i32
    "tpu.region"() ({
      %run_scoped3A_76 = tpu.sem_alloc : memref<!tpu.dma_semaphore, #tpu.memory_space<semaphore_mem>>
      %dma_start3A_77 = arith.constant 0 : i32
      %dma_start3A_78 = tpu.memref_slice %arg7[%run_scoped3A_3, %dma_start3A_77] : memref<2x64xi32, #tpu.memory_space<vmem>> -> memref<1x64xi32, #tpu.memory_space<vmem>>
      %dma_start3A_79 = tpu.memref_squeeze %dma_start3A_78 : memref<1x64xi32, #tpu.memory_space<vmem>> -> memref<64xi32, #tpu.memory_space<vmem>>
      %dma_start3A_80 = tpu.memref_slice %arg2[%run_scoped3A, %mul3A_2] : memref<2x2048xi32, #tpu.memory_space<hbm>> -> memref<1x64xi32, #tpu.memory_space<hbm>>
      %dma_start3A_81 = tpu.memref_squeeze %dma_start3A_80 : memref<1x64xi32, #tpu.memory_space<hbm>> -> memref<64xi32, #tpu.memory_space<hbm>>
      %dma_start3A_82 = arith.constant 0 : i32
      %dma_start3A_83 = tpu.memref_slice %arg7[%run_scoped3A_3, %dma_start3A_82] : memref<2x64xi32, #tpu.memory_space<vmem>> -> memref<1x64xi32, #tpu.memory_space<vmem>>
      %dma_start3A_84 = tpu.memref_squeeze %dma_start3A_83 : memref<1x64xi32, #tpu.memory_space<vmem>> -> memref<64xi32, #tpu.memory_space<vmem>>
      %dma_start3A_85 = tpu.memref_slice %arg2[%run_scoped3A, %mul3A_2] : memref<2x2048xi32, #tpu.memory_space<hbm>> -> memref<1x64xi32, #tpu.memory_space<hbm>>
      %dma_start3A_86 = tpu.memref_squeeze %dma_start3A_85 : memref<1x64xi32, #tpu.memory_space<hbm>> -> memref<64xi32, #tpu.memory_space<hbm>>
      tpu.enqueue_dma source(%dma_start3A_86 : memref<64xi32, #tpu.memory_space<hbm>>) target(%dma_start3A_84 : memref<64xi32, #tpu.memory_space<vmem>>) target_semaphore(%run_scoped3A_76 : memref<!tpu.dma_semaphore, #tpu.memory_space<semaphore_mem>>)
      %dma_wait3A_87 = arith.constant 0 : i32
      %dma_wait3A_88 = tpu.memref_slice %arg7[%run_scoped3A_3, %dma_wait3A_87] : memref<2x64xi32, #tpu.memory_space<vmem>> -> memref<1x64xi32, #tpu.memory_space<vmem>>
      %dma_wait3A_89 = tpu.memref_squeeze %dma_wait3A_88 : memref<1x64xi32, #tpu.memory_space<vmem>> -> memref<64xi32, #tpu.memory_space<vmem>>
      %dma_wait3A_90 = tpu.memref_slice %arg2[%run_scoped3A, %mul3A_2] : memref<2x2048xi32, #tpu.memory_space<hbm>> -> memref<1x64xi32, #tpu.memory_space<hbm>>
      %dma_wait3A_91 = tpu.memref_squeeze %dma_wait3A_90 : memref<1x64xi32, #tpu.memory_space<hbm>> -> memref<64xi32, #tpu.memory_space<hbm>>
      %dma_wait3A_92 = arith.constant 0 : i32
      %dma_wait3A_93 = tpu.memref_slice %arg7[%run_scoped3A_3, %dma_wait3A_92] : memref<2x64xi32, #tpu.memory_space<vmem>> -> memref<1x64xi32, #tpu.memory_space<vmem>>
      %dma_wait3A_94 = tpu.memref_squeeze %dma_wait3A_93 : memref<1x64xi32, #tpu.memory_space<vmem>> -> memref<64xi32, #tpu.memory_space<vmem>>
      %dma_wait3A_95 = tpu.memref_slice %arg2[%run_scoped3A, %mul3A_2] : memref<2x2048xi32, #tpu.memory_space<hbm>> -> memref<1x64xi32, #tpu.memory_space<hbm>>
      %dma_wait3A_96 = tpu.memref_squeeze %dma_wait3A_95 : memref<1x64xi32, #tpu.memory_space<hbm>> -> memref<64xi32, #tpu.memory_space<hbm>>
      tpu.wait_dma2 semaphore(%run_scoped3A_76 : memref<!tpu.dma_semaphore, #tpu.memory_space<semaphore_mem>>) src(%dma_wait3A_96 : memref<64xi32, #tpu.memory_space<hbm>>) dst(%dma_wait3A_94 : memref<64xi32, #tpu.memory_space<vmem>>)
      tpu.yield
    }) : () -> ()
    %run_scoped3A_4 = arith.constant 1 : i32
    %run_scoped3A_5 = arith.constant 1 : i32
    "tpu.region"() ({
      %run_scoped3A_76 = tpu.sem_alloc : memref<!tpu.dma_semaphore, #tpu.memory_space<semaphore_mem>>
      %dma_start3A_77 = arith.constant 0 : i32
      %dma_start3A_78 = tpu.memref_slice %arg7[%run_scoped3A_5, %dma_start3A_77] : memref<2x64xi32, #tpu.memory_space<vmem>> -> memref<1x64xi32, #tpu.memory_space<vmem>>
      %dma_start3A_79 = tpu.memref_squeeze %dma_start3A_78 : memref<1x64xi32, #tpu.memory_space<vmem>> -> memref<64xi32, #tpu.memory_space<vmem>>
      %dma_start3A_80 = tpu.memref_slice %arg2[%run_scoped3A_4, %mul3A_2] : memref<2x2048xi32, #tpu.memory_space<hbm>> -> memref<1x64xi32, #tpu.memory_space<hbm>>
      %dma_start3A_81 = tpu.memref_squeeze %dma_start3A_80 : memref<1x64xi32, #tpu.memory_space<hbm>> -> memref<64xi32, #tpu.memory_space<hbm>>
      %dma_start3A_82 = arith.constant 0 : i32
      %dma_start3A_83 = tpu.memref_slice %arg7[%run_scoped3A_5, %dma_start3A_82] : memref<2x64xi32, #tpu.memory_space<vmem>> -> memref<1x64xi32, #tpu.memory_space<vmem>>
      %dma_start3A_84 = tpu.memref_squeeze %dma_start3A_83 : memref<1x64xi32, #tpu.memory_space<vmem>> -> memref<64xi32, #tpu.memory_space<vmem>>
      %dma_start3A_85 = tpu.memref_slice %arg2[%run_scoped3A_4, %mul3A_2] : memref<2x2048xi32, #tpu.memory_space<hbm>> -> memref<1x64xi32, #tpu.memory_space<hbm>>
      %dma_start3A_86 = tpu.memref_squeeze %dma_start3A_85 : memref<1x64xi32, #tpu.memory_space<hbm>> -> memref<64xi32, #tpu.memory_space<hbm>>
      tpu.enqueue_dma source(%dma_start3A_86 : memref<64xi32, #tpu.memory_space<hbm>>) target(%dma_start3A_84 : memref<64xi32, #tpu.memory_space<vmem>>) target_semaphore(%run_scoped3A_76 : memref<!tpu.dma_semaphore, #tpu.memory_space<semaphore_mem>>)
      %dma_wait3A_87 = arith.constant 0 : i32
      %dma_wait3A_88 = tpu.memref_slice %arg7[%run_scoped3A_5, %dma_wait3A_87] : memref<2x64xi32, #tpu.memory_space<vmem>> -> memref<1x64xi32, #tpu.memory_space<vmem>>
      %dma_wait3A_89 = tpu.memref_squeeze %dma_wait3A_88 : memref<1x64xi32, #tpu.memory_space<vmem>> -> memref<64xi32, #tpu.memory_space<vmem>>
      %dma_wait3A_90 = tpu.memref_slice %arg2[%run_scoped3A_4, %mul3A_2] : memref<2x2048xi32, #tpu.memory_space<hbm>> -> memref<1x64xi32, #tpu.memory_space<hbm>>
      %dma_wait3A_91 = tpu.memref_squeeze %dma_wait3A_90 : memref<1x64xi32, #tpu.memory_space<hbm>> -> memref<64xi32, #tpu.memory_space<hbm>>
      %dma_wait3A_92 = arith.constant 0 : i32
      %dma_wait3A_93 = tpu.memref_slice %arg7[%run_scoped3A_5, %dma_wait3A_92] : memref<2x64xi32, #tpu.memory_space<vmem>> -> memref<1x64xi32, #tpu.memory_space<vmem>>
      %dma_wait3A_94 = tpu.memref_squeeze %dma_wait3A_93 : memref<1x64xi32, #tpu.memory_space<vmem>> -> memref<64xi32, #tpu.memory_space<vmem>>
      %dma_wait3A_95 = tpu.memref_slice %arg2[%run_scoped3A_4, %mul3A_2] : memref<2x2048xi32, #tpu.memory_space<hbm>> -> memref<1x64xi32, #tpu.memory_space<hbm>>
      %dma_wait3A_96 = tpu.memref_squeeze %dma_wait3A_95 : memref<1x64xi32, #tpu.memory_space<hbm>> -> memref<64xi32, #tpu.memory_space<hbm>>
      tpu.wait_dma2 semaphore(%run_scoped3A_76 : memref<!tpu.dma_semaphore, #tpu.memory_space<semaphore_mem>>) src(%dma_wait3A_96 : memref<64xi32, #tpu.memory_space<hbm>>) dst(%dma_wait3A_94 : memref<64xi32, #tpu.memory_space<vmem>>)
      tpu.yield
    }) : () -> ()
    %run_scoped3A_6 = arith.constant 0 : i32
    %run_scoped3A_7 = arith.constant 0 : i32
    "tpu.region"() ({
      %run_scoped3A_76 = tpu.sem_alloc : memref<!tpu.dma_semaphore, #tpu.memory_space<semaphore_mem>>
      %dma_start3A_77 = arith.constant 0 : i32
      %dma_start3A_78 = tpu.memref_slice %arg8[%run_scoped3A_7, %dma_start3A_77] : memref<2x64xf32, #tpu.memory_space<vmem>> -> memref<1x64xf32, #tpu.memory_space<vmem>>
      %dma_start3A_79 = tpu.memref_squeeze %dma_start3A_78 : memref<1x64xf32, #tpu.memory_space<vmem>> -> memref<64xf32, #tpu.memory_space<vmem>>
      %dma_start3A_80 = tpu.memref_slice %arg3[%run_scoped3A_6, %mul3A_2] : memref<2x2048xf32, #tpu.memory_space<hbm>> -> memref<1x64xf32, #tpu.memory_space<hbm>>
      %dma_start3A_81 = tpu.memref_squeeze %dma_start3A_80 : memref<1x64xf32, #tpu.memory_space<hbm>> -> memref<64xf32, #tpu.memory_space<hbm>>
      %dma_start3A_82 = arith.constant 0 : i32
      %dma_start3A_83 = tpu.memref_slice %arg8[%run_scoped3A_7, %dma_start3A_82] : memref<2x64xf32, #tpu.memory_space<vmem>> -> memref<1x64xf32, #tpu.memory_space<vmem>>
      %dma_start3A_84 = tpu.memref_squeeze %dma_start3A_83 : memref<1x64xf32, #tpu.memory_space<vmem>> -> memref<64xf32, #tpu.memory_space<vmem>>
      %dma_start3A_85 = tpu.memref_slice %arg3[%run_scoped3A_6, %mul3A_2] : memref<2x2048xf32, #tpu.memory_space<hbm>> -> memref<1x64xf32, #tpu.memory_space<hbm>>
      %dma_start3A_86 = tpu.memref_squeeze %dma_start3A_85 : memref<1x64xf32, #tpu.memory_space<hbm>> -> memref<64xf32, #tpu.memory_space<hbm>>
      tpu.enqueue_dma source(%dma_start3A_86 : memref<64xf32, #tpu.memory_space<hbm>>) target(%dma_start3A_84 : memref<64xf32, #tpu.memory_space<vmem>>) target_semaphore(%run_scoped3A_76 : memref<!tpu.dma_semaphore, #tpu.memory_space<semaphore_mem>>)
      %dma_wait3A_87 = arith.constant 0 : i32
      %dma_wait3A_88 = tpu.memref_slice %arg8[%run_scoped3A_7, %dma_wait3A_87] : memref<2x64xf32, #tpu.memory_space<vmem>> -> memref<1x64xf32, #tpu.memory_space<vmem>>
      %dma_wait3A_89 = tpu.memref_squeeze %dma_wait3A_88 : memref<1x64xf32, #tpu.memory_space<vmem>> -> memref<64xf32, #tpu.memory_space<vmem>>
      %dma_wait3A_90 = tpu.memref_slice %arg3[%run_scoped3A_6, %mul3A_2] : memref<2x2048xf32, #tpu.memory_space<hbm>> -> memref<1x64xf32, #tpu.memory_space<hbm>>
      %dma_wait3A_91 = tpu.memref_squeeze %dma_wait3A_90 : memref<1x64xf32, #tpu.memory_space<hbm>> -> memref<64xf32, #tpu.memory_space<hbm>>
      %dma_wait3A_92 = arith.constant 0 : i32
      %dma_wait3A_93 = tpu.memref_slice %arg8[%run_scoped3A_7, %dma_wait3A_92] : memref<2x64xf32, #tpu.memory_space<vmem>> -> memref<1x64xf32, #tpu.memory_space<vmem>>
      %dma_wait3A_94 = tpu.memref_squeeze %dma_wait3A_93 : memref<1x64xf32, #tpu.memory_space<vmem>> -> memref<64xf32, #tpu.memory_space<vmem>>
      %dma_wait3A_95 = tpu.memref_slice %arg3[%run_scoped3A_6, %mul3A_2] : memref<2x2048xf32, #tpu.memory_space<hbm>> -> memref<1x64xf32, #tpu.memory_space<hbm>>
      %dma_wait3A_96 = tpu.memref_squeeze %dma_wait3A_95 : memref<1x64xf32, #tpu.memory_space<hbm>> -> memref<64xf32, #tpu.memory_space<hbm>>
      tpu.wait_dma2 semaphore(%run_scoped3A_76 : memref<!tpu.dma_semaphore, #tpu.memory_space<semaphore_mem>>) src(%dma_wait3A_96 : memref<64xf32, #tpu.memory_space<hbm>>) dst(%dma_wait3A_94 : memref<64xf32, #tpu.memory_space<vmem>>)
      tpu.yield
    }) : () -> ()
    %run_scoped3A_8 = arith.constant 1 : i32
    %run_scoped3A_9 = arith.constant 1 : i32
    "tpu.region"() ({
      %run_scoped3A_76 = tpu.sem_alloc : memref<!tpu.dma_semaphore, #tpu.memory_space<semaphore_mem>>
      %dma_start3A_77 = arith.constant 0 : i32
      %dma_start3A_78 = tpu.memref_slice %arg8[%run_scoped3A_9, %dma_start3A_77] : memref<2x64xf32, #tpu.memory_space<vmem>> -> memref<1x64xf32, #tpu.memory_space<vmem>>
      %dma_start3A_79 = tpu.memref_squeeze %dma_start3A_78 : memref<1x64xf32, #tpu.memory_space<vmem>> -> memref<64xf32, #tpu.memory_space<vmem>>
      %dma_start3A_80 = tpu.memref_slice %arg3[%run_scoped3A_8, %mul3A_2] : memref<2x2048xf32, #tpu.memory_space<hbm>> -> memref<1x64xf32, #tpu.memory_space<hbm>>
      %dma_start3A_81 = tpu.memref_squeeze %dma_start3A_80 : memref<1x64xf32, #tpu.memory_space<hbm>> -> memref<64xf32, #tpu.memory_space<hbm>>
      %dma_start3A_82 = arith.constant 0 : i32
      %dma_start3A_83 = tpu.memref_slice %arg8[%run_scoped3A_9, %dma_start3A_82] : memref<2x64xf32, #tpu.memory_space<vmem>> -> memref<1x64xf32, #tpu.memory_space<vmem>>
      %dma_start3A_84 = tpu.memref_squeeze %dma_start3A_83 : memref<1x64xf32, #tpu.memory_space<vmem>> -> memref<64xf32, #tpu.memory_space<vmem>>
      %dma_start3A_85 = tpu.memref_slice %arg3[%run_scoped3A_8, %mul3A_2] : memref<2x2048xf32, #tpu.memory_space<hbm>> -> memref<1x64xf32, #tpu.memory_space<hbm>>
      %dma_start3A_86 = tpu.memref_squeeze %dma_start3A_85 : memref<1x64xf32, #tpu.memory_space<hbm>> -> memref<64xf32, #tpu.memory_space<hbm>>
      tpu.enqueue_dma source(%dma_start3A_86 : memref<64xf32, #tpu.memory_space<hbm>>) target(%dma_start3A_84 : memref<64xf32, #tpu.memory_space<vmem>>) target_semaphore(%run_scoped3A_76 : memref<!tpu.dma_semaphore, #tpu.memory_space<semaphore_mem>>)
      %dma_wait3A_87 = arith.constant 0 : i32
      %dma_wait3A_88 = tpu.memref_slice %arg8[%run_scoped3A_9, %dma_wait3A_87] : memref<2x64xf32, #tpu.memory_space<vmem>> -> memref<1x64xf32, #tpu.memory_space<vmem>>
      %dma_wait3A_89 = tpu.memref_squeeze %dma_wait3A_88 : memref<1x64xf32, #tpu.memory_space<vmem>> -> memref<64xf32, #tpu.memory_space<vmem>>
      %dma_wait3A_90 = tpu.memref_slice %arg3[%run_scoped3A_8, %mul3A_2] : memref<2x2048xf32, #tpu.memory_space<hbm>> -> memref<1x64xf32, #tpu.memory_space<hbm>>
      %dma_wait3A_91 = tpu.memref_squeeze %dma_wait3A_90 : memref<1x64xf32, #tpu.memory_space<hbm>> -> memref<64xf32, #tpu.memory_space<hbm>>
      %dma_wait3A_92 = arith.constant 0 : i32
      %dma_wait3A_93 = tpu.memref_slice %arg8[%run_scoped3A_9, %dma_wait3A_92] : memref<2x64xf32, #tpu.memory_space<vmem>> -> memref<1x64xf32, #tpu.memory_space<vmem>>
      %dma_wait3A_94 = tpu.memref_squeeze %dma_wait3A_93 : memref<1x64xf32, #tpu.memory_space<vmem>> -> memref<64xf32, #tpu.memory_space<vmem>>
      %dma_wait3A_95 = tpu.memref_slice %arg3[%run_scoped3A_8, %mul3A_2] : memref<2x2048xf32, #tpu.memory_space<hbm>> -> memref<1x64xf32, #tpu.memory_space<hbm>>
      %dma_wait3A_96 = tpu.memref_squeeze %dma_wait3A_95 : memref<1x64xf32, #tpu.memory_space<hbm>> -> memref<64xf32, #tpu.memory_space<hbm>>
      tpu.wait_dma2 semaphore(%run_scoped3A_76 : memref<!tpu.dma_semaphore, #tpu.memory_space<semaphore_mem>>) src(%dma_wait3A_96 : memref<64xf32, #tpu.memory_space<hbm>>) dst(%dma_wait3A_94 : memref<64xf32, #tpu.memory_space<vmem>>)
      tpu.yield
    }) : () -> ()
    "tpu.region"() ({
      %run_scoped3A_76 = tpu.sem_alloc : memref<!tpu.dma_semaphore, #tpu.memory_space<semaphore_mem>>
      %dma_start3A_77 = arith.constant 0 : i32
      %dma_start3A_78 = tpu.memref_slice %arg4[%mul3A_2, %dma_start3A_77] : memref<2048x768xf32, #tpu.memory_space<hbm>> -> memref<64x768xf32, #tpu.memory_space<hbm>>
      %dma_start3A_79 = arith.constant 0 : i32
      %dma_start3A_80 = tpu.memref_slice %arg4[%mul3A_2, %dma_start3A_79] : memref<2048x768xf32, #tpu.memory_space<hbm>> -> memref<64x768xf32, #tpu.memory_space<hbm>>
      tpu.enqueue_dma source(%dma_start3A_80 : memref<64x768xf32, #tpu.memory_space<hbm>>) target(%arg9 : memref<64x768xf32, #tpu.memory_space<vmem>>) target_semaphore(%run_scoped3A_76 : memref<!tpu.dma_semaphore, #tpu.memory_space<semaphore_mem>>)
      %dma_wait3A_81 = arith.constant 0 : i32
      %dma_wait3A_82 = tpu.memref_slice %arg4[%mul3A_2, %dma_wait3A_81] : memref<2048x768xf32, #tpu.memory_space<hbm>> -> memref<64x768xf32, #tpu.memory_space<hbm>>
      %dma_wait3A_83 = arith.constant 0 : i32
      %dma_wait3A_84 = tpu.memref_slice %arg4[%mul3A_2, %dma_wait3A_83] : memref<2048x768xf32, #tpu.memory_space<hbm>> -> memref<64x768xf32, #tpu.memory_space<hbm>>
      tpu.wait_dma2 semaphore(%run_scoped3A_76 : memref<!tpu.dma_semaphore, #tpu.memory_space<semaphore_mem>>) src(%dma_wait3A_84 : memref<64x768xf32, #tpu.memory_space<hbm>>) dst(%arg9 : memref<64x768xf32, #tpu.memory_space<vmem>>)
      tpu.yield
    }) : () -> ()
    %dma_start3A = arith.constant 0 : i32
    %dma_start3A_10 = arith.constant 0 : i32
    %dma_start3A_11 = tpu.memref_slice %arg7[%dma_start3A, %dma_start3A_10] : memref<2x64xi32, #tpu.memory_space<vmem>> -> memref<1x64xi32, #tpu.memory_space<vmem>>
    %dma_start3A_12 = tpu.memref_squeeze %dma_start3A_11 : memref<1x64xi32, #tpu.memory_space<vmem>> -> memref<64xi32, #tpu.memory_space<vmem>>
    %dma_start3A_13 = arith.constant 0 : i32
    %dma_start3A_14 = arith.constant 0 : i32
    %dma_start3A_15 = tpu.memref_slice %arg5[%dma_start3A_13, %dma_start3A_14] : memref<5120x768xf32, #tpu.memory_space<hbm>> -> memref<5120x768xf32, #tpu.memory_space<hbm>>
    tpu.enqueue_indirect_dma source(%arg9 : memref<64x768xf32, #tpu.memory_space<vmem>>) target(%dma_start3A_15 : memref<5120x768xf32, #tpu.memory_space<hbm>>) offsets(%dma_start3A_12 : memref<64xi32, #tpu.memory_space<vmem>>) semaphore(%arg10 : memref<!tpu.dma_semaphore, #tpu.memory_space<semaphore_mem>>)
    %dma_start3A_16 = arith.constant 1 : i32
    %dma_start3A_17 = arith.constant 0 : i32
    %dma_start3A_18 = tpu.memref_slice %arg7[%dma_start3A_16, %dma_start3A_17] : memref<2x64xi32, #tpu.memory_space<vmem>> -> memref<1x64xi32, #tpu.memory_space<vmem>>
    %dma_start3A_19 = tpu.memref_squeeze %dma_start3A_18 : memref<1x64xi32, #tpu.memory_space<vmem>> -> memref<64xi32, #tpu.memory_space<vmem>>
    %dma_start3A_20 = arith.constant 0 : i32
    %dma_start3A_21 = arith.constant 0 : i32
    %dma_start3A_22 = tpu.memref_slice %arg5[%dma_start3A_20, %dma_start3A_21] : memref<5120x768xf32, #tpu.memory_space<hbm>> -> memref<5120x768xf32, #tpu.memory_space<hbm>>
    tpu.enqueue_indirect_dma source(%arg9 : memref<64x768xf32, #tpu.memory_space<vmem>>) target(%dma_start3A_22 : memref<5120x768xf32, #tpu.memory_space<hbm>>) offsets(%dma_start3A_19 : memref<64xi32, #tpu.memory_space<vmem>>) semaphore(%arg10 : memref<!tpu.dma_semaphore, #tpu.memory_space<semaphore_mem>>)
    %dma_start3A_23 = arith.constant 0 : i32
    %dma_start3A_24 = arith.constant 0 : i32
    %dma_start3A_25 = arith.constant 0 : i32
    %dma_start3A_26 = tpu.memref_slice %arg8[%dma_start3A_23, %dma_start3A_25] : memref<2x64xf32, #tpu.memory_space<vmem>> -> memref<1x64xf32, #tpu.memory_space<vmem>>
    %dma_start3A_27 = tpu.memref_squeeze %dma_start3A_26 : memref<1x64xf32, #tpu.memory_space<vmem>> -> memref<64xf32, #tpu.memory_space<vmem>>
    %dma_start3A_28 = arith.constant 0 : i32
    %dma_start3A_29 = tpu.memref_slice %arg7[%dma_start3A_24, %dma_start3A_28] : memref<2x64xi32, #tpu.memory_space<vmem>> -> memref<1x64xi32, #tpu.memory_space<vmem>>
    %dma_start3A_30 = tpu.memref_squeeze %dma_start3A_29 : memref<1x64xi32, #tpu.memory_space<vmem>> -> memref<64xi32, #tpu.memory_space<vmem>>
    %dma_start3A_31 = arith.constant 0 : i32
    %dma_start3A_32 = tpu.memref_slice %arg6[%dma_start3A_31] : memref<5120xf32, #tpu.memory_space<hbm>> -> memref<5120xf32, #tpu.memory_space<hbm>>
    tpu.enqueue_indirect_dma source(%dma_start3A_27 : memref<64xf32, #tpu.memory_space<vmem>>) target(%dma_start3A_32 : memref<5120xf32, #tpu.memory_space<hbm>>) offsets(%dma_start3A_30 : memref<64xi32, #tpu.memory_space<vmem>>) semaphore(%arg10 : memref<!tpu.dma_semaphore, #tpu.memory_space<semaphore_mem>>)
    %dma_start3A_33 = arith.constant 1 : i32
    %dma_start3A_34 = arith.constant 1 : i32
    %dma_start3A_35 = arith.constant 0 : i32
    %dma_start3A_36 = tpu.memref_slice %arg8[%dma_start3A_33, %dma_start3A_35] : memref<2x64xf32, #tpu.memory_space<vmem>> -> memref<1x64xf32, #tpu.memory_space<vmem>>
    %dma_start3A_37 = tpu.memref_squeeze %dma_start3A_36 : memref<1x64xf32, #tpu.memory_space<vmem>> -> memref<64xf32, #tpu.memory_space<vmem>>
    %dma_start3A_38 = arith.constant 0 : i32
    %dma_start3A_39 = tpu.memref_slice %arg7[%dma_start3A_34, %dma_start3A_38] : memref<2x64xi32, #tpu.memory_space<vmem>> -> memref<1x64xi32, #tpu.memory_space<vmem>>
    %dma_start3A_40 = tpu.memref_squeeze %dma_start3A_39 : memref<1x64xi32, #tpu.memory_space<vmem>> -> memref<64xi32, #tpu.memory_space<vmem>>
    %dma_start3A_41 = arith.constant 0 : i32
    %dma_start3A_42 = tpu.memref_slice %arg6[%dma_start3A_41] : memref<5120xf32, #tpu.memory_space<hbm>> -> memref<5120xf32, #tpu.memory_space<hbm>>
    tpu.enqueue_indirect_dma source(%dma_start3A_37 : memref<64xf32, #tpu.memory_space<vmem>>) target(%dma_start3A_42 : memref<5120xf32, #tpu.memory_space<hbm>>) offsets(%dma_start3A_40 : memref<64xi32, #tpu.memory_space<vmem>>) semaphore(%arg10 : memref<!tpu.dma_semaphore, #tpu.memory_space<semaphore_mem>>)
    %dma_wait3A = arith.constant 0 : i32
    %dma_wait3A_43 = arith.constant 0 : i32
    %dma_wait3A_44 = tpu.memref_slice %arg7[%dma_wait3A, %dma_wait3A_43] : memref<2x64xi32, #tpu.memory_space<vmem>> -> memref<1x64xi32, #tpu.memory_space<vmem>>
    %dma_wait3A_45 = tpu.memref_squeeze %dma_wait3A_44 : memref<1x64xi32, #tpu.memory_space<vmem>> -> memref<64xi32, #tpu.memory_space<vmem>>
    %dma_wait3A_46 = arith.constant 0 : i32
    %dma_wait3A_47 = arith.constant 0 : i32
    %dma_wait3A_48 = tpu.memref_slice %arg5[%dma_wait3A_46, %dma_wait3A_47] : memref<5120x768xf32, #tpu.memory_space<hbm>> -> memref<5120x768xf32, #tpu.memory_space<hbm>>
    tpu.wait_indirect_dma semaphore(%arg10 : memref<!tpu.dma_semaphore, #tpu.memory_space<semaphore_mem>>) src(%arg9 : memref<64x768xf32, #tpu.memory_space<vmem>>) dst(%dma_wait3A_48 : memref<5120x768xf32, #tpu.memory_space<hbm>>)
    %dma_wait3A_49 = arith.constant 1 : i32
    %dma_wait3A_50 = arith.constant 0 : i32
    %dma_wait3A_51 = tpu.memref_slice %arg7[%dma_wait3A_49, %dma_wait3A_50] : memref<2x64xi32, #tpu.memory_space<vmem>> -> memref<1x64xi32, #tpu.memory_space<vmem>>
    %dma_wait3A_52 = tpu.memref_squeeze %dma_wait3A_51 : memref<1x64xi32, #tpu.memory_space<vmem>> -> memref<64xi32, #tpu.memory_space<vmem>>
    %dma_wait3A_53 = arith.constant 0 : i32
    %dma_wait3A_54 = arith.constant 0 : i32
    %dma_wait3A_55 = tpu.memref_slice %arg5[%dma_wait3A_53, %dma_wait3A_54] : memref<5120x768xf32, #tpu.memory_space<hbm>> -> memref<5120x768xf32, #tpu.memory_space<hbm>>
    tpu.wait_indirect_dma semaphore(%arg10 : memref<!tpu.dma_semaphore, #tpu.memory_space<semaphore_mem>>) src(%arg9 : memref<64x768xf32, #tpu.memory_space<vmem>>) dst(%dma_wait3A_55 : memref<5120x768xf32, #tpu.memory_space<hbm>>)
    %dma_wait3A_56 = arith.constant 0 : i32
    %dma_wait3A_57 = arith.constant 0 : i32
    %dma_wait3A_58 = arith.constant 0 : i32
    %dma_wait3A_59 = tpu.memref_slice %arg8[%dma_wait3A_56, %dma_wait3A_58] : memref<2x64xf32, #tpu.memory_space<vmem>> -> memref<1x64xf32, #tpu.memory_space<vmem>>
    %dma_wait3A_60 = tpu.memref_squeeze %dma_wait3A_59 : memref<1x64xf32, #tpu.memory_space<vmem>> -> memref<64xf32, #tpu.memory_space<vmem>>
    %dma_wait3A_61 = arith.constant 0 : i32
    %dma_wait3A_62 = tpu.memref_slice %arg7[%dma_wait3A_57, %dma_wait3A_61] : memref<2x64xi32, #tpu.memory_space<vmem>> -> memref<1x64xi32, #tpu.memory_space<vmem>>
    %dma_wait3A_63 = tpu.memref_squeeze %dma_wait3A_62 : memref<1x64xi32, #tpu.memory_space<vmem>> -> memref<64xi32, #tpu.memory_space<vmem>>
    %dma_wait3A_64 = arith.constant 0 : i32
    %dma_wait3A_65 = tpu.memref_slice %arg6[%dma_wait3A_64] : memref<5120xf32, #tpu.memory_space<hbm>> -> memref<5120xf32, #tpu.memory_space<hbm>>
    tpu.wait_indirect_dma semaphore(%arg10 : memref<!tpu.dma_semaphore, #tpu.memory_space<semaphore_mem>>) src(%dma_wait3A_60 : memref<64xf32, #tpu.memory_space<vmem>>) dst(%dma_wait3A_65 : memref<5120xf32, #tpu.memory_space<hbm>>)
    %dma_wait3A_66 = arith.constant 1 : i32
    %dma_wait3A_67 = arith.constant 1 : i32
    %dma_wait3A_68 = arith.constant 0 : i32
    %dma_wait3A_69 = tpu.memref_slice %arg8[%dma_wait3A_66, %dma_wait3A_68] : memref<2x64xf32, #tpu.memory_space<vmem>> -> memref<1x64xf32, #tpu.memory_space<vmem>>
    %dma_wait3A_70 = tpu.memref_squeeze %dma_wait3A_69 : memref<1x64xf32, #tpu.memory_space<vmem>> -> memref<64xf32, #tpu.memory_space<vmem>>
    %dma_wait3A_71 = arith.constant 0 : i32
    %dma_wait3A_72 = tpu.memref_slice %arg7[%dma_wait3A_67, %dma_wait3A_71] : memref<2x64xi32, #tpu.memory_space<vmem>> -> memref<1x64xi32, #tpu.memory_space<vmem>>
    %dma_wait3A_73 = tpu.memref_squeeze %dma_wait3A_72 : memref<1x64xi32, #tpu.memory_space<vmem>> -> memref<64xi32, #tpu.memory_space<vmem>>
    %dma_wait3A_74 = arith.constant 0 : i32
    %dma_wait3A_75 = tpu.memref_slice %arg6[%dma_wait3A_74] : memref<5120xf32, #tpu.memory_space<hbm>> -> memref<5120xf32, #tpu.memory_space<hbm>>
    tpu.wait_indirect_dma semaphore(%arg10 : memref<!tpu.dma_semaphore, #tpu.memory_space<semaphore_mem>>) src(%dma_wait3A_70 : memref<64xf32, #tpu.memory_space<vmem>>) dst(%dma_wait3A_75 : memref<5120xf32, #tpu.memory_space<hbm>>)
    return
  }
}

#map = affine_map<(d0, d1) -> (0, 0)>
module attributes {stable_mosaic.version = 14 : i64} {
  func.func @_combine_body(%arg0: i32, %arg1: i32, %arg2: memref<5120x768xf32, #tpu.memory_space<hbm>>, %arg3: memref<2x2048xi32, #tpu.memory_space<hbm>>, %arg4: memref<2048x768xf32, #tpu.memory_space<hbm>>, %arg5: memref<2x64xi32, #tpu.memory_space<vmem>>, %arg6: memref<64x768xf32, #tpu.memory_space<vmem>>, %arg7: memref<64x768xf32, #tpu.memory_space<vmem>>, %arg8: memref<!tpu.dma_semaphore, #tpu.memory_space<semaphore_mem>>) attributes {dimension_semantics = [#tpu.dimension_semantics<core_parallel>, #tpu.dimension_semantics<subcore_parallel>], iteration_bounds = array<i64: 2, 16>, scalar_prefetch = 0 : i64, scratch_operands = 4 : i64, tpu.core_type = #tpu.core_type<sc_vector_subcore>, window_params = [{transform_indices = #map}, {transform_indices = #map}, {transform_indices = #map}]} {
    %mul3A = arith.constant 2 : i32
    %mul3A_0 = arith.muli %arg1, %mul3A : i32
    %add3A = arith.addi %mul3A_0, %arg0 : i32
    %mul3A_1 = arith.constant 64 : i32
    %mul3A_2 = arith.muli %add3A, %mul3A_1 : i32
    %run_scoped3A = arith.constant 0 : i32
    %run_scoped3A_3 = arith.constant 0 : i32
    "tpu.region"() ({
      %run_scoped3A_37 = tpu.sem_alloc : memref<!tpu.dma_semaphore, #tpu.memory_space<semaphore_mem>>
      %dma_start3A_38 = arith.constant 0 : i32
      %dma_start3A_39 = tpu.memref_slice %arg5[%run_scoped3A_3, %dma_start3A_38] : memref<2x64xi32, #tpu.memory_space<vmem>> -> memref<1x64xi32, #tpu.memory_space<vmem>>
      %dma_start3A_40 = tpu.memref_squeeze %dma_start3A_39 : memref<1x64xi32, #tpu.memory_space<vmem>> -> memref<64xi32, #tpu.memory_space<vmem>>
      %dma_start3A_41 = tpu.memref_slice %arg3[%run_scoped3A, %mul3A_2] : memref<2x2048xi32, #tpu.memory_space<hbm>> -> memref<1x64xi32, #tpu.memory_space<hbm>>
      %dma_start3A_42 = tpu.memref_squeeze %dma_start3A_41 : memref<1x64xi32, #tpu.memory_space<hbm>> -> memref<64xi32, #tpu.memory_space<hbm>>
      %dma_start3A_43 = arith.constant 0 : i32
      %dma_start3A_44 = tpu.memref_slice %arg5[%run_scoped3A_3, %dma_start3A_43] : memref<2x64xi32, #tpu.memory_space<vmem>> -> memref<1x64xi32, #tpu.memory_space<vmem>>
      %dma_start3A_45 = tpu.memref_squeeze %dma_start3A_44 : memref<1x64xi32, #tpu.memory_space<vmem>> -> memref<64xi32, #tpu.memory_space<vmem>>
      %dma_start3A_46 = tpu.memref_slice %arg3[%run_scoped3A, %mul3A_2] : memref<2x2048xi32, #tpu.memory_space<hbm>> -> memref<1x64xi32, #tpu.memory_space<hbm>>
      %dma_start3A_47 = tpu.memref_squeeze %dma_start3A_46 : memref<1x64xi32, #tpu.memory_space<hbm>> -> memref<64xi32, #tpu.memory_space<hbm>>
      tpu.enqueue_dma source(%dma_start3A_47 : memref<64xi32, #tpu.memory_space<hbm>>) target(%dma_start3A_45 : memref<64xi32, #tpu.memory_space<vmem>>) target_semaphore(%run_scoped3A_37 : memref<!tpu.dma_semaphore, #tpu.memory_space<semaphore_mem>>)
      %dma_wait3A_48 = arith.constant 0 : i32
      %dma_wait3A_49 = tpu.memref_slice %arg5[%run_scoped3A_3, %dma_wait3A_48] : memref<2x64xi32, #tpu.memory_space<vmem>> -> memref<1x64xi32, #tpu.memory_space<vmem>>
      %dma_wait3A_50 = tpu.memref_squeeze %dma_wait3A_49 : memref<1x64xi32, #tpu.memory_space<vmem>> -> memref<64xi32, #tpu.memory_space<vmem>>
      %dma_wait3A_51 = tpu.memref_slice %arg3[%run_scoped3A, %mul3A_2] : memref<2x2048xi32, #tpu.memory_space<hbm>> -> memref<1x64xi32, #tpu.memory_space<hbm>>
      %dma_wait3A_52 = tpu.memref_squeeze %dma_wait3A_51 : memref<1x64xi32, #tpu.memory_space<hbm>> -> memref<64xi32, #tpu.memory_space<hbm>>
      %dma_wait3A_53 = arith.constant 0 : i32
      %dma_wait3A_54 = tpu.memref_slice %arg5[%run_scoped3A_3, %dma_wait3A_53] : memref<2x64xi32, #tpu.memory_space<vmem>> -> memref<1x64xi32, #tpu.memory_space<vmem>>
      %dma_wait3A_55 = tpu.memref_squeeze %dma_wait3A_54 : memref<1x64xi32, #tpu.memory_space<vmem>> -> memref<64xi32, #tpu.memory_space<vmem>>
      %dma_wait3A_56 = tpu.memref_slice %arg3[%run_scoped3A, %mul3A_2] : memref<2x2048xi32, #tpu.memory_space<hbm>> -> memref<1x64xi32, #tpu.memory_space<hbm>>
      %dma_wait3A_57 = tpu.memref_squeeze %dma_wait3A_56 : memref<1x64xi32, #tpu.memory_space<hbm>> -> memref<64xi32, #tpu.memory_space<hbm>>
      tpu.wait_dma2 semaphore(%run_scoped3A_37 : memref<!tpu.dma_semaphore, #tpu.memory_space<semaphore_mem>>) src(%dma_wait3A_57 : memref<64xi32, #tpu.memory_space<hbm>>) dst(%dma_wait3A_55 : memref<64xi32, #tpu.memory_space<vmem>>)
      tpu.yield
    }) : () -> ()
    %run_scoped3A_4 = arith.constant 1 : i32
    %run_scoped3A_5 = arith.constant 1 : i32
    "tpu.region"() ({
      %run_scoped3A_37 = tpu.sem_alloc : memref<!tpu.dma_semaphore, #tpu.memory_space<semaphore_mem>>
      %dma_start3A_38 = arith.constant 0 : i32
      %dma_start3A_39 = tpu.memref_slice %arg5[%run_scoped3A_5, %dma_start3A_38] : memref<2x64xi32, #tpu.memory_space<vmem>> -> memref<1x64xi32, #tpu.memory_space<vmem>>
      %dma_start3A_40 = tpu.memref_squeeze %dma_start3A_39 : memref<1x64xi32, #tpu.memory_space<vmem>> -> memref<64xi32, #tpu.memory_space<vmem>>
      %dma_start3A_41 = tpu.memref_slice %arg3[%run_scoped3A_4, %mul3A_2] : memref<2x2048xi32, #tpu.memory_space<hbm>> -> memref<1x64xi32, #tpu.memory_space<hbm>>
      %dma_start3A_42 = tpu.memref_squeeze %dma_start3A_41 : memref<1x64xi32, #tpu.memory_space<hbm>> -> memref<64xi32, #tpu.memory_space<hbm>>
      %dma_start3A_43 = arith.constant 0 : i32
      %dma_start3A_44 = tpu.memref_slice %arg5[%run_scoped3A_5, %dma_start3A_43] : memref<2x64xi32, #tpu.memory_space<vmem>> -> memref<1x64xi32, #tpu.memory_space<vmem>>
      %dma_start3A_45 = tpu.memref_squeeze %dma_start3A_44 : memref<1x64xi32, #tpu.memory_space<vmem>> -> memref<64xi32, #tpu.memory_space<vmem>>
      %dma_start3A_46 = tpu.memref_slice %arg3[%run_scoped3A_4, %mul3A_2] : memref<2x2048xi32, #tpu.memory_space<hbm>> -> memref<1x64xi32, #tpu.memory_space<hbm>>
      %dma_start3A_47 = tpu.memref_squeeze %dma_start3A_46 : memref<1x64xi32, #tpu.memory_space<hbm>> -> memref<64xi32, #tpu.memory_space<hbm>>
      tpu.enqueue_dma source(%dma_start3A_47 : memref<64xi32, #tpu.memory_space<hbm>>) target(%dma_start3A_45 : memref<64xi32, #tpu.memory_space<vmem>>) target_semaphore(%run_scoped3A_37 : memref<!tpu.dma_semaphore, #tpu.memory_space<semaphore_mem>>)
      %dma_wait3A_48 = arith.constant 0 : i32
      %dma_wait3A_49 = tpu.memref_slice %arg5[%run_scoped3A_5, %dma_wait3A_48] : memref<2x64xi32, #tpu.memory_space<vmem>> -> memref<1x64xi32, #tpu.memory_space<vmem>>
      %dma_wait3A_50 = tpu.memref_squeeze %dma_wait3A_49 : memref<1x64xi32, #tpu.memory_space<vmem>> -> memref<64xi32, #tpu.memory_space<vmem>>
      %dma_wait3A_51 = tpu.memref_slice %arg3[%run_scoped3A_4, %mul3A_2] : memref<2x2048xi32, #tpu.memory_space<hbm>> -> memref<1x64xi32, #tpu.memory_space<hbm>>
      %dma_wait3A_52 = tpu.memref_squeeze %dma_wait3A_51 : memref<1x64xi32, #tpu.memory_space<hbm>> -> memref<64xi32, #tpu.memory_space<hbm>>
      %dma_wait3A_53 = arith.constant 0 : i32
      %dma_wait3A_54 = tpu.memref_slice %arg5[%run_scoped3A_5, %dma_wait3A_53] : memref<2x64xi32, #tpu.memory_space<vmem>> -> memref<1x64xi32, #tpu.memory_space<vmem>>
      %dma_wait3A_55 = tpu.memref_squeeze %dma_wait3A_54 : memref<1x64xi32, #tpu.memory_space<vmem>> -> memref<64xi32, #tpu.memory_space<vmem>>
      %dma_wait3A_56 = tpu.memref_slice %arg3[%run_scoped3A_4, %mul3A_2] : memref<2x2048xi32, #tpu.memory_space<hbm>> -> memref<1x64xi32, #tpu.memory_space<hbm>>
      %dma_wait3A_57 = tpu.memref_squeeze %dma_wait3A_56 : memref<1x64xi32, #tpu.memory_space<hbm>> -> memref<64xi32, #tpu.memory_space<hbm>>
      tpu.wait_dma2 semaphore(%run_scoped3A_37 : memref<!tpu.dma_semaphore, #tpu.memory_space<semaphore_mem>>) src(%dma_wait3A_57 : memref<64xi32, #tpu.memory_space<hbm>>) dst(%dma_wait3A_55 : memref<64xi32, #tpu.memory_space<vmem>>)
      tpu.yield
    }) : () -> ()
    %dma_start3A = arith.constant 0 : i32
    %dma_start3A_6 = arith.constant 0 : i32
    %dma_start3A_7 = tpu.memref_slice %arg5[%dma_start3A, %dma_start3A_6] : memref<2x64xi32, #tpu.memory_space<vmem>> -> memref<1x64xi32, #tpu.memory_space<vmem>>
    %dma_start3A_8 = tpu.memref_squeeze %dma_start3A_7 : memref<1x64xi32, #tpu.memory_space<vmem>> -> memref<64xi32, #tpu.memory_space<vmem>>
    %dma_start3A_9 = arith.constant 0 : i32
    %dma_start3A_10 = arith.constant 0 : i32
    %dma_start3A_11 = tpu.memref_slice %arg2[%dma_start3A_9, %dma_start3A_10] : memref<5120x768xf32, #tpu.memory_space<hbm>> -> memref<5120x768xf32, #tpu.memory_space<hbm>>
    tpu.enqueue_indirect_dma source(%dma_start3A_11 : memref<5120x768xf32, #tpu.memory_space<hbm>>) target(%arg6 : memref<64x768xf32, #tpu.memory_space<vmem>>) offsets(%dma_start3A_8 : memref<64xi32, #tpu.memory_space<vmem>>) semaphore(%arg8 : memref<!tpu.dma_semaphore, #tpu.memory_space<semaphore_mem>>)
    %dma_start3A_12 = arith.constant 1 : i32
    %dma_start3A_13 = arith.constant 0 : i32
    %dma_start3A_14 = tpu.memref_slice %arg5[%dma_start3A_12, %dma_start3A_13] : memref<2x64xi32, #tpu.memory_space<vmem>> -> memref<1x64xi32, #tpu.memory_space<vmem>>
    %dma_start3A_15 = tpu.memref_squeeze %dma_start3A_14 : memref<1x64xi32, #tpu.memory_space<vmem>> -> memref<64xi32, #tpu.memory_space<vmem>>
    %dma_start3A_16 = arith.constant 0 : i32
    %dma_start3A_17 = arith.constant 0 : i32
    %dma_start3A_18 = tpu.memref_slice %arg2[%dma_start3A_16, %dma_start3A_17] : memref<5120x768xf32, #tpu.memory_space<hbm>> -> memref<5120x768xf32, #tpu.memory_space<hbm>>
    tpu.enqueue_indirect_dma source(%dma_start3A_18 : memref<5120x768xf32, #tpu.memory_space<hbm>>) target(%arg7 : memref<64x768xf32, #tpu.memory_space<vmem>>) offsets(%dma_start3A_15 : memref<64xi32, #tpu.memory_space<vmem>>) semaphore(%arg8 : memref<!tpu.dma_semaphore, #tpu.memory_space<semaphore_mem>>)
    %dma_wait3A = arith.constant 0 : i32
    %dma_wait3A_19 = arith.constant 0 : i32
    %dma_wait3A_20 = tpu.memref_slice %arg5[%dma_wait3A, %dma_wait3A_19] : memref<2x64xi32, #tpu.memory_space<vmem>> -> memref<1x64xi32, #tpu.memory_space<vmem>>
    %dma_wait3A_21 = tpu.memref_squeeze %dma_wait3A_20 : memref<1x64xi32, #tpu.memory_space<vmem>> -> memref<64xi32, #tpu.memory_space<vmem>>
    %dma_wait3A_22 = arith.constant 0 : i32
    %dma_wait3A_23 = arith.constant 0 : i32
    %dma_wait3A_24 = tpu.memref_slice %arg2[%dma_wait3A_22, %dma_wait3A_23] : memref<5120x768xf32, #tpu.memory_space<hbm>> -> memref<5120x768xf32, #tpu.memory_space<hbm>>
    tpu.wait_indirect_dma semaphore(%arg8 : memref<!tpu.dma_semaphore, #tpu.memory_space<semaphore_mem>>) src(%dma_wait3A_24 : memref<5120x768xf32, #tpu.memory_space<hbm>>) dst(%arg6 : memref<64x768xf32, #tpu.memory_space<vmem>>)
    %dma_wait3A_25 = arith.constant 1 : i32
    %dma_wait3A_26 = arith.constant 0 : i32
    %dma_wait3A_27 = tpu.memref_slice %arg5[%dma_wait3A_25, %dma_wait3A_26] : memref<2x64xi32, #tpu.memory_space<vmem>> -> memref<1x64xi32, #tpu.memory_space<vmem>>
    %dma_wait3A_28 = tpu.memref_squeeze %dma_wait3A_27 : memref<1x64xi32, #tpu.memory_space<vmem>> -> memref<64xi32, #tpu.memory_space<vmem>>
    %dma_wait3A_29 = arith.constant 0 : i32
    %dma_wait3A_30 = arith.constant 0 : i32
    %dma_wait3A_31 = tpu.memref_slice %arg2[%dma_wait3A_29, %dma_wait3A_30] : memref<5120x768xf32, #tpu.memory_space<hbm>> -> memref<5120x768xf32, #tpu.memory_space<hbm>>
    tpu.wait_indirect_dma semaphore(%arg8 : memref<!tpu.dma_semaphore, #tpu.memory_space<semaphore_mem>>) src(%dma_wait3A_31 : memref<5120x768xf32, #tpu.memory_space<hbm>>) dst(%arg7 : memref<64x768xf32, #tpu.memory_space<vmem>>)
    %scan3A = arith.constant 0 : i32
    %scan3A_32 = arith.constant 0 : i32
    %scan3A_33 = arith.constant 64 : i32
    %scan3A_34 = arith.addi %scan3A_32, %scan3A_33 : i32
    %scan3A_35 = arith.constant 1 : i32
    scf.for %scan3A_37 = %scan3A_32 to %scan3A_34 step %scan3A_35  : i32 {
      %get3A = arith.index_cast %scan3A_37 : i32 to index
      %get3A_38 = arith.constant 0 : index
      %get3A_39 = tpu.vector_load %arg6[%get3A, %get3A_38] {strides = array<i32>} : memref<64x768xf32, #tpu.memory_space<vmem>>, vector<1x16xf32>,
      %get3A_40 = vector.shape_cast %get3A_39 : vector<1x16xf32> to vector<16xf32>
      %get3A_41 = arith.index_cast %scan3A_37 : i32 to index
      %get3A_42 = arith.constant 0 : index
      %get3A_43 = tpu.vector_load %arg7[%get3A_41, %get3A_42] {strides = array<i32>} : memref<64x768xf32, #tpu.memory_space<vmem>>, vector<1x16xf32>,
      %get3A_44 = vector.shape_cast %get3A_43 : vector<1x16xf32> to vector<16xf32>
      %add3A_45 = arith.addf %get3A_40, %get3A_44 : vector<16xf32>
      %swap3A = arith.index_cast %scan3A_37 : i32 to index
      %swap3A_46 = arith.constant 0 : index
      %swap3A_47 = tpu.vector_load %arg6[%swap3A, %swap3A_46] {strides = array<i32>} : memref<64x768xf32, #tpu.memory_space<vmem>>, vector<1x16xf32>,
      %swap3A_48 = vector.shape_cast %swap3A_47 : vector<1x16xf32> to vector<16xf32>
      %swap3A_49 = vector.shape_cast %add3A_45 : vector<16xf32> to vector<1x16xf32>
      tpu.vector_store %arg6[%swap3A, %swap3A_46], %swap3A_49 {strides = array<i32>} : memref<64x768xf32, #tpu.memory_space<vmem>>, vector<1x16xf32>,
      %get3A_50 = arith.index_cast %scan3A_37 : i32 to index
      %get3A_51 = arith.constant 16 : index
      %get3A_52 = tpu.vector_load %arg6[%get3A_50, %get3A_51] {strides = array<i32>} : memref<64x768xf32, #tpu.memory_space<vmem>>, vector<1x16xf32>,
      %get3A_53 = vector.shape_cast %get3A_52 : vector<1x16xf32> to vector<16xf32>
      %get3A_54 = arith.index_cast %scan3A_37 : i32 to index
      %get3A_55 = arith.constant 16 : index
      %get3A_56 = tpu.vector_load %arg7[%get3A_54, %get3A_55] {strides = array<i32>} : memref<64x768xf32, #tpu.memory_space<vmem>>, vector<1x16xf32>,
      %get3A_57 = vector.shape_cast %get3A_56 : vector<1x16xf32> to vector<16xf32>
      %add3A_58 = arith.addf %get3A_53, %get3A_57 : vector<16xf32>
      %swap3A_59 = arith.index_cast %scan3A_37 : i32 to index
      %swap3A_60 = arith.constant 16 : index
      %swap3A_61 = tpu.vector_load %arg6[%swap3A_59, %swap3A_60] {strides = array<i32>} : memref<64x768xf32, #tpu.memory_space<vmem>>, vector<1x16xf32>,
      %swap3A_62 = vector.shape_cast %swap3A_61 : vector<1x16xf32> to vector<16xf32>
      %swap3A_63 = vector.shape_cast %add3A_58 : vector<16xf32> to vector<1x16xf32>
      tpu.vector_store %arg6[%swap3A_59, %swap3A_60], %swap3A_63 {strides = array<i32>} : memref<64x768xf32, #tpu.memory_space<vmem>>, vector<1x16xf32>,
      %get3A_64 = arith.index_cast %scan3A_37 : i32 to index
      %get3A_65 = arith.constant 32 : index
      %get3A_66 = tpu.vector_load %arg6[%get3A_64, %get3A_65] {strides = array<i32>} : memref<64x768xf32, #tpu.memory_space<vmem>>, vector<1x16xf32>,
      %get3A_67 = vector.shape_cast %get3A_66 : vector<1x16xf32> to vector<16xf32>
      %get3A_68 = arith.index_cast %scan3A_37 : i32 to index
      %get3A_69 = arith.constant 32 : index
      %get3A_70 = tpu.vector_load %arg7[%get3A_68, %get3A_69] {strides = array<i32>} : memref<64x768xf32, #tpu.memory_space<vmem>>, vector<1x16xf32>,
      %get3A_71 = vector.shape_cast %get3A_70 : vector<1x16xf32> to vector<16xf32>
      %add3A_72 = arith.addf %get3A_67, %get3A_71 : vector<16xf32>
      %swap3A_73 = arith.index_cast %scan3A_37 : i32 to index
      %swap3A_74 = arith.constant 32 : index
      %swap3A_75 = tpu.vector_load %arg6[%swap3A_73, %swap3A_74] {strides = array<i32>} : memref<64x768xf32, #tpu.memory_space<vmem>>, vector<1x16xf32>,
      %swap3A_76 = vector.shape_cast %swap3A_75 : vector<1x16xf32> to vector<16xf32>
      %swap3A_77 = vector.shape_cast %add3A_72 : vector<16xf32> to vector<1x16xf32>
      tpu.vector_store %arg6[%swap3A_73, %swap3A_74], %swap3A_77 {strides = array<i32>} : memref<64x768xf32, #tpu.memory_space<vmem>>, vector<1x16xf32>,
      %get3A_78 = arith.index_cast %scan3A_37 : i32 to index
      %get3A_79 = arith.constant 48 : index
      %get3A_80 = tpu.vector_load %arg6[%get3A_78, %get3A_79] {strides = array<i32>} : memref<64x768xf32, #tpu.memory_space<vmem>>, vector<1x16xf32>,
      %get3A_81 = vector.shape_cast %get3A_80 : vector<1x16xf32> to vector<16xf32>
      %get3A_82 = arith.index_cast %scan3A_37 : i32 to index
      %get3A_83 = arith.constant 48 : index
      %get3A_84 = tpu.vector_load %arg7[%get3A_82, %get3A_83] {strides = array<i32>} : memref<64x768xf32, #tpu.memory_space<vmem>>, vector<1x16xf32>,
      %get3A_85 = vector.shape_cast %get3A_84 : vector<1x16xf32> to vector<16xf32>
      %add3A_86 = arith.addf %get3A_81, %get3A_85 : vector<16xf32>
      %swap3A_87 = arith.index_cast %scan3A_37 : i32 to index
      %swap3A_88 = arith.constant 48 : index
      %swap3A_89 = tpu.vector_load %arg6[%swap3A_87, %swap3A_88] {strides = array<i32>} : memref<64x768xf32, #tpu.memory_space<vmem>>, vector<1x16xf32>,
      %swap3A_90 = vector.shape_cast %swap3A_89 : vector<1x16xf32> to vector<16xf32>
      %swap3A_91 = vector.shape_cast %add3A_86 : vector<16xf32> to vector<1x16xf32>
      tpu.vector_store %arg6[%swap3A_87, %swap3A_88], %swap3A_91 {strides = array<i32>} : memref<64x768xf32, #tpu.memory_space<vmem>>, vector<1x16xf32>,
      %get3A_92 = arith.index_cast %scan3A_37 : i32 to index
      %get3A_93 = arith.constant 64 : index
      %get3A_94 = tpu.vector_load %arg6[%get3A_92, %get3A_93] {strides = array<i32>} : memref<64x768xf32, #tpu.memory_space<vmem>>, vector<1x16xf32>,
      %get3A_95 = vector.shape_cast %get3A_94 : vector<1x16xf32> to vector<16xf32>
      %get3A_96 = arith.index_cast %scan3A_37 : i32 to index
      %get3A_97 = arith.constant 64 : index
      %get3A_98 = tpu.vector_load %arg7[%get3A_96, %get3A_97] {strides = array<i32>} : memref<64x768xf32, #tpu.memory_space<vmem>>, vector<1x16xf32>,
      %get3A_99 = vector.shape_cast %get3A_98 : vector<1x16xf32> to vector<16xf32>
      %add3A_100 = arith.addf %get3A_95, %get3A_99 : vector<16xf32>
      %swap3A_101 = arith.index_cast %scan3A_37 : i32 to index
      %swap3A_102 = arith.constant 64 : index
      %swap3A_103 = tpu.vector_load %arg6[%swap3A_101, %swap3A_102] {strides = array<i32>} : memref<64x768xf32, #tpu.memory_space<vmem>>, vector<1x16xf32>,
      %swap3A_104 = vector.shape_cast %swap3A_103 : vector<1x16xf32> to vector<16xf32>
      %swap3A_105 = vector.shape_cast %add3A_100 : vector<16xf32> to vector<1x16xf32>
      tpu.vector_store %arg6[%swap3A_101, %swap3A_102], %swap3A_105 {strides = array<i32>} : memref<64x768xf32, #tpu.memory_space<vmem>>, vector<1x16xf32>,
      %get3A_106 = arith.index_cast %scan3A_37 : i32 to index
      %get3A_107 = arith.constant 80 : index
      %get3A_108 = tpu.vector_load %arg6[%get3A_106, %get3A_107] {strides = array<i32>} : memref<64x768xf32, #tpu.memory_space<vmem>>, vector<1x16xf32>,
      %get3A_109 = vector.shape_cast %get3A_108 : vector<1x16xf32> to vector<16xf32>
      %get3A_110 = arith.index_cast %scan3A_37 : i32 to index
      %get3A_111 = arith.constant 80 : index
      %get3A_112 = tpu.vector_load %arg7[%get3A_110, %get3A_111] {strides = array<i32>} : memref<64x768xf32, #tpu.memory_space<vmem>>, vector<1x16xf32>,
      %get3A_113 = vector.shape_cast %get3A_112 : vector<1x16xf32> to vector<16xf32>
      %add3A_114 = arith.addf %get3A_109, %get3A_113 : vector<16xf32>
      %swap3A_115 = arith.index_cast %scan3A_37 : i32 to index
      %swap3A_116 = arith.constant 80 : index
      %swap3A_117 = tpu.vector_load %arg6[%swap3A_115, %swap3A_116] {strides = array<i32>} : memref<64x768xf32, #tpu.memory_space<vmem>>, vector<1x16xf32>,
      %swap3A_118 = vector.shape_cast %swap3A_117 : vector<1x16xf32> to vector<16xf32>
      %swap3A_119 = vector.shape_cast %add3A_114 : vector<16xf32> to vector<1x16xf32>
      tpu.vector_store %arg6[%swap3A_115, %swap3A_116], %swap3A_119 {strides = array<i32>} : memref<64x768xf32, #tpu.memory_space<vmem>>, vector<1x16xf32>,
      %get3A_120 = arith.index_cast %scan3A_37 : i32 to index
      %get3A_121 = arith.constant 96 : index
      %get3A_122 = tpu.vector_load %arg6[%get3A_120, %get3A_121] {strides = array<i32>} : memref<64x768xf32, #tpu.memory_space<vmem>>, vector<1x16xf32>,
      %get3A_123 = vector.shape_cast %get3A_122 : vector<1x16xf32> to vector<16xf32>
      %get3A_124 = arith.index_cast %scan3A_37 : i32 to index
      %get3A_125 = arith.constant 96 : index
      %get3A_126 = tpu.vector_load %arg7[%get3A_124, %get3A_125] {strides = array<i32>} : memref<64x768xf32, #tpu.memory_space<vmem>>, vector<1x16xf32>,
      %get3A_127 = vector.shape_cast %get3A_126 : vector<1x16xf32> to vector<16xf32>
      %add3A_128 = arith.addf %get3A_123, %get3A_127 : vector<16xf32>
      %swap3A_129 = arith.index_cast %scan3A_37 : i32 to index
      %swap3A_130 = arith.constant 96 : index
      %swap3A_131 = tpu.vector_load %arg6[%swap3A_129, %swap3A_130] {strides = array<i32>} : memref<64x768xf32, #tpu.memory_space<vmem>>, vector<1x16xf32>,
      %swap3A_132 = vector.shape_cast %swap3A_131 : vector<1x16xf32> to vector<16xf32>
      %swap3A_133 = vector.shape_cast %add3A_128 : vector<16xf32> to vector<1x16xf32>
      tpu.vector_store %arg6[%swap3A_129, %swap3A_130], %swap3A_133 {strides = array<i32>} : memref<64x768xf32, #tpu.memory_space<vmem>>, vector<1x16xf32>,
      %get3A_134 = arith.index_cast %scan3A_37 : i32 to index
      %get3A_135 = arith.constant 112 : index
      %get3A_136 = tpu.vector_load %arg6[%get3A_134, %get3A_135] {strides = array<i32>} : memref<64x768xf32, #tpu.memory_space<vmem>>, vector<1x16xf32>,
      %get3A_137 = vector.shape_cast %get3A_136 : vector<1x16xf32> to vector<16xf32>
      %get3A_138 = arith.index_cast %scan3A_37 : i32 to index
      %get3A_139 = arith.constant 112 : index
      %get3A_140 = tpu.vector_load %arg7[%get3A_138, %get3A_139] {strides = array<i32>} : memref<64x768xf32, #tpu.memory_space<vmem>>, vector<1x16xf32>,
      %get3A_141 = vector.shape_cast %get3A_140 : vector<1x16xf32> to vector<16xf32>
      %add3A_142 = arith.addf %get3A_137, %get3A_141 : vector<16xf32>
      %swap3A_143 = arith.index_cast %scan3A_37 : i32 to index
      %swap3A_144 = arith.constant 112 : index
      %swap3A_145 = tpu.vector_load %arg6[%swap3A_143, %swap3A_144] {strides = array<i32>} : memref<64x768xf32, #tpu.memory_space<vmem>>, vector<1x16xf32>,
      %swap3A_146 = vector.shape_cast %swap3A_145 : vector<1x16xf32> to vector<16xf32>
      %swap3A_147 = vector.shape_cast %add3A_142 : vector<16xf32> to vector<1x16xf32>
      tpu.vector_store %arg6[%swap3A_143, %swap3A_144], %swap3A_147 {strides = array<i32>} : memref<64x768xf32, #tpu.memory_space<vmem>>, vector<1x16xf32>,
      %get3A_148 = arith.index_cast %scan3A_37 : i32 to index
      %get3A_149 = arith.constant 128 : index
      %get3A_150 = tpu.vector_load %arg6[%get3A_148, %get3A_149] {strides = array<i32>} : memref<64x768xf32, #tpu.memory_space<vmem>>, vector<1x16xf32>,
      %get3A_151 = vector.shape_cast %get3A_150 : vector<1x16xf32> to vector<16xf32>
      %get3A_152 = arith.index_cast %scan3A_37 : i32 to index
      %get3A_153 = arith.constant 128 : index
      %get3A_154 = tpu.vector_load %arg7[%get3A_152, %get3A_153] {strides = array<i32>} : memref<64x768xf32, #tpu.memory_space<vmem>>, vector<1x16xf32>,
      %get3A_155 = vector.shape_cast %get3A_154 : vector<1x16xf32> to vector<16xf32>
      %add3A_156 = arith.addf %get3A_151, %get3A_155 : vector<16xf32>
      %swap3A_157 = arith.index_cast %scan3A_37 : i32 to index
      %swap3A_158 = arith.constant 128 : index
      %swap3A_159 = tpu.vector_load %arg6[%swap3A_157, %swap3A_158] {strides = array<i32>} : memref<64x768xf32, #tpu.memory_space<vmem>>, vector<1x16xf32>,
      %swap3A_160 = vector.shape_cast %swap3A_159 : vector<1x16xf32> to vector<16xf32>
      %swap3A_161 = vector.shape_cast %add3A_156 : vector<16xf32> to vector<1x16xf32>
      tpu.vector_store %arg6[%swap3A_157, %swap3A_158], %swap3A_161 {strides = array<i32>} : memref<64x768xf32, #tpu.memory_space<vmem>>, vector<1x16xf32>,
      %get3A_162 = arith.index_cast %scan3A_37 : i32 to index
      %get3A_163 = arith.constant 144 : index
      %get3A_164 = tpu.vector_load %arg6[%get3A_162, %get3A_163] {strides = array<i32>} : memref<64x768xf32, #tpu.memory_space<vmem>>, vector<1x16xf32>,
      %get3A_165 = vector.shape_cast %get3A_164 : vector<1x16xf32> to vector<16xf32>
      %get3A_166 = arith.index_cast %scan3A_37 : i32 to index
      %get3A_167 = arith.constant 144 : index
      %get3A_168 = tpu.vector_load %arg7[%get3A_166, %get3A_167] {strides = array<i32>} : memref<64x768xf32, #tpu.memory_space<vmem>>, vector<1x16xf32>,
      %get3A_169 = vector.shape_cast %get3A_168 : vector<1x16xf32> to vector<16xf32>
      %add3A_170 = arith.addf %get3A_165, %get3A_169 : vector<16xf32>
      %swap3A_171 = arith.index_cast %scan3A_37 : i32 to index
      %swap3A_172 = arith.constant 144 : index
      %swap3A_173 = tpu.vector_load %arg6[%swap3A_171, %swap3A_172] {strides = array<i32>} : memref<64x768xf32, #tpu.memory_space<vmem>>, vector<1x16xf32>,
      %swap3A_174 = vector.shape_cast %swap3A_173 : vector<1x16xf32> to vector<16xf32>
      %swap3A_175 = vector.shape_cast %add3A_170 : vector<16xf32> to vector<1x16xf32>
      tpu.vector_store %arg6[%swap3A_171, %swap3A_172], %swap3A_175 {strides = array<i32>} : memref<64x768xf32, #tpu.memory_space<vmem>>, vector<1x16xf32>,
      %get3A_176 = arith.index_cast %scan3A_37 : i32 to index
      %get3A_177 = arith.constant 160 : index
      %get3A_178 = tpu.vector_load %arg6[%get3A_176, %get3A_177] {strides = array<i32>} : memref<64x768xf32, #tpu.memory_space<vmem>>, vector<1x16xf32>,
      %get3A_179 = vector.shape_cast %get3A_178 : vector<1x16xf32> to vector<16xf32>
      %get3A_180 = arith.index_cast %scan3A_37 : i32 to index
      %get3A_181 = arith.constant 160 : index
      %get3A_182 = tpu.vector_load %arg7[%get3A_180, %get3A_181] {strides = array<i32>} : memref<64x768xf32, #tpu.memory_space<vmem>>, vector<1x16xf32>,
      %get3A_183 = vector.shape_cast %get3A_182 : vector<1x16xf32> to vector<16xf32>
      %add3A_184 = arith.addf %get3A_179, %get3A_183 : vector<16xf32>
      %swap3A_185 = arith.index_cast %scan3A_37 : i32 to index
      %swap3A_186 = arith.constant 160 : index
      %swap3A_187 = tpu.vector_load %arg6[%swap3A_185, %swap3A_186] {strides = array<i32>} : memref<64x768xf32, #tpu.memory_space<vmem>>, vector<1x16xf32>,
      %swap3A_188 = vector.shape_cast %swap3A_187 : vector<1x16xf32> to vector<16xf32>
      %swap3A_189 = vector.shape_cast %add3A_184 : vector<16xf32> to vector<1x16xf32>
      tpu.vector_store %arg6[%swap3A_185, %swap3A_186], %swap3A_189 {strides = array<i32>} : memref<64x768xf32, #tpu.memory_space<vmem>>, vector<1x16xf32>,
      %get3A_190 = arith.index_cast %scan3A_37 : i32 to index
      %get3A_191 = arith.constant 176 : index
      %get3A_192 = tpu.vector_load %arg6[%get3A_190, %get3A_191] {strides = array<i32>} : memref<64x768xf32, #tpu.memory_space<vmem>>, vector<1x16xf32>,
      %get3A_193 = vector.shape_cast %get3A_192 : vector<1x16xf32> to vector<16xf32>
      %get3A_194 = arith.index_cast %scan3A_37 : i32 to index
      %get3A_195 = arith.constant 176 : index
      %get3A_196 = tpu.vector_load %arg7[%get3A_194, %get3A_195] {strides = array<i32>} : memref<64x768xf32, #tpu.memory_space<vmem>>, vector<1x16xf32>,
      %get3A_197 = vector.shape_cast %get3A_196 : vector<1x16xf32> to vector<16xf32>
      %add3A_198 = arith.addf %get3A_193, %get3A_197 : vector<16xf32>
      %swap3A_199 = arith.index_cast %scan3A_37 : i32 to index
      %swap3A_200 = arith.constant 176 : index
      %swap3A_201 = tpu.vector_load %arg6[%swap3A_199, %swap3A_200] {strides = array<i32>} : memref<64x768xf32, #tpu.memory_space<vmem>>, vector<1x16xf32>,
      %swap3A_202 = vector.shape_cast %swap3A_201 : vector<1x16xf32> to vector<16xf32>
      %swap3A_203 = vector.shape_cast %add3A_198 : vector<16xf32> to vector<1x16xf32>
      tpu.vector_store %arg6[%swap3A_199, %swap3A_200], %swap3A_203 {strides = array<i32>} : memref<64x768xf32, #tpu.memory_space<vmem>>, vector<1x16xf32>,
      %get3A_204 = arith.index_cast %scan3A_37 : i32 to index
      %get3A_205 = arith.constant 192 : index
      %get3A_206 = tpu.vector_load %arg6[%get3A_204, %get3A_205] {strides = array<i32>} : memref<64x768xf32, #tpu.memory_space<vmem>>, vector<1x16xf32>,
      %get3A_207 = vector.shape_cast %get3A_206 : vector<1x16xf32> to vector<16xf32>
      %get3A_208 = arith.index_cast %scan3A_37 : i32 to index
      %get3A_209 = arith.constant 192 : index
      %get3A_210 = tpu.vector_load %arg7[%get3A_208, %get3A_209] {strides = array<i32>} : memref<64x768xf32, #tpu.memory_space<vmem>>, vector<1x16xf32>,
      %get3A_211 = vector.shape_cast %get3A_210 : vector<1x16xf32> to vector<16xf32>
      %add3A_212 = arith.addf %get3A_207, %get3A_211 : vector<16xf32>
      %swap3A_213 = arith.index_cast %scan3A_37 : i32 to index
      %swap3A_214 = arith.constant 192 : index
      %swap3A_215 = tpu.vector_load %arg6[%swap3A_213, %swap3A_214] {strides = array<i32>} : memref<64x768xf32, #tpu.memory_space<vmem>>, vector<1x16xf32>,
      %swap3A_216 = vector.shape_cast %swap3A_215 : vector<1x16xf32> to vector<16xf32>
      %swap3A_217 = vector.shape_cast %add3A_212 : vector<16xf32> to vector<1x16xf32>
      tpu.vector_store %arg6[%swap3A_213, %swap3A_214], %swap3A_217 {strides = array<i32>} : memref<64x768xf32, #tpu.memory_space<vmem>>, vector<1x16xf32>,
      %get3A_218 = arith.index_cast %scan3A_37 : i32 to index
      %get3A_219 = arith.constant 208 : index
      %get3A_220 = tpu.vector_load %arg6[%get3A_218, %get3A_219] {strides = array<i32>} : memref<64x768xf32, #tpu.memory_space<vmem>>, vector<1x16xf32>,
      %get3A_221 = vector.shape_cast %get3A_220 : vector<1x16xf32> to vector<16xf32>
      %get3A_222 = arith.index_cast %scan3A_37 : i32 to index
      %get3A_223 = arith.constant 208 : index
      %get3A_224 = tpu.vector_load %arg7[%get3A_222, %get3A_223] {strides = array<i32>} : memref<64x768xf32, #tpu.memory_space<vmem>>, vector<1x16xf32>,
      %get3A_225 = vector.shape_cast %get3A_224 : vector<1x16xf32> to vector<16xf32>
      %add3A_226 = arith.addf %get3A_221, %get3A_225 : vector<16xf32>
      %swap3A_227 = arith.index_cast %scan3A_37 : i32 to index
      %swap3A_228 = arith.constant 208 : index
      %swap3A_229 = tpu.vector_load %arg6[%swap3A_227, %swap3A_228] {strides = array<i32>} : memref<64x768xf32, #tpu.memory_space<vmem>>, vector<1x16xf32>,
      %swap3A_230 = vector.shape_cast %swap3A_229 : vector<1x16xf32> to vector<16xf32>
      %swap3A_231 = vector.shape_cast %add3A_226 : vector<16xf32> to vector<1x16xf32>
      tpu.vector_store %arg6[%swap3A_227, %swap3A_228], %swap3A_231 {strides = array<i32>} : memref<64x768xf32, #tpu.memory_space<vmem>>, vector<1x16xf32>,
      %get3A_232 = arith.index_cast %scan3A_37 : i32 to index
      %get3A_233 = arith.constant 224 : index
      %get3A_234 = tpu.vector_load %arg6[%get3A_232, %get3A_233] {strides = array<i32>} : memref<64x768xf32, #tpu.memory_space<vmem>>, vector<1x16xf32>,
      %get3A_235 = vector.shape_cast %get3A_234 : vector<1x16xf32> to vector<16xf32>
      %get3A_236 = arith.index_cast %scan3A_37 : i32 to index
      %get3A_237 = arith.constant 224 : index
      %get3A_238 = tpu.vector_load %arg7[%get3A_236, %get3A_237] {strides = array<i32>} : memref<64x768xf32, #tpu.memory_space<vmem>>, vector<1x16xf32>,
      %get3A_239 = vector.shape_cast %get3A_238 : vector<1x16xf32> to vector<16xf32>
      %add3A_240 = arith.addf %get3A_235, %get3A_239 : vector<16xf32>
      %swap3A_241 = arith.index_cast %scan3A_37 : i32 to index
      %swap3A_242 = arith.constant 224 : index
      %swap3A_243 = tpu.vector_load %arg6[%swap3A_241, %swap3A_242] {strides = array<i32>} : memref<64x768xf32, #tpu.memory_space<vmem>>, vector<1x16xf32>,
      %swap3A_244 = vector.shape_cast %swap3A_243 : vector<1x16xf32> to vector<16xf32>
      %swap3A_245 = vector.shape_cast %add3A_240 : vector<16xf32> to vector<1x16xf32>
      tpu.vector_store %arg6[%swap3A_241, %swap3A_242], %swap3A_245 {strides = array<i32>} : memref<64x768xf32, #tpu.memory_space<vmem>>, vector<1x16xf32>,
      %get3A_246 = arith.index_cast %scan3A_37 : i32 to index
      %get3A_247 = arith.constant 240 : index
      %get3A_248 = tpu.vector_load %arg6[%get3A_246, %get3A_247] {strides = array<i32>} : memref<64x768xf32, #tpu.memory_space<vmem>>, vector<1x16xf32>,
      %get3A_249 = vector.shape_cast %get3A_248 : vector<1x16xf32> to vector<16xf32>
      %get3A_250 = arith.index_cast %scan3A_37 : i32 to index
      %get3A_251 = arith.constant 240 : index
      %get3A_252 = tpu.vector_load %arg7[%get3A_250, %get3A_251] {strides = array<i32>} : memref<64x768xf32, #tpu.memory_space<vmem>>, vector<1x16xf32>,
      %get3A_253 = vector.shape_cast %get3A_252 : vector<1x16xf32> to vector<16xf32>
      %add3A_254 = arith.addf %get3A_249, %get3A_253 : vector<16xf32>
      %swap3A_255 = arith.index_cast %scan3A_37 : i32 to index
      %swap3A_256 = arith.constant 240 : index
      %swap3A_257 = tpu.vector_load %arg6[%swap3A_255, %swap3A_256] {strides = array<i32>} : memref<64x768xf32, #tpu.memory_space<vmem>>, vector<1x16xf32>,
      %swap3A_258 = vector.shape_cast %swap3A_257 : vector<1x16xf32> to vector<16xf32>
      %swap3A_259 = vector.shape_cast %add3A_254 : vector<16xf32> to vector<1x16xf32>
      tpu.vector_store %arg6[%swap3A_255, %swap3A_256], %swap3A_259 {strides = array<i32>} : memref<64x768xf32, #tpu.memory_space<vmem>>, vector<1x16xf32>,
      %get3A_260 = arith.index_cast %scan3A_37 : i32 to index
      %get3A_261 = arith.constant 256 : index
      %get3A_262 = tpu.vector_load %arg6[%get3A_260, %get3A_261] {strides = array<i32>} : memref<64x768xf32, #tpu.memory_space<vmem>>, vector<1x16xf32>,
      %get3A_263 = vector.shape_cast %get3A_262 : vector<1x16xf32> to vector<16xf32>
      %get3A_264 = arith.index_cast %scan3A_37 : i32 to index
      %get3A_265 = arith.constant 256 : index
      %get3A_266 = tpu.vector_load %arg7[%get3A_264, %get3A_265] {strides = array<i32>} : memref<64x768xf32, #tpu.memory_space<vmem>>, vector<1x16xf32>,
      %get3A_267 = vector.shape_cast %get3A_266 : vector<1x16xf32> to vector<16xf32>
      %add3A_268 = arith.addf %get3A_263, %get3A_267 : vector<16xf32>
      %swap3A_269 = arith.index_cast %scan3A_37 : i32 to index
      %swap3A_270 = arith.constant 256 : index
      %swap3A_271 = tpu.vector_load %arg6[%swap3A_269, %swap3A_270] {strides = array<i32>} : memref<64x768xf32, #tpu.memory_space<vmem>>, vector<1x16xf32>,
      %swap3A_272 = vector.shape_cast %swap3A_271 : vector<1x16xf32> to vector<16xf32>
      %swap3A_273 = vector.shape_cast %add3A_268 : vector<16xf32> to vector<1x16xf32>
      tpu.vector_store %arg6[%swap3A_269, %swap3A_270], %swap3A_273 {strides = array<i32>} : memref<64x768xf32, #tpu.memory_space<vmem>>, vector<1x16xf32>,
      %get3A_274 = arith.index_cast %scan3A_37 : i32 to index
      %get3A_275 = arith.constant 272 : index
      %get3A_276 = tpu.vector_load %arg6[%get3A_274, %get3A_275] {strides = array<i32>} : memref<64x768xf32, #tpu.memory_space<vmem>>, vector<1x16xf32>,
      %get3A_277 = vector.shape_cast %get3A_276 : vector<1x16xf32> to vector<16xf32>
      %get3A_278 = arith.index_cast %scan3A_37 : i32 to index
      %get3A_279 = arith.constant 272 : index
      %get3A_280 = tpu.vector_load %arg7[%get3A_278, %get3A_279] {strides = array<i32>} : memref<64x768xf32, #tpu.memory_space<vmem>>, vector<1x16xf32>,
      %get3A_281 = vector.shape_cast %get3A_280 : vector<1x16xf32> to vector<16xf32>
      %add3A_282 = arith.addf %get3A_277, %get3A_281 : vector<16xf32>
      %swap3A_283 = arith.index_cast %scan3A_37 : i32 to index
      %swap3A_284 = arith.constant 272 : index
      %swap3A_285 = tpu.vector_load %arg6[%swap3A_283, %swap3A_284] {strides = array<i32>} : memref<64x768xf32, #tpu.memory_space<vmem>>, vector<1x16xf32>,
      %swap3A_286 = vector.shape_cast %swap3A_285 : vector<1x16xf32> to vector<16xf32>
      %swap3A_287 = vector.shape_cast %add3A_282 : vector<16xf32> to vector<1x16xf32>
      tpu.vector_store %arg6[%swap3A_283, %swap3A_284], %swap3A_287 {strides = array<i32>} : memref<64x768xf32, #tpu.memory_space<vmem>>, vector<1x16xf32>,
      %get3A_288 = arith.index_cast %scan3A_37 : i32 to index
      %get3A_289 = arith.constant 288 : index
      %get3A_290 = tpu.vector_load %arg6[%get3A_288, %get3A_289] {strides = array<i32>} : memref<64x768xf32, #tpu.memory_space<vmem>>, vector<1x16xf32>,
      %get3A_291 = vector.shape_cast %get3A_290 : vector<1x16xf32> to vector<16xf32>
      %get3A_292 = arith.index_cast %scan3A_37 : i32 to index
      %get3A_293 = arith.constant 288 : index
      %get3A_294 = tpu.vector_load %arg7[%get3A_292, %get3A_293] {strides = array<i32>} : memref<64x768xf32, #tpu.memory_space<vmem>>, vector<1x16xf32>,
      %get3A_295 = vector.shape_cast %get3A_294 : vector<1x16xf32> to vector<16xf32>
      %add3A_296 = arith.addf %get3A_291, %get3A_295 : vector<16xf32>
      %swap3A_297 = arith.index_cast %scan3A_37 : i32 to index
      %swap3A_298 = arith.constant 288 : index
      %swap3A_299 = tpu.vector_load %arg6[%swap3A_297, %swap3A_298] {strides = array<i32>} : memref<64x768xf32, #tpu.memory_space<vmem>>, vector<1x16xf32>,
      %swap3A_300 = vector.shape_cast %swap3A_299 : vector<1x16xf32> to vector<16xf32>
      %swap3A_301 = vector.shape_cast %add3A_296 : vector<16xf32> to vector<1x16xf32>
      tpu.vector_store %arg6[%swap3A_297, %swap3A_298], %swap3A_301 {strides = array<i32>} : memref<64x768xf32, #tpu.memory_space<vmem>>, vector<1x16xf32>,
      %get3A_302 = arith.index_cast %scan3A_37 : i32 to index
      %get3A_303 = arith.constant 304 : index
      %get3A_304 = tpu.vector_load %arg6[%get3A_302, %get3A_303] {strides = array<i32>} : memref<64x768xf32, #tpu.memory_space<vmem>>, vector<1x16xf32>,
      %get3A_305 = vector.shape_cast %get3A_304 : vector<1x16xf32> to vector<16xf32>
      %get3A_306 = arith.index_cast %scan3A_37 : i32 to index
      %get3A_307 = arith.constant 304 : index
      %get3A_308 = tpu.vector_load %arg7[%get3A_306, %get3A_307] {strides = array<i32>} : memref<64x768xf32, #tpu.memory_space<vmem>>, vector<1x16xf32>,
      %get3A_309 = vector.shape_cast %get3A_308 : vector<1x16xf32> to vector<16xf32>
      %add3A_310 = arith.addf %get3A_305, %get3A_309 : vector<16xf32>
      %swap3A_311 = arith.index_cast %scan3A_37 : i32 to index
      %swap3A_312 = arith.constant 304 : index
      %swap3A_313 = tpu.vector_load %arg6[%swap3A_311, %swap3A_312] {strides = array<i32>} : memref<64x768xf32, #tpu.memory_space<vmem>>, vector<1x16xf32>,
      %swap3A_314 = vector.shape_cast %swap3A_313 : vector<1x16xf32> to vector<16xf32>
      %swap3A_315 = vector.shape_cast %add3A_310 : vector<16xf32> to vector<1x16xf32>
      tpu.vector_store %arg6[%swap3A_311, %swap3A_312], %swap3A_315 {strides = array<i32>} : memref<64x768xf32, #tpu.memory_space<vmem>>, vector<1x16xf32>,
      %get3A_316 = arith.index_cast %scan3A_37 : i32 to index
      %get3A_317 = arith.constant 320 : index
      %get3A_318 = tpu.vector_load %arg6[%get3A_316, %get3A_317] {strides = array<i32>} : memref<64x768xf32, #tpu.memory_space<vmem>>, vector<1x16xf32>,
      %get3A_319 = vector.shape_cast %get3A_318 : vector<1x16xf32> to vector<16xf32>
      %get3A_320 = arith.index_cast %scan3A_37 : i32 to index
      %get3A_321 = arith.constant 320 : index
      %get3A_322 = tpu.vector_load %arg7[%get3A_320, %get3A_321] {strides = array<i32>} : memref<64x768xf32, #tpu.memory_space<vmem>>, vector<1x16xf32>,
      %get3A_323 = vector.shape_cast %get3A_322 : vector<1x16xf32> to vector<16xf32>
      %add3A_324 = arith.addf %get3A_319, %get3A_323 : vector<16xf32>
      %swap3A_325 = arith.index_cast %scan3A_37 : i32 to index
      %swap3A_326 = arith.constant 320 : index
      %swap3A_327 = tpu.vector_load %arg6[%swap3A_325, %swap3A_326] {strides = array<i32>} : memref<64x768xf32, #tpu.memory_space<vmem>>, vector<1x16xf32>,
      %swap3A_328 = vector.shape_cast %swap3A_327 : vector<1x16xf32> to vector<16xf32>
      %swap3A_329 = vector.shape_cast %add3A_324 : vector<16xf32> to vector<1x16xf32>
      tpu.vector_store %arg6[%swap3A_325, %swap3A_326], %swap3A_329 {strides = array<i32>} : memref<64x768xf32, #tpu.memory_space<vmem>>, vector<1x16xf32>,
      %get3A_330 = arith.index_cast %scan3A_37 : i32 to index
      %get3A_331 = arith.constant 336 : index
      %get3A_332 = tpu.vector_load %arg6[%get3A_330, %get3A_331] {strides = array<i32>} : memref<64x768xf32, #tpu.memory_space<vmem>>, vector<1x16xf32>,
      %get3A_333 = vector.shape_cast %get3A_332 : vector<1x16xf32> to vector<16xf32>
      %get3A_334 = arith.index_cast %scan3A_37 : i32 to index
      %get3A_335 = arith.constant 336 : index
      %get3A_336 = tpu.vector_load %arg7[%get3A_334, %get3A_335] {strides = array<i32>} : memref<64x768xf32, #tpu.memory_space<vmem>>, vector<1x16xf32>,
      %get3A_337 = vector.shape_cast %get3A_336 : vector<1x16xf32> to vector<16xf32>
      %add3A_338 = arith.addf %get3A_333, %get3A_337 : vector<16xf32>
      %swap3A_339 = arith.index_cast %scan3A_37 : i32 to index
      %swap3A_340 = arith.constant 336 : index
      %swap3A_341 = tpu.vector_load %arg6[%swap3A_339, %swap3A_340] {strides = array<i32>} : memref<64x768xf32, #tpu.memory_space<vmem>>, vector<1x16xf32>,
      %swap3A_342 = vector.shape_cast %swap3A_341 : vector<1x16xf32> to vector<16xf32>
      %swap3A_343 = vector.shape_cast %add3A_338 : vector<16xf32> to vector<1x16xf32>
      tpu.vector_store %arg6[%swap3A_339, %swap3A_340], %swap3A_343 {strides = array<i32>} : memref<64x768xf32, #tpu.memory_space<vmem>>, vector<1x16xf32>,
      %get3A_344 = arith.index_cast %scan3A_37 : i32 to index
      %get3A_345 = arith.constant 352 : index
      %get3A_346 = tpu.vector_load %arg6[%get3A_344, %get3A_345] {strides = array<i32>} : memref<64x768xf32, #tpu.memory_space<vmem>>, vector<1x16xf32>,
      %get3A_347 = vector.shape_cast %get3A_346 : vector<1x16xf32> to vector<16xf32>
      %get3A_348 = arith.index_cast %scan3A_37 : i32 to index
      %get3A_349 = arith.constant 352 : index
      %get3A_350 = tpu.vector_load %arg7[%get3A_348, %get3A_349] {strides = array<i32>} : memref<64x768xf32, #tpu.memory_space<vmem>>, vector<1x16xf32>,
      %get3A_351 = vector.shape_cast %get3A_350 : vector<1x16xf32> to vector<16xf32>
      %add3A_352 = arith.addf %get3A_347, %get3A_351 : vector<16xf32>
      %swap3A_353 = arith.index_cast %scan3A_37 : i32 to index
      %swap3A_354 = arith.constant 352 : index
      %swap3A_355 = tpu.vector_load %arg6[%swap3A_353, %swap3A_354] {strides = array<i32>} : memref<64x768xf32, #tpu.memory_space<vmem>>, vector<1x16xf32>,
      %swap3A_356 = vector.shape_cast %swap3A_355 : vector<1x16xf32> to vector<16xf32>
      %swap3A_357 = vector.shape_cast %add3A_352 : vector<16xf32> to vector<1x16xf32>
      tpu.vector_store %arg6[%swap3A_353, %swap3A_354], %swap3A_357 {strides = array<i32>} : memref<64x768xf32, #tpu.memory_space<vmem>>, vector<1x16xf32>,
      %get3A_358 = arith.index_cast %scan3A_37 : i32 to index
      %get3A_359 = arith.constant 368 : index
      %get3A_360 = tpu.vector_load %arg6[%get3A_358, %get3A_359] {strides = array<i32>} : memref<64x768xf32, #tpu.memory_space<vmem>>, vector<1x16xf32>,
      %get3A_361 = vector.shape_cast %get3A_360 : vector<1x16xf32> to vector<16xf32>
      %get3A_362 = arith.index_cast %scan3A_37 : i32 to index
      %get3A_363 = arith.constant 368 : index
      %get3A_364 = tpu.vector_load %arg7[%get3A_362, %get3A_363] {strides = array<i32>} : memref<64x768xf32, #tpu.memory_space<vmem>>, vector<1x16xf32>,
      %get3A_365 = vector.shape_cast %get3A_364 : vector<1x16xf32> to vector<16xf32>
      %add3A_366 = arith.addf %get3A_361, %get3A_365 : vector<16xf32>
      %swap3A_367 = arith.index_cast %scan3A_37 : i32 to index
      %swap3A_368 = arith.constant 368 : index
      %swap3A_369 = tpu.vector_load %arg6[%swap3A_367, %swap3A_368] {strides = array<i32>} : memref<64x768xf32, #tpu.memory_space<vmem>>, vector<1x16xf32>,
      %swap3A_370 = vector.shape_cast %swap3A_369 : vector<1x16xf32> to vector<16xf32>
      %swap3A_371 = vector.shape_cast %add3A_366 : vector<16xf32> to vector<1x16xf32>
      tpu.vector_store %arg6[%swap3A_367, %swap3A_368], %swap3A_371 {strides = array<i32>} : memref<64x768xf32, #tpu.memory_space<vmem>>, vector<1x16xf32>,
      %get3A_372 = arith.index_cast %scan3A_37 : i32 to index
      %get3A_373 = arith.constant 384 : index
      %get3A_374 = tpu.vector_load %arg6[%get3A_372, %get3A_373] {strides = array<i32>} : memref<64x768xf32, #tpu.memory_space<vmem>>, vector<1x16xf32>,
      %get3A_375 = vector.shape_cast %get3A_374 : vector<1x16xf32> to vector<16xf32>
      %get3A_376 = arith.index_cast %scan3A_37 : i32 to index
      %get3A_377 = arith.constant 384 : index
      %get3A_378 = tpu.vector_load %arg7[%get3A_376, %get3A_377] {strides = array<i32>} : memref<64x768xf32, #tpu.memory_space<vmem>>, vector<1x16xf32>,
      %get3A_379 = vector.shape_cast %get3A_378 : vector<1x16xf32> to vector<16xf32>
      %add3A_380 = arith.addf %get3A_375, %get3A_379 : vector<16xf32>
      %swap3A_381 = arith.index_cast %scan3A_37 : i32 to index
      %swap3A_382 = arith.constant 384 : index
      %swap3A_383 = tpu.vector_load %arg6[%swap3A_381, %swap3A_382] {strides = array<i32>} : memref<64x768xf32, #tpu.memory_space<vmem>>, vector<1x16xf32>,
      %swap3A_384 = vector.shape_cast %swap3A_383 : vector<1x16xf32> to vector<16xf32>
      %swap3A_385 = vector.shape_cast %add3A_380 : vector<16xf32> to vector<1x16xf32>
      tpu.vector_store %arg6[%swap3A_381, %swap3A_382], %swap3A_385 {strides = array<i32>} : memref<64x768xf32, #tpu.memory_space<vmem>>, vector<1x16xf32>,
      %get3A_386 = arith.index_cast %scan3A_37 : i32 to index
      %get3A_387 = arith.constant 400 : index
      %get3A_388 = tpu.vector_load %arg6[%get3A_386, %get3A_387] {strides = array<i32>} : memref<64x768xf32, #tpu.memory_space<vmem>>, vector<1x16xf32>,
      %get3A_389 = vector.shape_cast %get3A_388 : vector<1x16xf32> to vector<16xf32>
      %get3A_390 = arith.index_cast %scan3A_37 : i32 to index
      %get3A_391 = arith.constant 400 : index
      %get3A_392 = tpu.vector_load %arg7[%get3A_390, %get3A_391] {strides = array<i32>} : memref<64x768xf32, #tpu.memory_space<vmem>>, vector<1x16xf32>,
      %get3A_393 = vector.shape_cast %get3A_392 : vector<1x16xf32> to vector<16xf32>
      %add3A_394 = arith.addf %get3A_389, %get3A_393 : vector<16xf32>
      %swap3A_395 = arith.index_cast %scan3A_37 : i32 to index
      %swap3A_396 = arith.constant 400 : index
      %swap3A_397 = tpu.vector_load %arg6[%swap3A_395, %swap3A_396] {strides = array<i32>} : memref<64x768xf32, #tpu.memory_space<vmem>>, vector<1x16xf32>,
      %swap3A_398 = vector.shape_cast %swap3A_397 : vector<1x16xf32> to vector<16xf32>
      %swap3A_399 = vector.shape_cast %add3A_394 : vector<16xf32> to vector<1x16xf32>
      tpu.vector_store %arg6[%swap3A_395, %swap3A_396], %swap3A_399 {strides = array<i32>} : memref<64x768xf32, #tpu.memory_space<vmem>>, vector<1x16xf32>,
      %get3A_400 = arith.index_cast %scan3A_37 : i32 to index
      %get3A_401 = arith.constant 416 : index
      %get3A_402 = tpu.vector_load %arg6[%get3A_400, %get3A_401] {strides = array<i32>} : memref<64x768xf32, #tpu.memory_space<vmem>>, vector<1x16xf32>,
      %get3A_403 = vector.shape_cast %get3A_402 : vector<1x16xf32> to vector<16xf32>
      %get3A_404 = arith.index_cast %scan3A_37 : i32 to index
      %get3A_405 = arith.constant 416 : index
      %get3A_406 = tpu.vector_load %arg7[%get3A_404, %get3A_405] {strides = array<i32>} : memref<64x768xf32, #tpu.memory_space<vmem>>, vector<1x16xf32>,
      %get3A_407 = vector.shape_cast %get3A_406 : vector<1x16xf32> to vector<16xf32>
      %add3A_408 = arith.addf %get3A_403, %get3A_407 : vector<16xf32>
      %swap3A_409 = arith.index_cast %scan3A_37 : i32 to index
      %swap3A_410 = arith.constant 416 : index
      %swap3A_411 = tpu.vector_load %arg6[%swap3A_409, %swap3A_410] {strides = array<i32>} : memref<64x768xf32, #tpu.memory_space<vmem>>, vector<1x16xf32>,
      %swap3A_412 = vector.shape_cast %swap3A_411 : vector<1x16xf32> to vector<16xf32>
      %swap3A_413 = vector.shape_cast %add3A_408 : vector<16xf32> to vector<1x16xf32>
      tpu.vector_store %arg6[%swap3A_409, %swap3A_410], %swap3A_413 {strides = array<i32>} : memref<64x768xf32, #tpu.memory_space<vmem>>, vector<1x16xf32>,
      %get3A_414 = arith.index_cast %scan3A_37 : i32 to index
      %get3A_415 = arith.constant 432 : index
      %get3A_416 = tpu.vector_load %arg6[%get3A_414, %get3A_415] {strides = array<i32>} : memref<64x768xf32, #tpu.memory_space<vmem>>, vector<1x16xf32>,
      %get3A_417 = vector.shape_cast %get3A_416 : vector<1x16xf32> to vector<16xf32>
      %get3A_418 = arith.index_cast %scan3A_37 : i32 to index
      %get3A_419 = arith.constant 432 : index
      %get3A_420 = tpu.vector_load %arg7[%get3A_418, %get3A_419] {strides = array<i32>} : memref<64x768xf32, #tpu.memory_space<vmem>>, vector<1x16xf32>,
      %get3A_421 = vector.shape_cast %get3A_420 : vector<1x16xf32> to vector<16xf32>
      %add3A_422 = arith.addf %get3A_417, %get3A_421 : vector<16xf32>
      %swap3A_423 = arith.index_cast %scan3A_37 : i32 to index
      %swap3A_424 = arith.constant 432 : index
      %swap3A_425 = tpu.vector_load %arg6[%swap3A_423, %swap3A_424] {strides = array<i32>} : memref<64x768xf32, #tpu.memory_space<vmem>>, vector<1x16xf32>,
      %swap3A_426 = vector.shape_cast %swap3A_425 : vector<1x16xf32> to vector<16xf32>
      %swap3A_427 = vector.shape_cast %add3A_422 : vector<16xf32> to vector<1x16xf32>
      tpu.vector_store %arg6[%swap3A_423, %swap3A_424], %swap3A_427 {strides = array<i32>} : memref<64x768xf32, #tpu.memory_space<vmem>>, vector<1x16xf32>,
      %get3A_428 = arith.index_cast %scan3A_37 : i32 to index
      %get3A_429 = arith.constant 448 : index
      %get3A_430 = tpu.vector_load %arg6[%get3A_428, %get3A_429] {strides = array<i32>} : memref<64x768xf32, #tpu.memory_space<vmem>>, vector<1x16xf32>,
      %get3A_431 = vector.shape_cast %get3A_430 : vector<1x16xf32> to vector<16xf32>
      %get3A_432 = arith.index_cast %scan3A_37 : i32 to index
      %get3A_433 = arith.constant 448 : index
      %get3A_434 = tpu.vector_load %arg7[%get3A_432, %get3A_433] {strides = array<i32>} : memref<64x768xf32, #tpu.memory_space<vmem>>, vector<1x16xf32>,
      %get3A_435 = vector.shape_cast %get3A_434 : vector<1x16xf32> to vector<16xf32>
      %add3A_436 = arith.addf %get3A_431, %get3A_435 : vector<16xf32>
      %swap3A_437 = arith.index_cast %scan3A_37 : i32 to index
      %swap3A_438 = arith.constant 448 : index
      %swap3A_439 = tpu.vector_load %arg6[%swap3A_437, %swap3A_438] {strides = array<i32>} : memref<64x768xf32, #tpu.memory_space<vmem>>, vector<1x16xf32>,
      %swap3A_440 = vector.shape_cast %swap3A_439 : vector<1x16xf32> to vector<16xf32>
      %swap3A_441 = vector.shape_cast %add3A_436 : vector<16xf32> to vector<1x16xf32>
      tpu.vector_store %arg6[%swap3A_437, %swap3A_438], %swap3A_441 {strides = array<i32>} : memref<64x768xf32, #tpu.memory_space<vmem>>, vector<1x16xf32>,
      %get3A_442 = arith.index_cast %scan3A_37 : i32 to index
      %get3A_443 = arith.constant 464 : index
      %get3A_444 = tpu.vector_load %arg6[%get3A_442, %get3A_443] {strides = array<i32>} : memref<64x768xf32, #tpu.memory_space<vmem>>, vector<1x16xf32>,
      %get3A_445 = vector.shape_cast %get3A_444 : vector<1x16xf32> to vector<16xf32>
      %get3A_446 = arith.index_cast %scan3A_37 : i32 to index
      %get3A_447 = arith.constant 464 : index
      %get3A_448 = tpu.vector_load %arg7[%get3A_446, %get3A_447] {strides = array<i32>} : memref<64x768xf32, #tpu.memory_space<vmem>>, vector<1x16xf32>,
      %get3A_449 = vector.shape_cast %get3A_448 : vector<1x16xf32> to vector<16xf32>
      %add3A_450 = arith.addf %get3A_445, %get3A_449 : vector<16xf32>
      %swap3A_451 = arith.index_cast %scan3A_37 : i32 to index
      %swap3A_452 = arith.constant 464 : index
      %swap3A_453 = tpu.vector_load %arg6[%swap3A_451, %swap3A_452] {strides = array<i32>} : memref<64x768xf32, #tpu.memory_space<vmem>>, vector<1x16xf32>,
      %swap3A_454 = vector.shape_cast %swap3A_453 : vector<1x16xf32> to vector<16xf32>
      %swap3A_455 = vector.shape_cast %add3A_450 : vector<16xf32> to vector<1x16xf32>
      tpu.vector_store %arg6[%swap3A_451, %swap3A_452], %swap3A_455 {strides = array<i32>} : memref<64x768xf32, #tpu.memory_space<vmem>>, vector<1x16xf32>,
      %get3A_456 = arith.index_cast %scan3A_37 : i32 to index
      %get3A_457 = arith.constant 480 : index
      %get3A_458 = tpu.vector_load %arg6[%get3A_456, %get3A_457] {strides = array<i32>} : memref<64x768xf32, #tpu.memory_space<vmem>>, vector<1x16xf32>,
      %get3A_459 = vector.shape_cast %get3A_458 : vector<1x16xf32> to vector<16xf32>
      %get3A_460 = arith.index_cast %scan3A_37 : i32 to index
      %get3A_461 = arith.constant 480 : index
      %get3A_462 = tpu.vector_load %arg7[%get3A_460, %get3A_461] {strides = array<i32>} : memref<64x768xf32, #tpu.memory_space<vmem>>, vector<1x16xf32>,
      %get3A_463 = vector.shape_cast %get3A_462 : vector<1x16xf32> to vector<16xf32>
      %add3A_464 = arith.addf %get3A_459, %get3A_463 : vector<16xf32>
      %swap3A_465 = arith.index_cast %scan3A_37 : i32 to index
      %swap3A_466 = arith.constant 480 : index
      %swap3A_467 = tpu.vector_load %arg6[%swap3A_465, %swap3A_466] {strides = array<i32>} : memref<64x768xf32, #tpu.memory_space<vmem>>, vector<1x16xf32>,
      %swap3A_468 = vector.shape_cast %swap3A_467 : vector<1x16xf32> to vector<16xf32>
      %swap3A_469 = vector.shape_cast %add3A_464 : vector<16xf32> to vector<1x16xf32>
      tpu.vector_store %arg6[%swap3A_465, %swap3A_466], %swap3A_469 {strides = array<i32>} : memref<64x768xf32, #tpu.memory_space<vmem>>, vector<1x16xf32>,
      %get3A_470 = arith.index_cast %scan3A_37 : i32 to index
      %get3A_471 = arith.constant 496 : index
      %get3A_472 = tpu.vector_load %arg6[%get3A_470, %get3A_471] {strides = array<i32>} : memref<64x768xf32, #tpu.memory_space<vmem>>, vector<1x16xf32>,
      %get3A_473 = vector.shape_cast %get3A_472 : vector<1x16xf32> to vector<16xf32>
      %get3A_474 = arith.index_cast %scan3A_37 : i32 to index
      %get3A_475 = arith.constant 496 : index
      %get3A_476 = tpu.vector_load %arg7[%get3A_474, %get3A_475] {strides = array<i32>} : memref<64x768xf32, #tpu.memory_space<vmem>>, vector<1x16xf32>,
      %get3A_477 = vector.shape_cast %get3A_476 : vector<1x16xf32> to vector<16xf32>
      %add3A_478 = arith.addf %get3A_473, %get3A_477 : vector<16xf32>
      %swap3A_479 = arith.index_cast %scan3A_37 : i32 to index
      %swap3A_480 = arith.constant 496 : index
      %swap3A_481 = tpu.vector_load %arg6[%swap3A_479, %swap3A_480] {strides = array<i32>} : memref<64x768xf32, #tpu.memory_space<vmem>>, vector<1x16xf32>,
      %swap3A_482 = vector.shape_cast %swap3A_481 : vector<1x16xf32> to vector<16xf32>
      %swap3A_483 = vector.shape_cast %add3A_478 : vector<16xf32> to vector<1x16xf32>
      tpu.vector_store %arg6[%swap3A_479, %swap3A_480], %swap3A_483 {strides = array<i32>} : memref<64x768xf32, #tpu.memory_space<vmem>>, vector<1x16xf32>,
      %get3A_484 = arith.index_cast %scan3A_37 : i32 to index
      %get3A_485 = arith.constant 512 : index
      %get3A_486 = tpu.vector_load %arg6[%get3A_484, %get3A_485] {strides = array<i32>} : memref<64x768xf32, #tpu.memory_space<vmem>>, vector<1x16xf32>,
      %get3A_487 = vector.shape_cast %get3A_486 : vector<1x16xf32> to vector<16xf32>
      %get3A_488 = arith.index_cast %scan3A_37 : i32 to index
      %get3A_489 = arith.constant 512 : index
      %get3A_490 = tpu.vector_load %arg7[%get3A_488, %get3A_489] {strides = array<i32>} : memref<64x768xf32, #tpu.memory_space<vmem>>, vector<1x16xf32>,
      %get3A_491 = vector.shape_cast %get3A_490 : vector<1x16xf32> to vector<16xf32>
      %add3A_492 = arith.addf %get3A_487, %get3A_491 : vector<16xf32>
      %swap3A_493 = arith.index_cast %scan3A_37 : i32 to index
      %swap3A_494 = arith.constant 512 : index
      %swap3A_495 = tpu.vector_load %arg6[%swap3A_493, %swap3A_494] {strides = array<i32>} : memref<64x768xf32, #tpu.memory_space<vmem>>, vector<1x16xf32>,
      %swap3A_496 = vector.shape_cast %swap3A_495 : vector<1x16xf32> to vector<16xf32>
      %swap3A_497 = vector.shape_cast %add3A_492 : vector<16xf32> to vector<1x16xf32>
      tpu.vector_store %arg6[%swap3A_493, %swap3A_494], %swap3A_497 {strides = array<i32>} : memref<64x768xf32, #tpu.memory_space<vmem>>, vector<1x16xf32>,
      %get3A_498 = arith.index_cast %scan3A_37 : i32 to index
      %get3A_499 = arith.constant 528 : index
      %get3A_500 = tpu.vector_load %arg6[%get3A_498, %get3A_499] {strides = array<i32>} : memref<64x768xf32, #tpu.memory_space<vmem>>, vector<1x16xf32>,
      %get3A_501 = vector.shape_cast %get3A_500 : vector<1x16xf32> to vector<16xf32>
      %get3A_502 = arith.index_cast %scan3A_37 : i32 to index
      %get3A_503 = arith.constant 528 : index
      %get3A_504 = tpu.vector_load %arg7[%get3A_502, %get3A_503] {strides = array<i32>} : memref<64x768xf32, #tpu.memory_space<vmem>>, vector<1x16xf32>,
      %get3A_505 = vector.shape_cast %get3A_504 : vector<1x16xf32> to vector<16xf32>
      %add3A_506 = arith.addf %get3A_501, %get3A_505 : vector<16xf32>
      %swap3A_507 = arith.index_cast %scan3A_37 : i32 to index
      %swap3A_508 = arith.constant 528 : index
      %swap3A_509 = tpu.vector_load %arg6[%swap3A_507, %swap3A_508] {strides = array<i32>} : memref<64x768xf32, #tpu.memory_space<vmem>>, vector<1x16xf32>,
      %swap3A_510 = vector.shape_cast %swap3A_509 : vector<1x16xf32> to vector<16xf32>
      %swap3A_511 = vector.shape_cast %add3A_506 : vector<16xf32> to vector<1x16xf32>
      tpu.vector_store %arg6[%swap3A_507, %swap3A_508], %swap3A_511 {strides = array<i32>} : memref<64x768xf32, #tpu.memory_space<vmem>>, vector<1x16xf32>,
      %get3A_512 = arith.index_cast %scan3A_37 : i32 to index
      %get3A_513 = arith.constant 544 : index
      %get3A_514 = tpu.vector_load %arg6[%get3A_512, %get3A_513] {strides = array<i32>} : memref<64x768xf32, #tpu.memory_space<vmem>>, vector<1x16xf32>,
      %get3A_515 = vector.shape_cast %get3A_514 : vector<1x16xf32> to vector<16xf32>
      %get3A_516 = arith.index_cast %scan3A_37 : i32 to index
      %get3A_517 = arith.constant 544 : index
      %get3A_518 = tpu.vector_load %arg7[%get3A_516, %get3A_517] {strides = array<i32>} : memref<64x768xf32, #tpu.memory_space<vmem>>, vector<1x16xf32>,
      %get3A_519 = vector.shape_cast %get3A_518 : vector<1x16xf32> to vector<16xf32>
      %add3A_520 = arith.addf %get3A_515, %get3A_519 : vector<16xf32>
      %swap3A_521 = arith.index_cast %scan3A_37 : i32 to index
      %swap3A_522 = arith.constant 544 : index
      %swap3A_523 = tpu.vector_load %arg6[%swap3A_521, %swap3A_522] {strides = array<i32>} : memref<64x768xf32, #tpu.memory_space<vmem>>, vector<1x16xf32>,
      %swap3A_524 = vector.shape_cast %swap3A_523 : vector<1x16xf32> to vector<16xf32>
      %swap3A_525 = vector.shape_cast %add3A_520 : vector<16xf32> to vector<1x16xf32>
      tpu.vector_store %arg6[%swap3A_521, %swap3A_522], %swap3A_525 {strides = array<i32>} : memref<64x768xf32, #tpu.memory_space<vmem>>, vector<1x16xf32>,
      %get3A_526 = arith.index_cast %scan3A_37 : i32 to index
      %get3A_527 = arith.constant 560 : index
      %get3A_528 = tpu.vector_load %arg6[%get3A_526, %get3A_527] {strides = array<i32>} : memref<64x768xf32, #tpu.memory_space<vmem>>, vector<1x16xf32>,
      %get3A_529 = vector.shape_cast %get3A_528 : vector<1x16xf32> to vector<16xf32>
      %get3A_530 = arith.index_cast %scan3A_37 : i32 to index
      %get3A_531 = arith.constant 560 : index
      %get3A_532 = tpu.vector_load %arg7[%get3A_530, %get3A_531] {strides = array<i32>} : memref<64x768xf32, #tpu.memory_space<vmem>>, vector<1x16xf32>,
      %get3A_533 = vector.shape_cast %get3A_532 : vector<1x16xf32> to vector<16xf32>
      %add3A_534 = arith.addf %get3A_529, %get3A_533 : vector<16xf32>
      %swap3A_535 = arith.index_cast %scan3A_37 : i32 to index
      %swap3A_536 = arith.constant 560 : index
      %swap3A_537 = tpu.vector_load %arg6[%swap3A_535, %swap3A_536] {strides = array<i32>} : memref<64x768xf32, #tpu.memory_space<vmem>>, vector<1x16xf32>,
      %swap3A_538 = vector.shape_cast %swap3A_537 : vector<1x16xf32> to vector<16xf32>
      %swap3A_539 = vector.shape_cast %add3A_534 : vector<16xf32> to vector<1x16xf32>
      tpu.vector_store %arg6[%swap3A_535, %swap3A_536], %swap3A_539 {strides = array<i32>} : memref<64x768xf32, #tpu.memory_space<vmem>>, vector<1x16xf32>,
      %get3A_540 = arith.index_cast %scan3A_37 : i32 to index
      %get3A_541 = arith.constant 576 : index
      %get3A_542 = tpu.vector_load %arg6[%get3A_540, %get3A_541] {strides = array<i32>} : memref<64x768xf32, #tpu.memory_space<vmem>>, vector<1x16xf32>,
      %get3A_543 = vector.shape_cast %get3A_542 : vector<1x16xf32> to vector<16xf32>
      %get3A_544 = arith.index_cast %scan3A_37 : i32 to index
      %get3A_545 = arith.constant 576 : index
      %get3A_546 = tpu.vector_load %arg7[%get3A_544, %get3A_545] {strides = array<i32>} : memref<64x768xf32, #tpu.memory_space<vmem>>, vector<1x16xf32>,
      %get3A_547 = vector.shape_cast %get3A_546 : vector<1x16xf32> to vector<16xf32>
      %add3A_548 = arith.addf %get3A_543, %get3A_547 : vector<16xf32>
      %swap3A_549 = arith.index_cast %scan3A_37 : i32 to index
      %swap3A_550 = arith.constant 576 : index
      %swap3A_551 = tpu.vector_load %arg6[%swap3A_549, %swap3A_550] {strides = array<i32>} : memref<64x768xf32, #tpu.memory_space<vmem>>, vector<1x16xf32>,
      %swap3A_552 = vector.shape_cast %swap3A_551 : vector<1x16xf32> to vector<16xf32>
      %swap3A_553 = vector.shape_cast %add3A_548 : vector<16xf32> to vector<1x16xf32>
      tpu.vector_store %arg6[%swap3A_549, %swap3A_550], %swap3A_553 {strides = array<i32>} : memref<64x768xf32, #tpu.memory_space<vmem>>, vector<1x16xf32>,
      %get3A_554 = arith.index_cast %scan3A_37 : i32 to index
      %get3A_555 = arith.constant 592 : index
      %get3A_556 = tpu.vector_load %arg6[%get3A_554, %get3A_555] {strides = array<i32>} : memref<64x768xf32, #tpu.memory_space<vmem>>, vector<1x16xf32>,
      %get3A_557 = vector.shape_cast %get3A_556 : vector<1x16xf32> to vector<16xf32>
      %get3A_558 = arith.index_cast %scan3A_37 : i32 to index
      %get3A_559 = arith.constant 592 : index
      %get3A_560 = tpu.vector_load %arg7[%get3A_558, %get3A_559] {strides = array<i32>} : memref<64x768xf32, #tpu.memory_space<vmem>>, vector<1x16xf32>,
      %get3A_561 = vector.shape_cast %get3A_560 : vector<1x16xf32> to vector<16xf32>
      %add3A_562 = arith.addf %get3A_557, %get3A_561 : vector<16xf32>
      %swap3A_563 = arith.index_cast %scan3A_37 : i32 to index
      %swap3A_564 = arith.constant 592 : index
      %swap3A_565 = tpu.vector_load %arg6[%swap3A_563, %swap3A_564] {strides = array<i32>} : memref<64x768xf32, #tpu.memory_space<vmem>>, vector<1x16xf32>,
      %swap3A_566 = vector.shape_cast %swap3A_565 : vector<1x16xf32> to vector<16xf32>
      %swap3A_567 = vector.shape_cast %add3A_562 : vector<16xf32> to vector<1x16xf32>
      tpu.vector_store %arg6[%swap3A_563, %swap3A_564], %swap3A_567 {strides = array<i32>} : memref<64x768xf32, #tpu.memory_space<vmem>>, vector<1x16xf32>,
      %get3A_568 = arith.index_cast %scan3A_37 : i32 to index
      %get3A_569 = arith.constant 608 : index
      %get3A_570 = tpu.vector_load %arg6[%get3A_568, %get3A_569] {strides = array<i32>} : memref<64x768xf32, #tpu.memory_space<vmem>>, vector<1x16xf32>,
      %get3A_571 = vector.shape_cast %get3A_570 : vector<1x16xf32> to vector<16xf32>
      %get3A_572 = arith.index_cast %scan3A_37 : i32 to index
      %get3A_573 = arith.constant 608 : index
      %get3A_574 = tpu.vector_load %arg7[%get3A_572, %get3A_573] {strides = array<i32>} : memref<64x768xf32, #tpu.memory_space<vmem>>, vector<1x16xf32>,
      %get3A_575 = vector.shape_cast %get3A_574 : vector<1x16xf32> to vector<16xf32>
      %add3A_576 = arith.addf %get3A_571, %get3A_575 : vector<16xf32>
      %swap3A_577 = arith.index_cast %scan3A_37 : i32 to index
      %swap3A_578 = arith.constant 608 : index
      %swap3A_579 = tpu.vector_load %arg6[%swap3A_577, %swap3A_578] {strides = array<i32>} : memref<64x768xf32, #tpu.memory_space<vmem>>, vector<1x16xf32>,
      %swap3A_580 = vector.shape_cast %swap3A_579 : vector<1x16xf32> to vector<16xf32>
      %swap3A_581 = vector.shape_cast %add3A_576 : vector<16xf32> to vector<1x16xf32>
      tpu.vector_store %arg6[%swap3A_577, %swap3A_578], %swap3A_581 {strides = array<i32>} : memref<64x768xf32, #tpu.memory_space<vmem>>, vector<1x16xf32>,
      %get3A_582 = arith.index_cast %scan3A_37 : i32 to index
      %get3A_583 = arith.constant 624 : index
      %get3A_584 = tpu.vector_load %arg6[%get3A_582, %get3A_583] {strides = array<i32>} : memref<64x768xf32, #tpu.memory_space<vmem>>, vector<1x16xf32>,
      %get3A_585 = vector.shape_cast %get3A_584 : vector<1x16xf32> to vector<16xf32>
      %get3A_586 = arith.index_cast %scan3A_37 : i32 to index
      %get3A_587 = arith.constant 624 : index
      %get3A_588 = tpu.vector_load %arg7[%get3A_586, %get3A_587] {strides = array<i32>} : memref<64x768xf32, #tpu.memory_space<vmem>>, vector<1x16xf32>,
      %get3A_589 = vector.shape_cast %get3A_588 : vector<1x16xf32> to vector<16xf32>
      %add3A_590 = arith.addf %get3A_585, %get3A_589 : vector<16xf32>
      %swap3A_591 = arith.index_cast %scan3A_37 : i32 to index
      %swap3A_592 = arith.constant 624 : index
      %swap3A_593 = tpu.vector_load %arg6[%swap3A_591, %swap3A_592] {strides = array<i32>} : memref<64x768xf32, #tpu.memory_space<vmem>>, vector<1x16xf32>,
      %swap3A_594 = vector.shape_cast %swap3A_593 : vector<1x16xf32> to vector<16xf32>
      %swap3A_595 = vector.shape_cast %add3A_590 : vector<16xf32> to vector<1x16xf32>
      tpu.vector_store %arg6[%swap3A_591, %swap3A_592], %swap3A_595 {strides = array<i32>} : memref<64x768xf32, #tpu.memory_space<vmem>>, vector<1x16xf32>,
      %get3A_596 = arith.index_cast %scan3A_37 : i32 to index
      %get3A_597 = arith.constant 640 : index
      %get3A_598 = tpu.vector_load %arg6[%get3A_596, %get3A_597] {strides = array<i32>} : memref<64x768xf32, #tpu.memory_space<vmem>>, vector<1x16xf32>,
      %get3A_599 = vector.shape_cast %get3A_598 : vector<1x16xf32> to vector<16xf32>
      %get3A_600 = arith.index_cast %scan3A_37 : i32 to index
      %get3A_601 = arith.constant 640 : index
      %get3A_602 = tpu.vector_load %arg7[%get3A_600, %get3A_601] {strides = array<i32>} : memref<64x768xf32, #tpu.memory_space<vmem>>, vector<1x16xf32>,
      %get3A_603 = vector.shape_cast %get3A_602 : vector<1x16xf32> to vector<16xf32>
      %add3A_604 = arith.addf %get3A_599, %get3A_603 : vector<16xf32>
      %swap3A_605 = arith.index_cast %scan3A_37 : i32 to index
      %swap3A_606 = arith.constant 640 : index
      %swap3A_607 = tpu.vector_load %arg6[%swap3A_605, %swap3A_606] {strides = array<i32>} : memref<64x768xf32, #tpu.memory_space<vmem>>, vector<1x16xf32>,
      %swap3A_608 = vector.shape_cast %swap3A_607 : vector<1x16xf32> to vector<16xf32>
      %swap3A_609 = vector.shape_cast %add3A_604 : vector<16xf32> to vector<1x16xf32>
      tpu.vector_store %arg6[%swap3A_605, %swap3A_606], %swap3A_609 {strides = array<i32>} : memref<64x768xf32, #tpu.memory_space<vmem>>, vector<1x16xf32>,
      %get3A_610 = arith.index_cast %scan3A_37 : i32 to index
      %get3A_611 = arith.constant 656 : index
      %get3A_612 = tpu.vector_load %arg6[%get3A_610, %get3A_611] {strides = array<i32>} : memref<64x768xf32, #tpu.memory_space<vmem>>, vector<1x16xf32>,
      %get3A_613 = vector.shape_cast %get3A_612 : vector<1x16xf32> to vector<16xf32>
      %get3A_614 = arith.index_cast %scan3A_37 : i32 to index
      %get3A_615 = arith.constant 656 : index
      %get3A_616 = tpu.vector_load %arg7[%get3A_614, %get3A_615] {strides = array<i32>} : memref<64x768xf32, #tpu.memory_space<vmem>>, vector<1x16xf32>,
      %get3A_617 = vector.shape_cast %get3A_616 : vector<1x16xf32> to vector<16xf32>
      %add3A_618 = arith.addf %get3A_613, %get3A_617 : vector<16xf32>
      %swap3A_619 = arith.index_cast %scan3A_37 : i32 to index
      %swap3A_620 = arith.constant 656 : index
      %swap3A_621 = tpu.vector_load %arg6[%swap3A_619, %swap3A_620] {strides = array<i32>} : memref<64x768xf32, #tpu.memory_space<vmem>>, vector<1x16xf32>,
      %swap3A_622 = vector.shape_cast %swap3A_621 : vector<1x16xf32> to vector<16xf32>
      %swap3A_623 = vector.shape_cast %add3A_618 : vector<16xf32> to vector<1x16xf32>
      tpu.vector_store %arg6[%swap3A_619, %swap3A_620], %swap3A_623 {strides = array<i32>} : memref<64x768xf32, #tpu.memory_space<vmem>>, vector<1x16xf32>,
      %get3A_624 = arith.index_cast %scan3A_37 : i32 to index
      %get3A_625 = arith.constant 672 : index
      %get3A_626 = tpu.vector_load %arg6[%get3A_624, %get3A_625] {strides = array<i32>} : memref<64x768xf32, #tpu.memory_space<vmem>>, vector<1x16xf32>,
      %get3A_627 = vector.shape_cast %get3A_626 : vector<1x16xf32> to vector<16xf32>
      %get3A_628 = arith.index_cast %scan3A_37 : i32 to index
      %get3A_629 = arith.constant 672 : index
      %get3A_630 = tpu.vector_load %arg7[%get3A_628, %get3A_629] {strides = array<i32>} : memref<64x768xf32, #tpu.memory_space<vmem>>, vector<1x16xf32>,
      %get3A_631 = vector.shape_cast %get3A_630 : vector<1x16xf32> to vector<16xf32>
      %add3A_632 = arith.addf %get3A_627, %get3A_631 : vector<16xf32>
      %swap3A_633 = arith.index_cast %scan3A_37 : i32 to index
      %swap3A_634 = arith.constant 672 : index
      %swap3A_635 = tpu.vector_load %arg6[%swap3A_633, %swap3A_634] {strides = array<i32>} : memref<64x768xf32, #tpu.memory_space<vmem>>, vector<1x16xf32>,
      %swap3A_636 = vector.shape_cast %swap3A_635 : vector<1x16xf32> to vector<16xf32>
      %swap3A_637 = vector.shape_cast %add3A_632 : vector<16xf32> to vector<1x16xf32>
      tpu.vector_store %arg6[%swap3A_633, %swap3A_634], %swap3A_637 {strides = array<i32>} : memref<64x768xf32, #tpu.memory_space<vmem>>, vector<1x16xf32>,
      %get3A_638 = arith.index_cast %scan3A_37 : i32 to index
      %get3A_639 = arith.constant 688 : index
      %get3A_640 = tpu.vector_load %arg6[%get3A_638, %get3A_639] {strides = array<i32>} : memref<64x768xf32, #tpu.memory_space<vmem>>, vector<1x16xf32>,
      %get3A_641 = vector.shape_cast %get3A_640 : vector<1x16xf32> to vector<16xf32>
      %get3A_642 = arith.index_cast %scan3A_37 : i32 to index
      %get3A_643 = arith.constant 688 : index
      %get3A_644 = tpu.vector_load %arg7[%get3A_642, %get3A_643] {strides = array<i32>} : memref<64x768xf32, #tpu.memory_space<vmem>>, vector<1x16xf32>,
      %get3A_645 = vector.shape_cast %get3A_644 : vector<1x16xf32> to vector<16xf32>
      %add3A_646 = arith.addf %get3A_641, %get3A_645 : vector<16xf32>
      %swap3A_647 = arith.index_cast %scan3A_37 : i32 to index
      %swap3A_648 = arith.constant 688 : index
      %swap3A_649 = tpu.vector_load %arg6[%swap3A_647, %swap3A_648] {strides = array<i32>} : memref<64x768xf32, #tpu.memory_space<vmem>>, vector<1x16xf32>,
      %swap3A_650 = vector.shape_cast %swap3A_649 : vector<1x16xf32> to vector<16xf32>
      %swap3A_651 = vector.shape_cast %add3A_646 : vector<16xf32> to vector<1x16xf32>
      tpu.vector_store %arg6[%swap3A_647, %swap3A_648], %swap3A_651 {strides = array<i32>} : memref<64x768xf32, #tpu.memory_space<vmem>>, vector<1x16xf32>,
      %get3A_652 = arith.index_cast %scan3A_37 : i32 to index
      %get3A_653 = arith.constant 704 : index
      %get3A_654 = tpu.vector_load %arg6[%get3A_652, %get3A_653] {strides = array<i32>} : memref<64x768xf32, #tpu.memory_space<vmem>>, vector<1x16xf32>,
      %get3A_655 = vector.shape_cast %get3A_654 : vector<1x16xf32> to vector<16xf32>
      %get3A_656 = arith.index_cast %scan3A_37 : i32 to index
      %get3A_657 = arith.constant 704 : index
      %get3A_658 = tpu.vector_load %arg7[%get3A_656, %get3A_657] {strides = array<i32>} : memref<64x768xf32, #tpu.memory_space<vmem>>, vector<1x16xf32>,
      %get3A_659 = vector.shape_cast %get3A_658 : vector<1x16xf32> to vector<16xf32>
      %add3A_660 = arith.addf %get3A_655, %get3A_659 : vector<16xf32>
      %swap3A_661 = arith.index_cast %scan3A_37 : i32 to index
      %swap3A_662 = arith.constant 704 : index
      %swap3A_663 = tpu.vector_load %arg6[%swap3A_661, %swap3A_662] {strides = array<i32>} : memref<64x768xf32, #tpu.memory_space<vmem>>, vector<1x16xf32>,
      %swap3A_664 = vector.shape_cast %swap3A_663 : vector<1x16xf32> to vector<16xf32>
      %swap3A_665 = vector.shape_cast %add3A_660 : vector<16xf32> to vector<1x16xf32>
      tpu.vector_store %arg6[%swap3A_661, %swap3A_662], %swap3A_665 {strides = array<i32>} : memref<64x768xf32, #tpu.memory_space<vmem>>, vector<1x16xf32>,
      %get3A_666 = arith.index_cast %scan3A_37 : i32 to index
      %get3A_667 = arith.constant 720 : index
      %get3A_668 = tpu.vector_load %arg6[%get3A_666, %get3A_667] {strides = array<i32>} : memref<64x768xf32, #tpu.memory_space<vmem>>, vector<1x16xf32>,
      %get3A_669 = vector.shape_cast %get3A_668 : vector<1x16xf32> to vector<16xf32>
      %get3A_670 = arith.index_cast %scan3A_37 : i32 to index
      %get3A_671 = arith.constant 720 : index
      %get3A_672 = tpu.vector_load %arg7[%get3A_670, %get3A_671] {strides = array<i32>} : memref<64x768xf32, #tpu.memory_space<vmem>>, vector<1x16xf32>,
      %get3A_673 = vector.shape_cast %get3A_672 : vector<1x16xf32> to vector<16xf32>
      %add3A_674 = arith.addf %get3A_669, %get3A_673 : vector<16xf32>
      %swap3A_675 = arith.index_cast %scan3A_37 : i32 to index
      %swap3A_676 = arith.constant 720 : index
      %swap3A_677 = tpu.vector_load %arg6[%swap3A_675, %swap3A_676] {strides = array<i32>} : memref<64x768xf32, #tpu.memory_space<vmem>>, vector<1x16xf32>,
      %swap3A_678 = vector.shape_cast %swap3A_677 : vector<1x16xf32> to vector<16xf32>
      %swap3A_679 = vector.shape_cast %add3A_674 : vector<16xf32> to vector<1x16xf32>
      tpu.vector_store %arg6[%swap3A_675, %swap3A_676], %swap3A_679 {strides = array<i32>} : memref<64x768xf32, #tpu.memory_space<vmem>>, vector<1x16xf32>,
      %get3A_680 = arith.index_cast %scan3A_37 : i32 to index
      %get3A_681 = arith.constant 736 : index
      %get3A_682 = tpu.vector_load %arg6[%get3A_680, %get3A_681] {strides = array<i32>} : memref<64x768xf32, #tpu.memory_space<vmem>>, vector<1x16xf32>,
      %get3A_683 = vector.shape_cast %get3A_682 : vector<1x16xf32> to vector<16xf32>
      %get3A_684 = arith.index_cast %scan3A_37 : i32 to index
      %get3A_685 = arith.constant 736 : index
      %get3A_686 = tpu.vector_load %arg7[%get3A_684, %get3A_685] {strides = array<i32>} : memref<64x768xf32, #tpu.memory_space<vmem>>, vector<1x16xf32>,
      %get3A_687 = vector.shape_cast %get3A_686 : vector<1x16xf32> to vector<16xf32>
      %add3A_688 = arith.addf %get3A_683, %get3A_687 : vector<16xf32>
      %swap3A_689 = arith.index_cast %scan3A_37 : i32 to index
      %swap3A_690 = arith.constant 736 : index
      %swap3A_691 = tpu.vector_load %arg6[%swap3A_689, %swap3A_690] {strides = array<i32>} : memref<64x768xf32, #tpu.memory_space<vmem>>, vector<1x16xf32>,
      %swap3A_692 = vector.shape_cast %swap3A_691 : vector<1x16xf32> to vector<16xf32>
      %swap3A_693 = vector.shape_cast %add3A_688 : vector<16xf32> to vector<1x16xf32>
      tpu.vector_store %arg6[%swap3A_689, %swap3A_690], %swap3A_693 {strides = array<i32>} : memref<64x768xf32, #tpu.memory_space<vmem>>, vector<1x16xf32>,
      %get3A_694 = arith.index_cast %scan3A_37 : i32 to index
      %get3A_695 = arith.constant 752 : index
      %get3A_696 = tpu.vector_load %arg6[%get3A_694, %get3A_695] {strides = array<i32>} : memref<64x768xf32, #tpu.memory_space<vmem>>, vector<1x16xf32>,
      %get3A_697 = vector.shape_cast %get3A_696 : vector<1x16xf32> to vector<16xf32>
      %get3A_698 = arith.index_cast %scan3A_37 : i32 to index
      %get3A_699 = arith.constant 752 : index
      %get3A_700 = tpu.vector_load %arg7[%get3A_698, %get3A_699] {strides = array<i32>} : memref<64x768xf32, #tpu.memory_space<vmem>>, vector<1x16xf32>,
      %get3A_701 = vector.shape_cast %get3A_700 : vector<1x16xf32> to vector<16xf32>
      %add3A_702 = arith.addf %get3A_697, %get3A_701 : vector<16xf32>
      %swap3A_703 = arith.index_cast %scan3A_37 : i32 to index
      %swap3A_704 = arith.constant 752 : index
      %swap3A_705 = tpu.vector_load %arg6[%swap3A_703, %swap3A_704] {strides = array<i32>} : memref<64x768xf32, #tpu.memory_space<vmem>>, vector<1x16xf32>,
      %swap3A_706 = vector.shape_cast %swap3A_705 : vector<1x16xf32> to vector<16xf32>
      %swap3A_707 = vector.shape_cast %add3A_702 : vector<16xf32> to vector<1x16xf32>
      tpu.vector_store %arg6[%swap3A_703, %swap3A_704], %swap3A_707 {strides = array<i32>} : memref<64x768xf32, #tpu.memory_space<vmem>>, vector<1x16xf32>,
    }
    %scan3A_36 = arith.constant 64 : i32
    "tpu.region"() ({
      %run_scoped3A_37 = tpu.sem_alloc : memref<!tpu.dma_semaphore, #tpu.memory_space<semaphore_mem>>
      %dma_start3A_38 = arith.constant 0 : i32
      %dma_start3A_39 = tpu.memref_slice %arg4[%mul3A_2, %dma_start3A_38] : memref<2048x768xf32, #tpu.memory_space<hbm>> -> memref<64x768xf32, #tpu.memory_space<hbm>>
      %dma_start3A_40 = arith.constant 0 : i32
      %dma_start3A_41 = tpu.memref_slice %arg4[%mul3A_2, %dma_start3A_40] : memref<2048x768xf32, #tpu.memory_space<hbm>> -> memref<64x768xf32, #tpu.memory_space<hbm>>
      tpu.enqueue_dma source(%arg6 : memref<64x768xf32, #tpu.memory_space<vmem>>) target(%dma_start3A_41 : memref<64x768xf32, #tpu.memory_space<hbm>>) target_semaphore(%run_scoped3A_37 : memref<!tpu.dma_semaphore, #tpu.memory_space<semaphore_mem>>)
      %dma_wait3A_42 = arith.constant 0 : i32
      %dma_wait3A_43 = tpu.memref_slice %arg4[%mul3A_2, %dma_wait3A_42] : memref<2048x768xf32, #tpu.memory_space<hbm>> -> memref<64x768xf32, #tpu.memory_space<hbm>>
      %dma_wait3A_44 = arith.constant 0 : i32
      %dma_wait3A_45 = tpu.memref_slice %arg4[%mul3A_2, %dma_wait3A_44] : memref<2048x768xf32, #tpu.memory_space<hbm>> -> memref<64x768xf32, #tpu.memory_space<hbm>>
      tpu.wait_dma2 semaphore(%run_scoped3A_37 : memref<!tpu.dma_semaphore, #tpu.memory_space<semaphore_mem>>) src(%arg6 : memref<64x768xf32, #tpu.memory_space<vmem>>) dst(%dma_wait3A_45 : memref<64x768xf32, #tpu.memory_space<hbm>>)
      tpu.yield
    }) : () -> ()
    return
  }
}

module attributes {stable_mosaic.version = 14 : i64} {
  func.func @_ffn_kernel(%arg0: i32, %arg1: memref<64xi32, #tpu.memory_space<smem>>, %arg2: memref<128x768xf32, #tpu.memory_space<vmem>>, %arg3: memref<128x1xf32, #tpu.memory_space<vmem>>, %arg4: memref<1x1536x768xf32, #tpu.memory_space<vmem>>, %arg5: memref<8x1536xf32, #tpu.memory_space<vmem>>, %arg6: memref<1x768x768xf32, #tpu.memory_space<vmem>>, %arg7: memref<8x768xf32, #tpu.memory_space<vmem>>, %arg8: memref<128x768xf32, #tpu.memory_space<vmem>>, %arg9: memref<1536x768xbf16, #tpu.memory_space<vmem>>, %arg10: memref<768x768xbf16, #tpu.memory_space<vmem>>) attributes {dimension_semantics = [#tpu.dimension_semantics<arbitrary>], iteration_bounds = array<i64: 40>, scalar_prefetch = 1 : i64, scratch_operands = 2 : i64, tpu.core_type = #tpu.core_type<tc>, window_params = [{transform_indices = @transform_0, window_bounds = array<i64: 128, 768>}, {transform_indices = @transform_1, window_bounds = array<i64: 128, 1>}, {transform_indices = @transform_2, window_bounds = array<i64: 1, 1536, 768>}, {pipeline_mode = #tpu.pipeline_mode<synchronous>, transform_indices = @transform_3, window_bounds = array<i64: 8, 1536>}, {transform_indices = @transform_4, window_bounds = array<i64: 1, 768, 768>}, {pipeline_mode = #tpu.pipeline_mode<synchronous>, transform_indices = @transform_5, window_bounds = array<i64: 8, 768>}, {transform_indices = @transform_6, window_bounds = array<i64: 128, 768>}]} {
    %get3A = arith.index_cast %arg0 : i32 to index
    %get3A_0 = memref.load %arg1[%get3A] : memref<64xi32, #tpu.memory_space<smem>>
    %sub3A = arith.constant 1 : i32
    %sub3A_1 = arith.subi %arg0, %sub3A : i32
    %max3A = arith.constant 0 : i32
    %max3A_2 = arith.maxsi %sub3A_1, %max3A : i32
    %get3A_3 = arith.index_cast %max3A_2 : i32 to index
    %get3A_4 = memref.load %arg1[%get3A_3] : memref<64xi32, #tpu.memory_space<smem>>
    %eq3A = arith.constant 0 : i32
    %eq3A_5 = arith.cmpi eq, %arg0, %eq3A : i32
    %ne3A = arith.cmpi ne, %get3A_0, %get3A_4 : i32
    %or3A = arith.ori %eq3A_5, %ne3A : i1
    %convert_element_type3A = arith.extui %or3A : i1 to i32
    %cond3A = arith.constant 0 : i32
    %cond3A_6 = arith.cmpi ne, %convert_element_type3A, %cond3A : i32
    scf.if %cond3A_6 {
      %get3A_44 = arith.constant 0 : index
      %get3A_45 = arith.constant 0 : index
      %get3A_46 = arith.constant 0 : index
      %get3A_47 = vector.load %arg4[%get3A_44, %get3A_45, %get3A_46] : memref<1x1536x768xf32, #tpu.memory_space<vmem>>, vector<1x1536x768xf32>
      %get3A_48 = vector.shape_cast %get3A_47 : vector<1x1536x768xf32> to vector<1536x768xf32>
      %convert_element_type3A_49 = arith.truncf %get3A_48 : vector<1536x768xf32> to vector<1536x768xbf16>
      %swap3A_50 = arith.constant 0 : index
      %swap3A_51 = arith.constant 0 : index
      %swap3A_52 = vector.load %arg9[%swap3A_50, %swap3A_51] : memref<1536x768xbf16, #tpu.memory_space<vmem>>, vector<1536x768xbf16>
      tpu.vector_store %arg9[%swap3A_50, %swap3A_51], %convert_element_type3A_49 {strides = array<i32>} : memref<1536x768xbf16, #tpu.memory_space<vmem>>, vector<1536x768xbf16>,
      %get3A_53 = arith.constant 0 : index
      %get3A_54 = arith.constant 0 : index
      %get3A_55 = arith.constant 0 : index
      %get3A_56 = vector.load %arg6[%get3A_53, %get3A_54, %get3A_55] : memref<1x768x768xf32, #tpu.memory_space<vmem>>, vector<1x768x768xf32>
      %get3A_57 = vector.shape_cast %get3A_56 : vector<1x768x768xf32> to vector<768x768xf32>
      %convert_element_type3A_58 = arith.truncf %get3A_57 : vector<768x768xf32> to vector<768x768xbf16>
      %swap3A_59 = arith.constant 0 : index
      %swap3A_60 = arith.constant 0 : index
      %swap3A_61 = vector.load %arg10[%swap3A_59, %swap3A_60] : memref<768x768xbf16, #tpu.memory_space<vmem>>, vector<768x768xbf16>
      tpu.vector_store %arg10[%swap3A_59, %swap3A_60], %convert_element_type3A_58 {strides = array<i32>} : memref<768x768xbf16, #tpu.memory_space<vmem>>, vector<768x768xbf16>,
    } else {
    }
    %get3A_7 = arith.constant 0 : index
    %get3A_8 = arith.constant 0 : index
    %get3A_9 = vector.load %arg2[%get3A_7, %get3A_8] : memref<128x768xf32, #tpu.memory_space<vmem>>, vector<128x768xf32>
    %convert_element_type3A_10 = arith.truncf %get3A_9 : vector<128x768xf32> to vector<128x768xbf16>
    %get3A_11 = arith.constant 0 : index
    %get3A_12 = arith.constant 0 : index
    %get3A_13 = vector.load %arg9[%get3A_11, %get3A_12] : memref<1536x768xbf16, #tpu.memory_space<vmem>>, vector<1536x768xbf16>
    %dot_general3A = arith.constant dense<0.000000e+00> : vector<128x1536xf32>
    %dot_general3A_14 = tpu.matmul %convert_element_type3A_10, %get3A_13, %dot_general3A {dimension_numbers = #tpu.dot_dimension_numbers<[1], [1], [0], [0], [0, 0, 1, 0], [], []>, transpose_lhs_hint = false} : vector<128x768xbf16>, vector<1536x768xbf16>, vector<128x1536xf32> -> vector<128x1536xf32>
    %get3A_15 = arith.index_cast %get3A_0 : i32 to index
    %get3A_16 = arith.constant 0 : index
    %get3A_17 = vector.load %arg5[%get3A_15, %get3A_16] : memref<8x1536xf32, #tpu.memory_space<vmem>>, vector<1x1536xf32>
    %add3A = vector.broadcast %get3A_17 : vector<1x1536xf32> to vector<128x1536xf32>
    %add3A_18 = arith.addf %dot_general3A_14, %add3A : vector<128x1536xf32>
    %slice3A = vector.extract_strided_slice %add3A_18 {offsets = [0, 0], sizes = [128, 768], strides = [1, 1]} : vector<128x1536xf32> to vector<128x768xf32>
    %slice3A_19 = vector.extract_strided_slice %add3A_18 {offsets = [0, 768], sizes = [128, 768], strides = [1, 1]} : vector<128x1536xf32> to vector<128x768xf32>
    %logistic3A = arith.negf %slice3A : vector<128x768xf32>
    %logistic3A_20 = math.exp %logistic3A : vector<128x768xf32>
    %logistic3A_21 = arith.constant 1.000000e+00 : f32
    %logistic3A_22 = vector.broadcast %logistic3A_21 : f32 to vector<128x768xf32>
    %logistic3A_23 = arith.addf %logistic3A_22, %logistic3A_20 : vector<128x768xf32>
    %logistic3A_24 = arith.divf %logistic3A_22, %logistic3A_23 : vector<128x768xf32>
    %mul3A = arith.mulf %slice3A, %logistic3A_24 : vector<128x768xf32>
    %mul3A_25 = arith.mulf %mul3A, %slice3A_19 : vector<128x768xf32>
    %convert_element_type3A_26 = arith.truncf %mul3A_25 : vector<128x768xf32> to vector<128x768xbf16>
    %get3A_27 = arith.constant 0 : index
    %get3A_28 = arith.constant 0 : index
    %get3A_29 = vector.load %arg10[%get3A_27, %get3A_28] : memref<768x768xbf16, #tpu.memory_space<vmem>>, vector<768x768xbf16>
    %dot_general3A_30 = arith.constant dense<0.000000e+00> : vector<128x768xf32>
    %dot_general3A_31 = tpu.matmul %convert_element_type3A_26, %get3A_29, %dot_general3A_30 {dimension_numbers = #tpu.dot_dimension_numbers<[1], [1], [0], [0], [0, 0, 1, 0], [], []>, transpose_lhs_hint = false} : vector<128x768xbf16>, vector<768x768xbf16>, vector<128x768xf32> -> vector<128x768xf32>
    %get3A_32 = arith.index_cast %get3A_0 : i32 to index
    %get3A_33 = arith.constant 0 : index
    %get3A_34 = vector.load %arg7[%get3A_32, %get3A_33] : memref<8x768xf32, #tpu.memory_space<vmem>>, vector<1x768xf32>
    %add3A_35 = vector.broadcast %get3A_34 : vector<1x768xf32> to vector<128x768xf32>
    %add3A_36 = arith.addf %dot_general3A_31, %add3A_35 : vector<128x768xf32>
    %get3A_37 = arith.constant 0 : index
    %get3A_38 = arith.constant 0 : index
    %get3A_39 = vector.load %arg3[%get3A_37, %get3A_38] : memref<128x1xf32, #tpu.memory_space<vmem>>, vector<128x1xf32>
    %mul3A_40 = vector.broadcast %get3A_39 : vector<128x1xf32> to vector<128x768xf32>
    %mul3A_41 = arith.mulf %add3A_36, %mul3A_40 : vector<128x768xf32>
    %swap3A = arith.constant 0 : index
    %swap3A_42 = arith.constant 0 : index
    %swap3A_43 = vector.load %arg8[%swap3A, %swap3A_42] : memref<128x768xf32, #tpu.memory_space<vmem>>, vector<128x768xf32>
    tpu.vector_store %arg8[%swap3A, %swap3A_42], %mul3A_41 {strides = array<i32>} : memref<128x768xf32, #tpu.memory_space<vmem>>, vector<128x768xf32>,
    return
  }
  func.func @transform_0(%arg0: i32, %arg1: memref<64xi32, #tpu.memory_space<smem>>) -> (i32, i32) {
    %c0_i32 = arith.constant 0 : i32
    %c0_i32_0 = arith.constant 0 : i32
    return %arg0, %c0_i32 : i32, i32
  }
  func.func @transform_1(%arg0: i32, %arg1: memref<64xi32, #tpu.memory_space<smem>>) -> (i32, i32) {
    %c0_i32 = arith.constant 0 : i32
    %c0_i32_0 = arith.constant 0 : i32
    return %arg0, %c0_i32 : i32, i32
  }
  func.func @transform_2(%arg0: i32, %arg1: memref<64xi32, #tpu.memory_space<smem>>) -> (i32, i32, i32) {
    %get3A = arith.index_cast %arg0 : i32 to index
    %get3A_0 = memref.load %arg1[%get3A] : memref<64xi32, #tpu.memory_space<smem>>
    %c0_i32 = arith.constant 0 : i32
    %c0_i32_1 = arith.constant 0 : i32
    %c0_i32_2 = arith.constant 0 : i32
    return %get3A_0, %c0_i32, %c0_i32_1 : i32, i32, i32
  }
  func.func @transform_3(%arg0: i32, %arg1: memref<64xi32, #tpu.memory_space<smem>>) -> (i32, i32) {
    %c0_i32 = arith.constant 0 : i32
    %c0_i32_0 = arith.constant 0 : i32
    %c0_i32_1 = arith.constant 0 : i32
    return %c0_i32, %c0_i32_0 : i32, i32
  }
  func.func @transform_4(%arg0: i32, %arg1: memref<64xi32, #tpu.memory_space<smem>>) -> (i32, i32, i32) {
    %get3A = arith.index_cast %arg0 : i32 to index
    %get3A_0 = memref.load %arg1[%get3A] : memref<64xi32, #tpu.memory_space<smem>>
    %c0_i32 = arith.constant 0 : i32
    %c0_i32_1 = arith.constant 0 : i32
    %c0_i32_2 = arith.constant 0 : i32
    return %get3A_0, %c0_i32, %c0_i32_1 : i32, i32, i32
  }
  func.func @transform_5(%arg0: i32, %arg1: memref<64xi32, #tpu.memory_space<smem>>) -> (i32, i32) {
    %c0_i32 = arith.constant 0 : i32
    %c0_i32_0 = arith.constant 0 : i32
    %c0_i32_1 = arith.constant 0 : i32
    return %c0_i32, %c0_i32_0 : i32, i32
  }
  func.func @transform_6(%arg0: i32, %arg1: memref<64xi32, #tpu.memory_space<smem>>) -> (i32, i32) {
    %c0_i32 = arith.constant 0 : i32
    %c0_i32_0 = arith.constant 0 : i32
    return %arg0, %c0_i32 : i32, i32
  }
}

module attributes {stable_mosaic.version = 14 : i64} {
  func.func @_prep_kernel(%arg0: i32, %arg1: i32, %arg2: memref<2048x768xf32, #tpu.memory_space<vmem>>, %arg3: memref<8x768xf32, #tpu.memory_space<vmem>>, %arg4: memref<8xf32, #tpu.memory_space<vmem>>, %arg5: memref<2x2048xf32, #tpu.memory_space<vmem>>, %arg6: memref<2x2048xi32, #tpu.memory_space<vmem>>, %arg7: memref<1x64xi32, #tpu.memory_space<vmem>>, %arg8: memref<2x2048xi32, #tpu.memory_space<vmem>>, %arg9: memref<512x512xf32, #tpu.memory_space<vmem>>, %arg10: memref<8x1xf32, #tpu.memory_space<vmem>>, %arg11: memref<8x1xf32, #tpu.memory_space<vmem>>) attributes {dimension_semantics = [#tpu.dimension_semantics<arbitrary>, #tpu.dimension_semantics<arbitrary>], iteration_bounds = array<i64: 2, 4>, scalar_prefetch = 0 : i64, scratch_operands = 4 : i64, tpu.core_type = #tpu.core_type<tc>, window_params = [{pipeline_mode = #tpu.pipeline_mode<synchronous>, transform_indices = @transform_0, window_bounds = array<i64: 2048, 768>}, {pipeline_mode = #tpu.pipeline_mode<synchronous>, transform_indices = @transform_1, window_bounds = array<i64: 8, 768>}, {pipeline_mode = #tpu.pipeline_mode<synchronous>, transform_indices = @transform_2, window_bounds = array<i64: 8>}, {pipeline_mode = #tpu.pipeline_mode<synchronous>, transform_indices = @transform_3, window_bounds = array<i64: 2, 2048>}, {pipeline_mode = #tpu.pipeline_mode<synchronous>, transform_indices = @transform_4, window_bounds = array<i64: 2, 2048>}, {pipeline_mode = #tpu.pipeline_mode<synchronous>, transform_indices = @transform_5, window_bounds = array<i64: 1, 64>}]} {
    %mul3A = arith.constant 512 : i32
    %mul3A_0 = arith.muli %arg1, %mul3A : i32
    %eq3A = arith.constant 0 : i32
    %eq3A_1 = arith.cmpi eq, %arg0, %eq3A : i32
    %eq3A_2 = arith.constant 0 : i32
    %eq3A_3 = arith.cmpi eq, %arg1, %eq3A_2 : i32
    %and3A = arith.andi %eq3A_1, %eq3A_3 : i1
    %convert_element_type3A = arith.extui %and3A : i1 to i32
    %cond3A = arith.constant 0 : i32
    %cond3A_4 = arith.cmpi ne, %convert_element_type3A, %cond3A : i32
    scf.if %cond3A_4 {
      %iota3A = tpu.iota {dimensions = array<i32: 0>} : vector<512x512xi32>
      %iota3A_23 = tpu.iota {dimensions = array<i32: 1>} : vector<512x512xi32>
      %lt3A = arith.cmpi slt, %iota3A, %iota3A_23 : vector<512x512xi32>
      %convert_element_type3A_24 = arith.extui %lt3A : vector<512x512xi1> to vector<512x512xi32>
      %convert_element_type3A_25 = arith.sitofp %convert_element_type3A_24 : vector<512x512xi32> to vector<512x512xf32>
      %swap3A = arith.constant 0 : index
      %swap3A_26 = arith.constant 0 : index
      %swap3A_27 = vector.load %arg9[%swap3A, %swap3A_26] : memref<512x512xf32, #tpu.memory_space<vmem>>, vector<512x512xf32>
      tpu.vector_store %arg9[%swap3A, %swap3A_26], %convert_element_type3A_25 {strides = array<i32>} : memref<512x512xf32, #tpu.memory_space<vmem>>, vector<512x512xf32>,
      %broadcast_in_dim3A = arith.constant 0.000000e+00 : f32
      %broadcast_in_dim3A_28 = vector.broadcast %broadcast_in_dim3A : f32 to vector<8x1xf32>
      %swap3A_29 = arith.constant 0 : index
      %swap3A_30 = arith.constant 0 : index
      %swap3A_31 = vector.load %arg10[%swap3A_29, %swap3A_30] : memref<8x1xf32, #tpu.memory_space<vmem>>, vector<8x1xf32>
      tpu.vector_store %arg10[%swap3A_29, %swap3A_30], %broadcast_in_dim3A_28 {strides = array<i32>} : memref<8x1xf32, #tpu.memory_space<vmem>>, vector<8x1xf32>,
    } else {
    }
    %eq3A_5 = arith.constant 0 : i32
    %eq3A_6 = arith.cmpi eq, %arg0, %eq3A_5 : i32
    %convert_element_type3A_7 = arith.extui %eq3A_6 : i1 to i32
    %cond3A_8 = arith.constant 0 : i32
    %cond3A_9 = arith.cmpi ne, %convert_element_type3A_7, %cond3A_8 : i32
    scf.if %cond3A_9 {
      %get3A = arith.constant 0 : index
      %get3A_23 = arith.constant 0 : index
      %get3A_24 = vector.load %arg3[%get3A, %get3A_23] : memref<8x768xf32, #tpu.memory_space<vmem>>, vector<8x768xf32>
      %get3A_25 = arith.index_cast %mul3A_0 : i32 to index
      %get3A_26 = arith.constant 0 : index
      %get3A_27 = vector.load %arg2[%get3A_25, %get3A_26] : memref<2048x768xf32, #tpu.memory_space<vmem>>, vector<512x768xf32>
      %dot_general3A = arith.constant dense<0.000000e+00> : vector<8x512xf32>
      %dot_general3A_28 = tpu.matmul %get3A_24, %get3A_27, %dot_general3A {dimension_numbers = #tpu.dot_dimension_numbers<[1], [1], [0], [0], [0, 0, 1, 0], [], []>, transpose_lhs_hint = false} : vector<8x768xf32>, vector<512x768xf32>, vector<8x512xf32> -> vector<8x512xf32>
      %get3A_29 = arith.constant 0 : index
      %get3A_30 = vector.load %arg4[%get3A_29] : memref<8xf32, #tpu.memory_space<vmem>>, vector<8xf32>
      %broadcast_in_dim3A = vector.shape_cast %get3A_30 : vector<8xf32> to vector<8x1xf32>
      %add3A = vector.broadcast %broadcast_in_dim3A : vector<8x1xf32> to vector<8x512xf32>
      %add3A_31 = arith.addf %dot_general3A_28, %add3A : vector<8x512xf32>
      %iota3A = tpu.iota {dimensions = array<i32: 0>} : vector<8x512xi32>
      %reduce_max3A = arith.constant dense<0xFF800000> : vector<512xf32>
      %reduce_max3A_32 = vector.multi_reduction <maximumf>, %add3A_31, %reduce_max3A [0] : vector<8x512xf32> to vector<512xf32>
      %broadcast_in_dim3A_33 = vector.shape_cast %reduce_max3A_32 : vector<512xf32> to vector<1x512xf32>
      %eq3A_34 = vector.broadcast %broadcast_in_dim3A_33 : vector<1x512xf32> to vector<8x512xf32>
      %eq3A_35 = arith.cmpf oeq, %add3A_31, %eq3A_34 : vector<8x512xf32>
      %jit3A = arith.constant 8 : i32
      %broadcast_in_dim3A_36 = vector.broadcast %jit3A : i32 to vector<8x512xi32>
      %select_n3A = arith.select %eq3A_35, %iota3A, %broadcast_in_dim3A_36 : vector<8x512xi1>, vector<8x512xi32>
      %reduce_min3A = arith.constant dense<2147483647> : vector<512xi32>
      %reduce_min3A_37 = vector.multi_reduction <minsi>, %select_n3A, %reduce_min3A [0] : vector<8x512xi32> to vector<512xi32>
      %broadcast_in_dim3A_38 = vector.shape_cast %reduce_min3A_37 : vector<512xi32> to vector<1x512xi32>
      %eq3A_39 = vector.broadcast %broadcast_in_dim3A_38 : vector<1x512xi32> to vector<8x512xi32>
      %eq3A_40 = arith.cmpi eq, %iota3A, %eq3A_39 : vector<8x512xi32>
      %jit3A_41 = arith.constant 0xFF800000 : f32
      %broadcast_in_dim3A_42 = vector.broadcast %jit3A_41 : f32 to vector<8x512xf32>
      %select_n3A_43 = arith.select %eq3A_40, %broadcast_in_dim3A_42, %add3A_31 : vector<8x512xi1>, vector<8x512xf32>
      %reduce_max3A_44 = arith.constant dense<0xFF800000> : vector<512xf32>
      %reduce_max3A_45 = vector.multi_reduction <maximumf>, %select_n3A_43, %reduce_max3A_44 [0] : vector<8x512xf32> to vector<512xf32>
      %broadcast_in_dim3A_46 = vector.shape_cast %reduce_max3A_45 : vector<512xf32> to vector<1x512xf32>
      %eq3A_47 = vector.broadcast %broadcast_in_dim3A_46 : vector<1x512xf32> to vector<8x512xf32>
      %eq3A_48 = arith.cmpf oeq, %select_n3A_43, %eq3A_47 : vector<8x512xf32>
      %jit3A_49 = arith.constant 8 : i32
      %broadcast_in_dim3A_50 = vector.broadcast %jit3A_49 : i32 to vector<8x512xi32>
      %select_n3A_51 = arith.select %eq3A_48, %iota3A, %broadcast_in_dim3A_50 : vector<8x512xi1>, vector<8x512xi32>
      %reduce_min3A_52 = arith.constant dense<2147483647> : vector<512xi32>
      %reduce_min3A_53 = vector.multi_reduction <minsi>, %select_n3A_51, %reduce_min3A_52 [0] : vector<8x512xi32> to vector<512xi32>
      %broadcast_in_dim3A_54 = vector.shape_cast %reduce_min3A_53 : vector<512xi32> to vector<1x512xi32>
      %sub3A = arith.subf %broadcast_in_dim3A_46, %broadcast_in_dim3A_33 : vector<1x512xf32>
      %exp3A = math.exp %sub3A : vector<1x512xf32>
      %add3A_55 = arith.constant 1.000000e+00 : f32
      %add3A_56 = vector.broadcast %add3A_55 : f32 to vector<1x512xf32>
      %add3A_57 = arith.addf %add3A_56, %exp3A : vector<1x512xf32>
      %div3A = arith.constant 1.000000e+00 : f32
      %div3A_58 = vector.broadcast %div3A : f32 to vector<1x512xf32>
      %div3A_59 = arith.divf %div3A_58, %add3A_57 : vector<1x512xf32>
      %swap3A = arith.constant 0 : index
      %swap3A_60 = arith.index_cast %mul3A_0 : i32 to index
      %swap3A_61 = vector.load %arg8[%swap3A, %swap3A_60] : memref<2x2048xi32, #tpu.memory_space<vmem>>, vector<1x512xi32>
      tpu.vector_store %arg8[%swap3A, %swap3A_60], %broadcast_in_dim3A_38 {strides = array<i32>} : memref<2x2048xi32, #tpu.memory_space<vmem>>, vector<1x512xi32>,
      %swap3A_62 = arith.constant 1 : index
      %swap3A_63 = arith.index_cast %mul3A_0 : i32 to index
      %swap3A_64 = vector.load %arg8[%swap3A_62, %swap3A_63] : memref<2x2048xi32, #tpu.memory_space<vmem>>, vector<1x512xi32>
      tpu.vector_store %arg8[%swap3A_62, %swap3A_63], %broadcast_in_dim3A_54 {strides = array<i32>} : memref<2x2048xi32, #tpu.memory_space<vmem>>, vector<1x512xi32>,
      %swap3A_65 = arith.constant 0 : index
      %swap3A_66 = arith.index_cast %mul3A_0 : i32 to index
      %swap3A_67 = vector.load %arg5[%swap3A_65, %swap3A_66] : memref<2x2048xf32, #tpu.memory_space<vmem>>, vector<1x512xf32>
      tpu.vector_store %arg5[%swap3A_65, %swap3A_66], %div3A_59 {strides = array<i32>} : memref<2x2048xf32, #tpu.memory_space<vmem>>, vector<1x512xf32>,
      %sub3A_68 = arith.constant 1.000000e+00 : f32
      %sub3A_69 = vector.broadcast %sub3A_68 : f32 to vector<1x512xf32>
      %sub3A_70 = arith.subf %sub3A_69, %div3A_59 : vector<1x512xf32>
      %swap3A_71 = arith.constant 1 : index
      %swap3A_72 = arith.index_cast %mul3A_0 : i32 to index
      %swap3A_73 = vector.load %arg5[%swap3A_71, %swap3A_72] : memref<2x2048xf32, #tpu.memory_space<vmem>>, vector<1x512xf32>
      tpu.vector_store %arg5[%swap3A_71, %swap3A_72], %sub3A_70 {strides = array<i32>} : memref<2x2048xf32, #tpu.memory_space<vmem>>, vector<1x512xf32>,
      %eq3A_74 = vector.broadcast %broadcast_in_dim3A_38 : vector<1x512xi32> to vector<8x512xi32>
      %eq3A_75 = arith.cmpi eq, %iota3A, %eq3A_74 : vector<8x512xi32>
      %convert_element_type3A_76 = arith.extui %eq3A_75 : vector<8x512xi1> to vector<8x512xi32>
      %convert_element_type3A_77 = arith.sitofp %convert_element_type3A_76 : vector<8x512xi32> to vector<8x512xf32>
      %eq3A_78 = vector.broadcast %broadcast_in_dim3A_54 : vector<1x512xi32> to vector<8x512xi32>
      %eq3A_79 = arith.cmpi eq, %iota3A, %eq3A_78 : vector<8x512xi32>
      %convert_element_type3A_80 = arith.extui %eq3A_79 : vector<8x512xi1> to vector<8x512xi32>
      %convert_element_type3A_81 = arith.sitofp %convert_element_type3A_80 : vector<8x512xi32> to vector<8x512xf32>
      %add3A_82 = arith.addf %convert_element_type3A_77, %convert_element_type3A_81 : vector<8x512xf32>
      %get3A_83 = arith.constant 0 : index
      %get3A_84 = arith.constant 0 : index
      %get3A_85 = vector.load %arg10[%get3A_83, %get3A_84] : memref<8x1xf32, #tpu.memory_space<vmem>>, vector<8x1xf32>
      %reduce_sum3A = arith.constant dense<0.000000e+00> : vector<8xf32>
      %reduce_sum3A_86 = vector.multi_reduction <add>, %add3A_82, %reduce_sum3A [1] : vector<8x512xf32> to vector<8xf32>
      %broadcast_in_dim3A_87 = vector.shape_cast %reduce_sum3A_86 : vector<8xf32> to vector<8x1xf32>
      %add3A_88 = arith.addf %get3A_85, %broadcast_in_dim3A_87 : vector<8x1xf32>
      %swap3A_89 = arith.constant 0 : index
      %swap3A_90 = arith.constant 0 : index
      %swap3A_91 = vector.load %arg10[%swap3A_89, %swap3A_90] : memref<8x1xf32, #tpu.memory_space<vmem>>, vector<8x1xf32>
      tpu.vector_store %arg10[%swap3A_89, %swap3A_90], %add3A_88 {strides = array<i32>} : memref<8x1xf32, #tpu.memory_space<vmem>>, vector<8x1xf32>,
    } else {
    }
    %eq3A_10 = arith.constant 0 : i32
    %eq3A_11 = arith.cmpi eq, %arg0, %eq3A_10 : i32
    %eq3A_12 = arith.constant 3 : i32
    %eq3A_13 = arith.cmpi eq, %arg1, %eq3A_12 : i32
    %and3A_14 = arith.andi %eq3A_11, %eq3A_13 : i1
    %convert_element_type3A_15 = arith.extui %and3A_14 : i1 to i32
    %cond3A_16 = arith.constant 0 : i32
    %cond3A_17 = arith.cmpi ne, %convert_element_type3A_15, %cond3A_16 : i32
    scf.if %cond3A_17 {
      %get3A = arith.constant 0 : index
      %get3A_23 = arith.constant 0 : index
      %get3A_24 = vector.load %arg10[%get3A, %get3A_23] : memref<8x1xf32, #tpu.memory_space<vmem>>, vector<8x1xf32>
      %convert_element_type3A_25 = arith.fptosi %get3A_24 : vector<8x1xf32> to vector<8x1xi32>
      %add3A = arith.constant 127 : i32
      %add3A_26 = vector.broadcast %add3A : i32 to vector<8x1xi32>
      %add3A_27 = arith.addi %convert_element_type3A_25, %add3A_26 : vector<8x1xi32>
      %shift_right_arithmetic3A = arith.constant 7 : i32
      %shift_right_arithmetic3A_28 = vector.broadcast %shift_right_arithmetic3A : i32 to vector<8x1xi32>
      %shift_right_arithmetic3A_29 = arith.shrsi %add3A_27, %shift_right_arithmetic3A_28 : vector<8x1xi32>
      %shift_left3A = arith.constant 7 : i32
      %shift_left3A_30 = vector.broadcast %shift_left3A : i32 to vector<8x1xi32>
      %shift_left3A_31 = arith.shli %shift_right_arithmetic3A_29, %shift_left3A_30 : vector<8x1xi32>
      %iota3A = tpu.iota {dimensions = array<i32: 0>} : vector<8x8xi32>
      %iota3A_32 = tpu.iota {dimensions = array<i32: 1>} : vector<8x8xi32>
      %lt3A = arith.cmpi slt, %iota3A_32, %iota3A : vector<8x8xi32>
      %convert_element_type3A_33 = arith.extui %lt3A : vector<8x8xi1> to vector<8x8xi32>
      %convert_element_type3A_34 = arith.sitofp %convert_element_type3A_33 : vector<8x8xi32> to vector<8x8xf32>
      %convert_element_type3A_35 = arith.sitofp %shift_left3A_31 : vector<8x1xi32> to vector<8x1xf32>
      %dot_general3A = arith.constant dense<0.000000e+00> : vector<8x1xf32>
      %dot_general3A_36 = tpu.matmul %convert_element_type3A_34, %convert_element_type3A_35, %dot_general3A {dimension_numbers = #tpu.dot_dimension_numbers<[1], [0], [0], [1], [0, 0, 1, 1], [], []>, transpose_lhs_hint = false} : vector<8x8xf32>, vector<8x1xf32>, vector<8x1xf32> -> vector<8x1xf32>
      %swap3A = arith.constant 0 : index
      %swap3A_37 = arith.constant 0 : index
      %swap3A_38 = vector.load %arg11[%swap3A, %swap3A_37] : memref<8x1xf32, #tpu.memory_space<vmem>>, vector<8x1xf32>
      tpu.vector_store %arg11[%swap3A, %swap3A_37], %dot_general3A_36 {strides = array<i32>} : memref<8x1xf32, #tpu.memory_space<vmem>>, vector<8x1xf32>,
      %convert_element_type3A_39 = arith.fptosi %dot_general3A_36 : vector<8x1xf32> to vector<8x1xi32>
      %add3A_40 = arith.addi %convert_element_type3A_39, %shift_left3A_31 : vector<8x1xi32>
      %shift_right_arithmetic3A_41 = arith.constant 7 : i32
      %shift_right_arithmetic3A_42 = vector.broadcast %shift_right_arithmetic3A_41 : i32 to vector<8x1xi32>
      %shift_right_arithmetic3A_43 = arith.shrsi %add3A_40, %shift_right_arithmetic3A_42 : vector<8x1xi32>
      %iota3A_44 = tpu.iota {dimensions = array<i32: 1>} : vector<1x64xi32>
      %broadcast_in_dim3A = arith.constant 0 : i32
      %broadcast_in_dim3A_45 = vector.broadcast %broadcast_in_dim3A : i32 to vector<1x64xi32>
      %slice3A = vector.extract_strided_slice %shift_right_arithmetic3A_43 {offsets = [0, 0], sizes = [1, 1], strides = [1, 1]} : vector<8x1xi32> to vector<1x1xi32>
      %ge3A = vector.broadcast %slice3A : vector<1x1xi32> to vector<1x64xi32>
      %ge3A_46 = arith.cmpi sge, %iota3A_44, %ge3A : vector<1x64xi32>
      %convert_element_type3A_47 = arith.extui %ge3A_46 : vector<1x64xi1> to vector<1x64xi32>
      %add3A_48 = arith.addi %broadcast_in_dim3A_45, %convert_element_type3A_47 : vector<1x64xi32>
      %slice3A_49 = vector.extract_strided_slice %shift_right_arithmetic3A_43 {offsets = [1, 0], sizes = [1, 1], strides = [1, 1]} : vector<8x1xi32> to vector<1x1xi32>
      %ge3A_50 = vector.broadcast %slice3A_49 : vector<1x1xi32> to vector<1x64xi32>
      %ge3A_51 = arith.cmpi sge, %iota3A_44, %ge3A_50 : vector<1x64xi32>
      %convert_element_type3A_52 = arith.extui %ge3A_51 : vector<1x64xi1> to vector<1x64xi32>
      %add3A_53 = arith.addi %add3A_48, %convert_element_type3A_52 : vector<1x64xi32>
      %slice3A_54 = vector.extract_strided_slice %shift_right_arithmetic3A_43 {offsets = [2, 0], sizes = [1, 1], strides = [1, 1]} : vector<8x1xi32> to vector<1x1xi32>
      %ge3A_55 = vector.broadcast %slice3A_54 : vector<1x1xi32> to vector<1x64xi32>
      %ge3A_56 = arith.cmpi sge, %iota3A_44, %ge3A_55 : vector<1x64xi32>
      %convert_element_type3A_57 = arith.extui %ge3A_56 : vector<1x64xi1> to vector<1x64xi32>
      %add3A_58 = arith.addi %add3A_53, %convert_element_type3A_57 : vector<1x64xi32>
      %slice3A_59 = vector.extract_strided_slice %shift_right_arithmetic3A_43 {offsets = [3, 0], sizes = [1, 1], strides = [1, 1]} : vector<8x1xi32> to vector<1x1xi32>
      %ge3A_60 = vector.broadcast %slice3A_59 : vector<1x1xi32> to vector<1x64xi32>
      %ge3A_61 = arith.cmpi sge, %iota3A_44, %ge3A_60 : vector<1x64xi32>
      %convert_element_type3A_62 = arith.extui %ge3A_61 : vector<1x64xi1> to vector<1x64xi32>
      %add3A_63 = arith.addi %add3A_58, %convert_element_type3A_62 : vector<1x64xi32>
      %slice3A_64 = vector.extract_strided_slice %shift_right_arithmetic3A_43 {offsets = [4, 0], sizes = [1, 1], strides = [1, 1]} : vector<8x1xi32> to vector<1x1xi32>
      %ge3A_65 = vector.broadcast %slice3A_64 : vector<1x1xi32> to vector<1x64xi32>
      %ge3A_66 = arith.cmpi sge, %iota3A_44, %ge3A_65 : vector<1x64xi32>
      %convert_element_type3A_67 = arith.extui %ge3A_66 : vector<1x64xi1> to vector<1x64xi32>
      %add3A_68 = arith.addi %add3A_63, %convert_element_type3A_67 : vector<1x64xi32>
      %slice3A_69 = vector.extract_strided_slice %shift_right_arithmetic3A_43 {offsets = [5, 0], sizes = [1, 1], strides = [1, 1]} : vector<8x1xi32> to vector<1x1xi32>
      %ge3A_70 = vector.broadcast %slice3A_69 : vector<1x1xi32> to vector<1x64xi32>
      %ge3A_71 = arith.cmpi sge, %iota3A_44, %ge3A_70 : vector<1x64xi32>
      %convert_element_type3A_72 = arith.extui %ge3A_71 : vector<1x64xi1> to vector<1x64xi32>
      %add3A_73 = arith.addi %add3A_68, %convert_element_type3A_72 : vector<1x64xi32>
      %slice3A_74 = vector.extract_strided_slice %shift_right_arithmetic3A_43 {offsets = [6, 0], sizes = [1, 1], strides = [1, 1]} : vector<8x1xi32> to vector<1x1xi32>
      %ge3A_75 = vector.broadcast %slice3A_74 : vector<1x1xi32> to vector<1x64xi32>
      %ge3A_76 = arith.cmpi sge, %iota3A_44, %ge3A_75 : vector<1x64xi32>
      %convert_element_type3A_77 = arith.extui %ge3A_76 : vector<1x64xi1> to vector<1x64xi32>
      %add3A_78 = arith.addi %add3A_73, %convert_element_type3A_77 : vector<1x64xi32>
      %slice3A_79 = vector.extract_strided_slice %shift_right_arithmetic3A_43 {offsets = [7, 0], sizes = [1, 1], strides = [1, 1]} : vector<8x1xi32> to vector<1x1xi32>
      %ge3A_80 = vector.broadcast %slice3A_79 : vector<1x1xi32> to vector<1x64xi32>
      %ge3A_81 = arith.cmpi sge, %iota3A_44, %ge3A_80 : vector<1x64xi32>
      %convert_element_type3A_82 = arith.extui %ge3A_81 : vector<1x64xi1> to vector<1x64xi32>
      %add3A_83 = arith.addi %add3A_78, %convert_element_type3A_82 : vector<1x64xi32>
      %min3A = arith.constant 7 : i32
      %min3A_84 = vector.broadcast %min3A : i32 to vector<1x64xi32>
      %min3A_85 = arith.minsi %add3A_83, %min3A_84 : vector<1x64xi32>
      %swap3A_86 = arith.constant 0 : index
      %swap3A_87 = arith.constant 0 : index
      %swap3A_88 = vector.load %arg7[%swap3A_86, %swap3A_87] : memref<1x64xi32, #tpu.memory_space<vmem>>, vector<1x64xi32>
      tpu.vector_store %arg7[%swap3A_86, %swap3A_87], %min3A_85 {strides = array<i32>} : memref<1x64xi32, #tpu.memory_space<vmem>>, vector<1x64xi32>,
      %swap3A_89 = arith.constant 0 : index
      %swap3A_90 = arith.constant 0 : index
      %swap3A_91 = vector.load %arg10[%swap3A_89, %swap3A_90] : memref<8x1xf32, #tpu.memory_space<vmem>>, vector<8x1xf32>
      tpu.vector_store %arg10[%swap3A_89, %swap3A_90], %dot_general3A_36 {strides = array<i32>} : memref<8x1xf32, #tpu.memory_space<vmem>>, vector<8x1xf32>,
    } else {
    }
    %eq3A_18 = arith.constant 1 : i32
    %eq3A_19 = arith.cmpi eq, %arg0, %eq3A_18 : i32
    %convert_element_type3A_20 = arith.extui %eq3A_19 : i1 to i32
    %cond3A_21 = arith.constant 0 : i32
    %cond3A_22 = arith.cmpi ne, %convert_element_type3A_20, %cond3A_21 : i32
    scf.if %cond3A_22 {
      %get3A = arith.constant 0 : index
      %get3A_23 = arith.index_cast %mul3A_0 : i32 to index
      %get3A_24 = vector.load %arg8[%get3A, %get3A_23] : memref<2x2048xi32, #tpu.memory_space<vmem>>, vector<1x512xi32>
      %get3A_25 = arith.constant 1 : index
      %get3A_26 = arith.index_cast %mul3A_0 : i32 to index
      %get3A_27 = vector.load %arg8[%get3A_25, %get3A_26] : memref<2x2048xi32, #tpu.memory_space<vmem>>, vector<1x512xi32>
      %iota3A = tpu.iota {dimensions = array<i32: 0>} : vector<8x512xi32>
      %eq3A_28 = vector.broadcast %get3A_24 : vector<1x512xi32> to vector<8x512xi32>
      %eq3A_29 = arith.cmpi eq, %iota3A, %eq3A_28 : vector<8x512xi32>
      %convert_element_type3A_30 = arith.extui %eq3A_29 : vector<8x512xi1> to vector<8x512xi32>
      %convert_element_type3A_31 = arith.sitofp %convert_element_type3A_30 : vector<8x512xi32> to vector<8x512xf32>
      %eq3A_32 = vector.broadcast %get3A_27 : vector<1x512xi32> to vector<8x512xi32>
      %eq3A_33 = arith.cmpi eq, %iota3A, %eq3A_32 : vector<8x512xi32>
      %convert_element_type3A_34 = arith.extui %eq3A_33 : vector<8x512xi1> to vector<8x512xi32>
      %convert_element_type3A_35 = arith.sitofp %convert_element_type3A_34 : vector<8x512xi32> to vector<8x512xf32>
      %get3A_36 = arith.constant 0 : index
      %get3A_37 = arith.constant 0 : index
      %get3A_38 = vector.load %arg9[%get3A_36, %get3A_37] : memref<512x512xf32, #tpu.memory_space<vmem>>, vector<512x512xf32>
      %dot_general3A = arith.constant dense<0.000000e+00> : vector<8x512xf32>
      %dot_general3A_39 = tpu.matmul %convert_element_type3A_31, %get3A_38, %dot_general3A {dimension_numbers = #tpu.dot_dimension_numbers<[1], [0], [0], [1], [0, 0, 1, 1], [], []>, transpose_lhs_hint = false} : vector<8x512xf32>, vector<512x512xf32>, vector<8x512xf32> -> vector<8x512xf32>
      %reduce_sum3A = arith.constant dense<0.000000e+00> : vector<8xf32>
      %reduce_sum3A_40 = vector.multi_reduction <add>, %convert_element_type3A_31, %reduce_sum3A [1] : vector<8x512xf32> to vector<8xf32>
      %broadcast_in_dim3A = vector.shape_cast %reduce_sum3A_40 : vector<8xf32> to vector<8x1xf32>
      %get3A_41 = arith.constant 0 : index
      %get3A_42 = arith.constant 0 : index
      %get3A_43 = vector.load %arg9[%get3A_41, %get3A_42] : memref<512x512xf32, #tpu.memory_space<vmem>>, vector<512x512xf32>
      %dot_general3A_44 = arith.constant dense<0.000000e+00> : vector<8x512xf32>
      %dot_general3A_45 = tpu.matmul %convert_element_type3A_35, %get3A_43, %dot_general3A_44 {dimension_numbers = #tpu.dot_dimension_numbers<[1], [0], [0], [1], [0, 0, 1, 1], [], []>, transpose_lhs_hint = false} : vector<8x512xf32>, vector<512x512xf32>, vector<8x512xf32> -> vector<8x512xf32>
      %add3A = vector.broadcast %broadcast_in_dim3A : vector<8x1xf32> to vector<8x512xf32>
      %add3A_46 = arith.addf %dot_general3A_45, %add3A : vector<8x512xf32>
      %get3A_47 = arith.constant 0 : index
      %get3A_48 = arith.constant 0 : index
      %get3A_49 = vector.load %arg10[%get3A_47, %get3A_48] : memref<8x1xf32, #tpu.memory_space<vmem>>, vector<8x1xf32>
      %add3A_50 = vector.broadcast %get3A_49 : vector<8x1xf32> to vector<8x512xf32>
      %add3A_51 = arith.addf %add3A_50, %dot_general3A_39 : vector<8x512xf32>
      %mul3A_52 = arith.mulf %convert_element_type3A_31, %add3A_51 : vector<8x512xf32>
      %reduce_sum3A_53 = arith.constant dense<0.000000e+00> : vector<512xf32>
      %reduce_sum3A_54 = vector.multi_reduction <add>, %mul3A_52, %reduce_sum3A_53 [0] : vector<8x512xf32> to vector<512xf32>
      %broadcast_in_dim3A_55 = vector.shape_cast %reduce_sum3A_54 : vector<512xf32> to vector<1x512xf32>
      %add3A_56 = vector.broadcast %get3A_49 : vector<8x1xf32> to vector<8x512xf32>
      %add3A_57 = arith.addf %add3A_56, %add3A_46 : vector<8x512xf32>
      %mul3A_58 = arith.mulf %convert_element_type3A_35, %add3A_57 : vector<8x512xf32>
      %reduce_sum3A_59 = arith.constant dense<0.000000e+00> : vector<512xf32>
      %reduce_sum3A_60 = vector.multi_reduction <add>, %mul3A_58, %reduce_sum3A_59 [0] : vector<8x512xf32> to vector<512xf32>
      %broadcast_in_dim3A_61 = vector.shape_cast %reduce_sum3A_60 : vector<512xf32> to vector<1x512xf32>
      %convert_element_type3A_62 = arith.fptosi %broadcast_in_dim3A_55 : vector<1x512xf32> to vector<1x512xi32>
      %swap3A = arith.constant 0 : index
      %swap3A_63 = arith.index_cast %mul3A_0 : i32 to index
      %swap3A_64 = vector.load %arg6[%swap3A, %swap3A_63] : memref<2x2048xi32, #tpu.memory_space<vmem>>, vector<1x512xi32>
      tpu.vector_store %arg6[%swap3A, %swap3A_63], %convert_element_type3A_62 {strides = array<i32>} : memref<2x2048xi32, #tpu.memory_space<vmem>>, vector<1x512xi32>,
      %convert_element_type3A_65 = arith.fptosi %broadcast_in_dim3A_61 : vector<1x512xf32> to vector<1x512xi32>
      %swap3A_66 = arith.constant 1 : index
      %swap3A_67 = arith.index_cast %mul3A_0 : i32 to index
      %swap3A_68 = vector.load %arg6[%swap3A_66, %swap3A_67] : memref<2x2048xi32, #tpu.memory_space<vmem>>, vector<1x512xi32>
      tpu.vector_store %arg6[%swap3A_66, %swap3A_67], %convert_element_type3A_65 {strides = array<i32>} : memref<2x2048xi32, #tpu.memory_space<vmem>>, vector<1x512xi32>,
      %add3A_69 = arith.addf %get3A_49, %broadcast_in_dim3A : vector<8x1xf32>
      %reduce_sum3A_70 = arith.constant dense<0.000000e+00> : vector<8xf32>
      %reduce_sum3A_71 = vector.multi_reduction <add>, %convert_element_type3A_35, %reduce_sum3A_70 [1] : vector<8x512xf32> to vector<8xf32>
      %broadcast_in_dim3A_72 = vector.shape_cast %reduce_sum3A_71 : vector<8xf32> to vector<8x1xf32>
      %add3A_73 = arith.addf %add3A_69, %broadcast_in_dim3A_72 : vector<8x1xf32>
      %swap3A_74 = arith.constant 0 : index
      %swap3A_75 = arith.constant 0 : index
      %swap3A_76 = vector.load %arg10[%swap3A_74, %swap3A_75] : memref<8x1xf32, #tpu.memory_space<vmem>>, vector<8x1xf32>
      tpu.vector_store %arg10[%swap3A_74, %swap3A_75], %add3A_73 {strides = array<i32>} : memref<8x1xf32, #tpu.memory_space<vmem>>, vector<8x1xf32>,
    } else {
    }
    return
  }
  func.func @transform_0(%arg0: i32, %arg1: i32) -> (i32, i32) {
    %c0_i32 = arith.constant 0 : i32
    %c0_i32_0 = arith.constant 0 : i32
    %c0_i32_1 = arith.constant 0 : i32
    return %c0_i32, %c0_i32_0 : i32, i32
  }
  func.func @transform_1(%arg0: i32, %arg1: i32) -> (i32, i32) {
    %c0_i32 = arith.constant 0 : i32
    %c0_i32_0 = arith.constant 0 : i32
    %c0_i32_1 = arith.constant 0 : i32
    return %c0_i32, %c0_i32_0 : i32, i32
  }
  func.func @transform_2(%arg0: i32, %arg1: i32) -> i32 {
    %c0_i32 = arith.constant 0 : i32
    %c0_i32_0 = arith.constant 0 : i32
    return %c0_i32 : i32
  }
  func.func @transform_3(%arg0: i32, %arg1: i32) -> (i32, i32) {
    %c0_i32 = arith.constant 0 : i32
    %c0_i32_0 = arith.constant 0 : i32
    %c0_i32_1 = arith.constant 0 : i32
    return %c0_i32, %c0_i32_0 : i32, i32
  }
  func.func @transform_4(%arg0: i32, %arg1: i32) -> (i32, i32) {
    %c0_i32 = arith.constant 0 : i32
    %c0_i32_0 = arith.constant 0 : i32
    %c0_i32_1 = arith.constant 0 : i32
    return %c0_i32, %c0_i32_0 : i32, i32
  }
  func.func @transform_5(%arg0: i32, %arg1: i32) -> (i32, i32) {
    %c0_i32 = arith.constant 0 : i32
    %c0_i32_0 = arith.constant 0 : i32
    %c0_i32_1 = arith.constant 0 : i32
    return %c0_i32, %c0_i32_0 : i32, i32
  }
}

</mosaic_0001>

<sc_bundles>
// kernel: kernel.6.cloned.1.call-start
scs
__scs_entry_jumppad:
0x0: {  	(pc) =	sbr.rel $0x88, $3  }
0x1: {  	(tag) =	ssettag $0x0;
	lr =	simm.s32 $0x1  }
0x2: {  	[smem:$0x3F9A] =	sst lr;
	_ =	strace $0xD0000000  }
0x3: {  	_ = 	snop  }
0x4: {  	_ = 	snop  }
0x5: {  	_ = 	snop  }
0x6: {  	_ = 	snop  }
0x7: {  	_ = 	snop  }
__scs_overlays_trampoline_lowered:
0x8: {  	[smem:$0x3FA9] =	sst s0  }
0x9: {  	[smem:$0x3FAA] =	sst s1  }
0xa: {  	[smem:$0x3FAB] =	sst s2  }
0xb: {  	[smem:$0x3FAC] =	sst s3  }
0xc: {  	[smem:$0x3FAD] =	sst s4  }
0xd: {  	[smem:$0x3FAE] =	sst s5  }
0xe: {  	[smem:$0x3FAF] =	sst s6  }
0xf: {  	[smem:$0x3FB0] =	sst s7  }
0x10: {  	[smem:$0x3FB1] =	sst s8  }
0x11: {  	[smem:$0x3FB2] =	sst s9;
	s0 =	simm.s32 @!p0 $0x0  }
0x12: {  	s1 =	sld [smem:$0x3F98];
	s0 =	simm.s32 @p0 $0x1  }
0x13: {  	[smem:$0x3FB3] =	sst s0;
	s0 =	simm.s32 @!p1 $0x0  }
0x14: {  	s2 =	sld [smem:$0x3F97];
	s0 =	simm.s32 @p1 $0x1  }
0x15: {  	[smem:$0x3FB4] =	sst s0;
	s0 =	simm.s32 @!p2 $0x0  }
0x16: {  	s3 =	sld [smem:$0x3FDB];
	s0 =	simm.s32 @p2 $0x1  }
0x17: {  	s4 =	simm.s32 $0x1BF5;
	[smem:$0x3FB6] =	sst s0  }
0x18: {  	s0 =	sld [smem:$0x3F99];
	_ =	swait.ge [sflag:s4], $0x0  }
0x19: {  	s7 =	sld [smem:$0x3F9A]  }
0x1a: {  	s8 =	sadd.s32 $0xFFFFE003, lr  }
0x1b: {  	s9 =	sadd.s32 $0xFFFFFEF7, lr;
	s5 =	simm.s32 $0xFFFFFFFF;
	p2 =	slt.u32 s8, $0xFFFFF086  }
0x1c: {  	p1 =	slt.u32 s9, $0xF7A;
	s5 =	simm.s32 @!p2 $0x0  }
0x1d: {  	s5 =	simm.s32 @p1 $0x1;
	p0 =	seq.s32 s7, s2  }
0x1e: {  	s7 =	smul.u32 @!p0 $0xF7A, s2;
	p2 =	seq.s32 @!p0 s5, $0x0  }
0x1f: {  	s9 =	smul.u32 $0xF7A, s1;
	s8 =	simm.s32 @!p0 $0x1BF5;
	p2 =	por !p2, p0  }
0x20: {  	[sflag:s8] =	ssyncset.s32 @!p0 $0xFFFFF086;
	s6 =	sadd.s32 @!p0 s3, s7;
	s7 =	simm.s32 @!p0 $0x108  }
0x21: {  	s3 =	sadd.s32 s3, s9;
	s6 =	sadd.s32 @!p0 $0x88, s6;
	s7 =	simm.s32 @p2 $0x1082  }
0x22: {  	[simem:s7], [sflag:s8] =	dma.local @!p0 [hbm:s6], $0xF7A  }
0x23: {  	s9 =	sor.u32 $0xD0000000, s2;
	s6 =	simm.s32 $0x108;
	_ =	swait.ge @!p0 [sflag:s8], $0x0  }
0x24: {  	s3 =	sadd.s32 $0x88, s3;
	s6 =	simm.s32 @!p1 $0x1082;
	[sflag:s4] =	ssyncset.s32 $0xFFFFF086  }
0x25: {  	[simem:s6], [sflag:s4] =	dma.local [hbm:s3], $0xF7A  }
0x26: {  	[smem:$0x3F9A] =	sst s1;
	(tag) =	ssettag s2;
	_ =	strace s9  }
0x27: {  	s1 =	sld [smem:$0x3FAA]  }
0x28: {  	s2 =	sld [smem:$0x3FAB]  }
0x29: {  	s4 =	sld [smem:$0x3FAD]  }
0x2a: {  	p0 =	seq.s32 s5, $0x0;
	s5 =	sld [smem:$0x3FAE]  }
0x2b: {  	s6 =	sld [smem:$0x3FAF]  }
0x2c: {  	s7 =	sld [smem:$0x3FB0]  }
0x2d: {  	s3 =	simm.s32 $0x108;
	s8 =	sld [smem:$0x3FB1]  }
0x2e: {  	s3 =	simm.s32 @!p0 $0x1082;
	s9 =	sld [smem:$0x3FB2]  }
0x2f: {  	lr =	sadd.s32 s0, s3;
	s0 =	sld [smem:$0x3FA9]  }
0x30: {  	s3 =	sld [smem:$0x3FAC]  }
0x31: {  	[smem:$0x3FB5] =	sst s10  }
0x32: {  	s10 =	sld [smem:$0x3FB3];
	_ =	sdelay $0x3  }
0x33: {  	p0 =	seq.s32 s10, $0x1;
	s10 =	sld [smem:$0x3FB5];
	_ =	sdelay $0x3  }
0x34: {  	[smem:$0x3FB5] =	sst s10  }
0x35: {  	s10 =	sld [smem:$0x3FB4];
	_ =	sdelay $0x3  }
0x36: {  	p1 =	seq.s32 s10, $0x1;
	s10 =	sld [smem:$0x3FB5];
	_ =	sdelay $0x3  }
0x37: {  	[smem:$0x3FB5] =	sst s10  }
0x38: {  	s10 =	sld [smem:$0x3FB6]  }
0x39: {  	_ = 	snop;
	(pc) =	sbr.ind lr, $3  }
0x3a: {  	_ = 	snop  }
0x3b: {  	_ = 	snop  }
0x3c: {  	p2 =	seq.s32 s10, $0x1;
	s10 =	sld [smem:$0x3FB5]  }
0x3d: {  	_ =	shalt  }
0x3e: {  	_ =	shalt  }
0x3f: {  	_ =	shalt  }
0x40: {  	_ =	shalt  }
0x41: {  	_ =	shalt  }
0x42: {  	_ =	shalt  }
0x43: {  	_ =	shalt  }
0x44: {  	_ =	shalt  }
0x45: {  	_ =	shalt  }
0x46: {  	_ =	shalt  }
0x47: {  	_ =	shalt  }
0x48: {  	_ =	shalt  }
0x49: {  	_ =	shalt  }
0x4a: {  	_ =	shalt  }
0x4b: {  	_ =	shalt  }
0x4c: {  	_ =	shalt  }
0x4d: {  	_ =	shalt  }
0x4e: {  	_ =	shalt  }
0x4f: {  	_ =	shalt  }
0x50: {  	_ =	shalt  }
0x51: {  	_ =	shalt  }
0x52: {  	_ =	shalt  }
0x53: {  	_ =	shalt  }
0x54: {  	_ =	shalt  }
0x55: {  	_ =	shalt  }
0x56: {  	_ =	shalt  }
0x57: {  	_ =	shalt  }
0x58: {  	_ =	shalt  }
0x59: {  	_ =	shalt  }
0x5a: {  	_ =	shalt  }
0x5b: {  	_ =	shalt  }
0x5c: {  	_ =	shalt  }
0x5d: {  	_ =	shalt  }
0x5e: {  	_ =	shalt  }
0x5f: {  	_ =	shalt  }
0x60: {  	_ =	shalt  }
0x61: {  	_ =	shalt  }
0x62: {  	_ =	shalt  }
0x63: {  	_ =	shalt  }
0x64: {  	_ =	shalt  }
0x65: {  	_ =	shalt  }
0x66: {  	_ =	shalt  }
0x67: {  	_ =	shalt  }
0x68: {  	_ =	shalt  }
0x69: {  	_ =	shalt  }
0x6a: {  	_ =	shalt  }
0x6b: {  	_ =	shalt  }
0x6c: {  	_ =	shalt  }
0x6d: {  	_ =	shalt  }
0x6e: {  	_ =	shalt  }
0x6f: {  	_ =	shalt  }
0x70: {  	_ =	shalt  }
0x71: {  	_ =	shalt  }
0x72: {  	_ =	shalt  }
0x73: {  	_ =	shalt  }
0x74: {  	_ =	shalt  }
0x75: {  	_ =	shalt  }
0x76: {  	_ =	shalt  }
0x77: {  	_ =	shalt  }
0x78: {  	_ =	shalt  }
0x79: {  	_ =	shalt  }
0x7a: {  	_ =	shalt  }
0x7b: {  	_ =	shalt  }
0x7c: {  	_ =	shalt  }
0x7d: {  	_ =	shalt  }
0x7e: {  	_ =	shalt  }
0x7f: {  	_ =	shalt  }
0x80: {  	_ =	shalt  }
0x81: {  	_ =	shalt  }
0x82: {  	_ =	shalt  }
0x83: {  	_ =	shalt  }
0x84: {  	_ =	shalt  }
0x85: {  	_ =	shalt  }
0x86: {  	_ =	shalt  }
0x87: {  	_ =	shalt  }
.Lfunc_end0:
.L_simem_size_0:
called_computation_lowered:
.L_overlay_start_0:
0x88: {  	s2 =	sld [smem:$0x3FD9]  }
0x89: {  	s3 =	sld [smem:$0x3FFE];
	_ =	sdelay $0x1  }
0x8a: {  	s1 =	srdreg.scid  }
0x8b: {  	s0 =	sand.u32 $0x1, s1  }
0x8c: {  	s17 =	sshll.u32 s0, $0xA;
	s2 =	sadd.s32 s3, s2  }
0x8d: {  	s2 =	sadd.s32 s2, s17  }
0x8e: {  	[smem:$0x3FC1] =	sst s2  }
0x8f: {  	_ = 	snop  }
0x90: {  	s2 =	sld [smem:$0x3FC9]  }
0x91: {  	s18 =	sld [smem:$0x3FD0];
	(tm) =	ssettm $0x1  }
0x92: {  	s4 =	sld [smem:$0x3FFB];
	_ =	sdelay $0x3  }
0x93: {  	_ =	strace s4  }
0x94: {  	s4 =	sld [smem:$0x3FFC];
	_ =	sdelay $0x3  }
0x95: {  	_ =	strace s4  }
0x96: {  	s4 =	sld [smem:$0x3FFD];
	_ =	sdelay $0x3  }
0x97: {  	_ =	strace s4  }
0x98: {  	_ =	strace $0x8FFFFFFF  }
0x99: {  	s19 =	sld [smem:$0x3FDB];
	_ =	sdelay $0x1  }
0x9a: {  	s5 =	simm.s32 $_scs_section_size  }
0x9b: {  	s6 =	simm.s32 $_size__tile_overlayer_lowered;
	s7 =	simm.s32 $_tile_overlayer_lowered  }
0x9c: {  	s22 =	simm.s32 $0x1BFF;
	s21 =	sshll.u32 s7, $0x1;
	s4 =	sadd.s32 s5, s19  }
0x9d: {  	s8 =	simm.s32 $0x0;
	s20 =	sshll.u32 s6, $0x1;
	s6 =	sadd.s32 s21, s4  }
0x9e: {  	[timem:s8], [sflag:s22] =	dma.local [hbm:s6], s20  }
0x9f: {  	_ =	swait.ge [sflag:s22], s20  }
0xa0: {  	s5 =	ssub.s32 $0x0, s20;
	[sflag:s22] =	ssyncset.done $0x0  }
0xa1: {  	[sflag:s22] =	ssyncadd.s32 s5;
	_ =	sdelay $0x1  }
0xa2: {  	s23 =	simm.s32 $0x1B8B  }
0xa3: {  	_ =	swait.ge [sflag:s23], $0x1  }
0xa4: {  	[sflag:s23] =	ssyncset.done $0x0  }
0xa5: {  	s25 =	simm.s32 $0x1B8E;
	s24 =	sld [smem:$0x3FFE];
	[sflag:s23] =	ssyncadd.s32 $0xFFFFFFFF  }
0xa6: {  	s26 =	simm.s32 $execute0_lowered;
	[smem:$0x3FD2] =	sst s25  }
0xa7: {  	s6 =	sshll.u32 s26, $0x1;
	_ =	strace $0x80000046;
	[dreg:$0x1] =	wrdreg $0xFFFFFFFF  }
0xa8: {  	s28 =	simm.s32 $_size_execute0_lowered;
	s4 =	sadd.s32 s4, s6;
	[dreg:$0x0] =	wrdreg $0x0  }
0xa9: {  	s6 =	sshll.u32 s28, $0x1;
	[dreg:$0x2] =	wrdreg s4  }
0xaa: {  	[dreg:$0x3] =	wrdreg s6  }
0xab: {  	[dreg:$0x4] =	wrdreg $0xC0  }
0xac: {  	_ =	task [dreg:s8], $0x5FFFF  }
0xad: {  	[dreg:$0x1] =	wrdreg $0xFFFFFFFF  }
0xae: {  	[dreg:$0x0] =	wrdreg $0x60  }
0xaf: {  	[dreg:$0x2] =	wrdreg s24  }
0xb0: {  	[dreg:$0x3] =	wrdreg s2  }
0xb1: {  	[dreg:$0x4] =	wrdreg s18  }
0xb2: {  	[dreg:$0x5] =	wrdreg $0x9  }
0xb3: {  	_ =	task.clear_ibuf [dreg:s8], $0x6FFFF;
	_ =	strace $0x90000046  }
0xb4: {  	s29 =	simm.s32 $0x9;
	_ =	strace $0x80000048  }
0xb5: {  	_ =	swait.ge [sflag:s29], $0x1  }
0xb6: {  	[sflag:s29] =	ssyncadd.s32 $0xFFFFFFFF  }
0xb7: {  	_ =	strace $0x90000048  }
0xb8: {  	_ =	sfence  }
0xb9: {  	s30 =	sld [smem:$0x0];
	_ =	sdelay $0x2  }
0xba: {  	s31 =	sshll.u32 s1, $0xD;
	s1 =	sshrl.u32 s1, $0x2  }
0xbb: {  	s3 =	sand.u32 $0x4000, s31;
	s1 =	sadd.s32 s1, s30  }
0xbc: {  	s0 =	sor.u32 s3, s0;
	s1 =	sshll.u32 s1, $0x11  }
0xbd: {  	s0 =	sor.u32 s1, s0  }
0xbe: {  	s0 =	sadd.s32 $0x8F2B, s0  }
0xbf: {  	[sflag:s0] =	ssyncadd.remote.s32 $0x1  }
0xc0: {  	_ =	sfence.sel $0xFFFF  }
0xc1: {  	[dreg:$0x0] =	wrdreg $0xFFFFFFFF;
	(pc) =	sbr.abs _section_cstart, $3  }
0xc2: {  	[dreg:$0x1] =	wrdreg $0xFFFFFFFF  }
0xc3: {  	_ =	task.clear_ibuf [dreg:s8], $0x2FFFF;
	_ =	strace $0x9FFFFFFF  }
0xc4: {  	(tm) =	ssettm $0x7FFFFFFF  }
0xc5: {  	_ =	shalt  }
tec
execute0_lowered:
.L_overlay_start_1:
0x0: {  	(tag) =	ssettag $0x1  }
0x1: {  	s0 =	srdreg.scid;
	s1 =	rddreg [dreg:$0x0]  }
0x2: {  	s3 =	stileid.u32;
	s2 =	rddreg [dreg:$0x1]  }
0x3: {  	s13 =	simm.s32 $0x1;
	s18 =	simm.s32 $0x1200;
	s19 =	simm.s32 $0x1A00  }
0x4: {  	s20 =	simm.s32 $0x2200;
	s21 =	simm.s32 $0x2A00;
	s22 =	simm.s32 $0x3200  }
0x5: {  	s23 =	simm.s32 $0x3A00;
	s28 =	simm.s32 $0x5A00;
	s29 =	simm.s32 $0x6200  }
0x6: {  	s30 =	simm.s32 $0x6A00;
	s31 =	simm.s32 $0x7200;
	s15 =	simm.s32 $0x8200  }
0x7: {  	s10 =	simm.s32 $0x9A00;
	s11 =	simm.s32 $0xA200;
	s12 =	simm.s32 $0xAA00  }
0x8: {  	s16 =	simm.s32 $0xB200;
	s17 =	simm.s32 $0xBA00;
	s0 =	sand.u32 $0x1, s0  }
0x9: {  	s3 =	sshll.u32 s3, $0x7;
	s24 =	sadd.s32 $0x1E00, s1;
	s4 =	sshll.u32 s0, $0x6  }
0xa: {  	s8 =	sadd.s32 $0x2000, s1;
	s0 =	ssub.s32 $0x2, s0;
	s5 =	sor.u32 s4, s3  }
0xb: {  	s3 =	simm.s32 $0x0;
	s26 =	sshrl.u32 s0, $0x1;
	s6 =	sshll.u32 s5, $0x1  }
0xc: {  	[smem:$0x7FF] =	sst s3;
	s5 =	sshrl.u32 s5, $0x3;
	s0 =	ssub.s32 s0, s26  }
0xd: {  	s26 =	simm.s32 $0x5200;
	s7 =	sand.u32 $0xF00, s6;
	s5 =	smul.u32 $0x300, s5  }
0xe: {  	_ =	strace $0x80000047;
	s7 =	sor.u32 s4, s7;
	s4 =	sor.u32 s4, s6  }
0xf: {  	s7 =	sshrl.u32 s7, $0x3;
	s4 =	sshrl.u32 s4, $0x3;
	s2 =	sadd.s32 s2, s5  }
0x10: {  	s5 =	sadd.s32 $0x2300, s1;
	s9 =	sadd.s32 s24, s7;
	[dreg:$0x8] =	wrdreg s2  }
0x11: {  	s4 =	sor.u32 $0x10, s4;
	s25 =	sadd.s32 s8, s7;
	[dreg:$0x4] =	wrdreg s9  }
0x12: {  	s7 =	smax.u32 s0, $0x1;
	s6 =	sadd.s32 s24, s4;
	[dreg:$0x6] =	wrdreg s25  }
0x13: {  	v2 =	vlaneseq.u32;
	s4 =	sadd.s32 s8, s4;
	s8 =	simm.s32 $0x2;
	s24 =	simm.s32 $0x4200  }
0x14: {  	vm0 =	vmmov $0xffff;
	v1 =	vshrl.u32 v2, $0x3;
	s25 =	simm.s32 $0x4A00;
	s9 =	simm.s32 $0x9200;
	[dreg:$0x5] =	wrdreg s6  }
0x15: {  	v0 =	vand.u32 $0x7, v2;
	v2 =	vor.u32 $0x8, v2;
	v1 =	vmul.u32 $0x8, v1;
	[dreg:$0x7] =	wrdreg s4;
	s4 =	sadd.s32 $0x2200, s1;
	s6 =	sadd.s32 $0x2400, s1  }
.LBB2_1:
0x16: {  	s14 =	rddreg [dreg:$0x4]  }
0x17: {  	[tilespmem:s3], [sflag:$0x2] =	stream.linear.gather [hbm4b:s14+s3], $0x40, $0x38;
	[tilespmem:$0xC200] =	vst v63  }
0x18: {  	_ =	swait.ge [sflag:s8], $0x40  }
0x19: {  	[sflag:s8] =	ssyncset.done $0x0  }
0x1a: {  	s0 =	simm.s32 $0x80;
	s2 =	rddreg [dreg:$0x5];
	[sflag:s8] =	ssyncadd.s32 $0xFFFFFFC0  }
0x1b: {  	[tilespmem:s0], [sflag:$0x2] =	stream.linear.gather [hbm4b:s2+s3], $0x40, $0x38;
	[tilespmem:$0xC200] =	vst v63  }
0x1c: {  	_ =	swait.ge [sflag:s8], $0x40  }
0x1d: {  	[sflag:s8] =	ssyncset.done $0x0  }
0x1e: {  	s2 =	simm.s32 $0x100;
	s1 =	rddreg [dreg:$0x6];
	[sflag:s8] =	ssyncadd.s32 $0xFFFFFFC0  }
0x1f: {  	[tilespmem:s2], [sflag:$0x2] =	stream.linear.gather [hbm4b:s1+s3], $0x40, $0x38;
	[tilespmem:$0xC200] =	vst v63  }
0x20: {  	_ =	swait.ge [sflag:s8], $0x40  }
0x21: {  	[sflag:s8] =	ssyncset.done $0x0  }
0x22: {  	s2 =	simm.s32 $0x180;
	s1 =	rddreg [dreg:$0x7];
	[sflag:s8] =	ssyncadd.s32 $0xFFFFFFC0  }
0x23: {  	[tilespmem:s2], [sflag:$0x2] =	stream.linear.gather [hbm4b:s1+s3], $0x40, $0x38;
	[tilespmem:$0xC200] =	vst v63  }
0x24: {  	_ =	swait.ge [sflag:s8], $0x40  }
0x25: {  	[sflag:s8] =	ssyncset.done $0x0  }
0x26: {  	s0 =	simm.s32 $0x200;
	s1 =	rddreg [dreg:$0x8];
	[sflag:s8] =	ssyncadd.s32 $0xFFFFFFC0  }
0x27: {  	[tilespmem:s0], [sflag:$0x2] =	stream.linear.gather [hbm4b:s1+s3], $0xC000, $0x38;
	[tilespmem:$0xC200] =	vst v63  }
0x28: {  	_ =	swait.ge [sflag:s8], $0xC000  }
0x29: {  	[sflag:s8] =	ssyncset.done $0x0  }
0x2a: {  	[sflag:s8] =	ssyncadd.s32 $0xFFFF4000  }
0x2b: {  	v3 =	vld [tilespmem:$0x0];
	_ =	sdelay $0x4  }
0x2c: {  	v4 =	vshrl.u32 v3, $0x3  }
0x2d: {  	v4 =	vmul.u32 $0x30, v4  }
0x2e: {  	v3 =	vand.u32 $0x7, v3  }
0x2f: {  	v3 =	vor.u32 v3, v4  }
0x30: {  	v4 =	vperm.xlane v3, v0;
	_ =	sdelay $0x1  }
0x31: {  	v4 =	vadd.s32 v1, v4;
	_ =	sdelay $0x3  }
0x32: {  	v3 =	vperm.xlane v3, v2  }
0x33: {  	[hbm4b:s4+s3] =	stream.indirect_vreg.scatter [tilespmem:s0], [sflag:$0x1], $0x80, v4, vm0, $0xb8;
	[tilespmem:$0xC200] =	vst v63  }
0x34: {  	s14 =	simm.s32 $0xA00;
	v3 =	vadd.s32 v1, v3  }
0x35: {  	[hbm4b:s5+s3] =	stream.indirect_vreg.scatter [tilespmem:s14], [sflag:$0x1], $0x80, v4, vm0, $0xb8;
	[tilespmem:$0xC200] =	vst v63  }
0x36: {  	_ = 	snop  }
0x37: {  	[hbm4b:s6+s3] =	stream.indirect_vreg.scatter [tilespmem:s18], [sflag:$0x1], $0x80, v4, vm0, $0xb8;
	[tilespmem:$0xC200] =	vst v63  }
0x38: {  	_ = 	snop  }
0x39: {  	[hbm4b:s4+s3] =	stream.indirect_vreg.scatter [tilespmem:s19], [sflag:$0x1], $0x80, v3, vm0, $0xb8;
	[tilespmem:$0xC200] =	vst v63  }
0x3a: {  	_ = 	snop  }
0x3b: {  	[hbm4b:s5+s3] =	stream.indirect_vreg.scatter [tilespmem:s20], [sflag:$0x1], $0x80, v3, vm0, $0xb8;
	[tilespmem:$0xC200] =	vst v63  }
0x3c: {  	_ = 	snop  }
0x3d: {  	[hbm4b:s6+s3] =	stream.indirect_vreg.scatter [tilespmem:s21], [sflag:$0x1], $0x80, v3, vm0, $0xb8;
	[tilespmem:$0xC200] =	vst v63  }
0x3e: {  	v3 =	vld [tilespmem:$0x10];
	_ =	sdelay $0x4  }
0x3f: {  	v57 =	vshrl.u32 v3, $0x3  }
0x40: {  	v4 =	vmul.u32 $0x30, v57  }
0x41: {  	v3 =	vand.u32 $0x7, v3  }
0x42: {  	v3 =	vor.u32 v3, v4  }
0x43: {  	v4 =	vperm.xlane v3, v0;
	_ =	sdelay $0x1  }
0x44: {  	v4 =	vadd.s32 v1, v4;
	_ =	sdelay $0x3  }
0x45: {  	v3 =	vperm.xlane v3, v2  }
0x46: {  	[hbm4b:s4+s3] =	stream.indirect_vreg.scatter [tilespmem:s22], [sflag:$0x1], $0x80, v4, vm0, $0xb8;
	[tilespmem:$0xC200] =	vst v63  }
0x47: {  	v3 =	vadd.s32 v1, v3  }
0x48: {  	[hbm4b:s5+s3] =	stream.indirect_vreg.scatter [tilespmem:s23], [sflag:$0x1], $0x80, v4, vm0, $0xb8;
	[tilespmem:$0xC200] =	vst v63  }
0x49: {  	_ = 	snop  }
0x4a: {  	[hbm4b:s6+s3] =	stream.indirect_vreg.scatter [tilespmem:s24], [sflag:$0x1], $0x80, v4, vm0, $0xb8;
	[tilespmem:$0xC200] =	vst v63  }
0x4b: {  	_ = 	snop  }
0x4c: {  	[hbm4b:s4+s3] =	stream.indirect_vreg.scatter [tilespmem:s25], [sflag:$0x1], $0x80, v3, vm0, $0xb8;
	[tilespmem:$0xC200] =	vst v63  }
0x4d: {  	_ = 	snop  }
0x4e: {  	[hbm4b:s5+s3] =	stream.indirect_vreg.scatter [tilespmem:s26], [sflag:$0x1], $0x80, v3, vm0, $0xb8;
	[tilespmem:$0xC200] =	vst v63  }
0x4f: {  	_ = 	snop  }
0x50: {  	[hbm4b:s6+s3] =	stream.indirect_vreg.scatter [tilespmem:s28], [sflag:$0x1], $0x80, v3, vm0, $0xb8;
	[tilespmem:$0xC200] =	vst v63  }
0x51: {  	v3 =	vld [tilespmem:$0x20];
	_ =	sdelay $0x4  }
0x52: {  	v58 =	vshrl.u32 v3, $0x3  }
0x53: {  	v4 =	vmul.u32 $0x30, v58  }
0x54: {  	v3 =	vand.u32 $0x7, v3  }
0x55: {  	v3 =	vor.u32 v3, v4  }
0x56: {  	v4 =	vperm.xlane v3, v0;
	_ =	sdelay $0x1  }
0x57: {  	v4 =	vadd.s32 v1, v4;
	_ =	sdelay $0x3  }
0x58: {  	v3 =	vperm.xlane v3, v2  }
0x59: {  	[hbm4b:s4+s3] =	stream.indirect_vreg.scatter [tilespmem:s29], [sflag:$0x1], $0x80, v4, vm0, $0xb8;
	[tilespmem:$0xC200] =	vst v63  }
0x5a: {  	v3 =	vadd.s32 v1, v3  }
0x5b: {  	[hbm4b:s5+s3] =	stream.indirect_vreg.scatter [tilespmem:s30], [sflag:$0x1], $0x80, v4, vm0, $0xb8;
	[tilespmem:$0xC200] =	vst v63  }
0x5c: {  	_ = 	snop  }
0x5d: {  	[hbm4b:s6+s3] =	stream.indirect_vreg.scatter [tilespmem:s31], [sflag:$0x1], $0x80, v4, vm0, $0xb8;
	[tilespmem:$0xC200] =	vst v63  }
0x5e: {  	s1 =	simm.s32 $0x7A00  }
0x5f: {  	[hbm4b:s4+s3] =	stream.indirect_vreg.scatter [tilespmem:s1], [sflag:$0x1], $0x80, v3, vm0, $0xb8;
	[tilespmem:$0xC200] =	vst v63  }
0x60: {  	_ = 	snop  }
0x61: {  	[hbm4b:s5+s3] =	stream.indirect_vreg.scatter [tilespmem:s15], [sflag:$0x1], $0x80, v3, vm0, $0xb8;
	[tilespmem:$0xC200] =	vst v63  }
0x62: {  	s2 =	simm.s32 $0x8A00  }
0x63: {  	[hbm4b:s6+s3] =	stream.indirect_vreg.scatter [tilespmem:s2], [sflag:$0x1], $0x80, v3, vm0, $0xb8;
	[tilespmem:$0xC200] =	vst v63  }
0x64: {  	v3 =	vld [tilespmem:$0x30];
	_ =	sdelay $0x4  }
0x65: {  	v59 =	vshrl.u32 v3, $0x3  }
0x66: {  	v4 =	vmul.u32 $0x30, v59  }
0x67: {  	v3 =	vand.u32 $0x7, v3  }
0x68: {  	v3 =	vor.u32 v3, v4  }
0x69: {  	v4 =	vperm.xlane v3, v0;
	_ =	sdelay $0x1  }
0x6a: {  	v4 =	vadd.s32 v1, v4;
	_ =	sdelay $0x3  }
0x6b: {  	v3 =	vperm.xlane v3, v2  }
0x6c: {  	[hbm4b:s4+s3] =	stream.indirect_vreg.scatter [tilespmem:s9], [sflag:$0x1], $0x80, v4, vm0, $0xb8;
	[tilespmem:$0xC200] =	vst v63  }
0x6d: {  	v3 =	vadd.s32 v1, v3  }
0x6e: {  	[hbm4b:s5+s3] =	stream.indirect_vreg.scatter [tilespmem:s10], [sflag:$0x1], $0x80, v4, vm0, $0xb8;
	[tilespmem:$0xC200] =	vst v63  }
0x6f: {  	_ = 	snop  }
0x70: {  	[hbm4b:s6+s3] =	stream.indirect_vreg.scatter [tilespmem:s11], [sflag:$0x1], $0x80, v4, vm0, $0xb8;
	[tilespmem:$0xC200] =	vst v63  }
0x71: {  	_ = 	snop  }
0x72: {  	[hbm4b:s4+s3] =	stream.indirect_vreg.scatter [tilespmem:s12], [sflag:$0x1], $0x80, v3, vm0, $0xb8;
	[tilespmem:$0xC200] =	vst v63  }
0x73: {  	_ = 	snop  }
0x74: {  	[hbm4b:s5+s3] =	stream.indirect_vreg.scatter [tilespmem:s16], [sflag:$0x1], $0x80, v3, vm0, $0xb8;
	[tilespmem:$0xC200] =	vst v63  }
0x75: {  	_ = 	snop  }
0x76: {  	[hbm4b:s6+s3] =	stream.indirect_vreg.scatter [tilespmem:s17], [sflag:$0x1], $0x80, v3, vm0, $0xb8;
	[tilespmem:$0xC200] =	vst v63  }
0x77: {  	v3 =	vld [tilespmem:$0x80];
	_ =	sdelay $0x4  }
0x78: {  	v60 =	vshrl.u32 v3, $0x3  }
0x79: {  	v4 =	vmul.u32 $0x30, v60  }
0x7a: {  	v3 =	vand.u32 $0x7, v3  }
0x7b: {  	v3 =	vor.u32 v3, v4  }
0x7c: {  	v4 =	vperm.xlane v3, v0;
	_ =	sdelay $0x1  }
0x7d: {  	v4 =	vadd.s32 v1, v4;
	_ =	sdelay $0x3  }
0x7e: {  	v3 =	vperm.xlane v3, v2  }
0x7f: {  	[hbm4b:s4+s3] =	stream.indirect_vreg.scatter [tilespmem:s0], [sflag:$0x1], $0x80, v4, vm0, $0xb8;
	[tilespmem:$0xC200] =	vst v63  }
0x80: {  	v3 =	vadd.s32 v1, v3  }
0x81: {  	[hbm4b:s5+s3] =	stream.indirect_vreg.scatter [tilespmem:s14], [sflag:$0x1], $0x80, v4, vm0, $0xb8;
	[tilespmem:$0xC200] =	vst v63  }
0x82: {  	_ = 	snop  }
0x83: {  	[hbm4b:s6+s3] =	stream.indirect_vreg.scatter [tilespmem:s18], [sflag:$0x1], $0x80, v4, vm0, $0xb8;
	[tilespmem:$0xC200] =	vst v63  }
0x84: {  	_ = 	snop  }
0x85: {  	[hbm4b:s4+s3] =	stream.indirect_vreg.scatter [tilespmem:s19], [sflag:$0x1], $0x80, v3, vm0, $0xb8;
	[tilespmem:$0xC200] =	vst v63  }
0x86: {  	_ = 	snop  }
0x87: {  	[hbm4b:s5+s3] =	stream.indirect_vreg.scatter [tilespmem:s20], [sflag:$0x1], $0x80, v3, vm0, $0xb8;
	[tilespmem:$0xC200] =	vst v63  }
0x88: {  	_ = 	snop  }
0x89: {  	[hbm4b:s6+s3] =	stream.indirect_vreg.scatter [tilespmem:s21], [sflag:$0x1], $0x80, v3, vm0, $0xb8;
	[tilespmem:$0xC200] =	vst v63  }
0x8a: {  	v3 =	vld [tilespmem:$0x90];
	_ =	sdelay $0x4  }
0x8b: {  	v61 =	vshrl.u32 v3, $0x3  }
0x8c: {  	v4 =	vmul.u32 $0x30, v61  }
0x8d: {  	v3 =	vand.u32 $0x7, v3  }
0x8e: {  	v3 =	vor.u32 v3, v4  }
0x8f: {  	v4 =	vperm.xlane v3, v0;
	_ =	sdelay $0x1  }
0x90: {  	v4 =	vadd.s32 v1, v4;
	_ =	sdelay $0x3  }
0x91: {  	v3 =	vperm.xlane v3, v2  }
0x92: {  	[hbm4b:s4+s3] =	stream.indirect_vreg.scatter [tilespmem:s22], [sflag:$0x1], $0x80, v4, vm0, $0xb8;
	[tilespmem:$0xC200] =	vst v63  }
0x93: {  	v3 =	vadd.s32 v1, v3  }
0x94: {  	[hbm4b:s5+s3] =	stream.indirect_vreg.scatter [tilespmem:s23], [sflag:$0x1], $0x80, v4, vm0, $0xb8;
	[tilespmem:$0xC200] =	vst v63  }
0x95: {  	_ = 	snop  }
0x96: {  	[hbm4b:s6+s3] =	stream.indirect_vreg.scatter [tilespmem:s24], [sflag:$0x1], $0x80, v4, vm0, $0xb8;
	[tilespmem:$0xC200] =	vst v63  }
0x97: {  	_ = 	snop  }
0x98: {  	[hbm4b:s4+s3] =	stream.indirect_vreg.scatter [tilespmem:s25], [sflag:$0x1], $0x80, v3, vm0, $0xb8;
	[tilespmem:$0xC200] =	vst v63  }
0x99: {  	_ = 	snop  }
0x9a: {  	[hbm4b:s5+s3] =	stream.indirect_vreg.scatter [tilespmem:s26], [sflag:$0x1], $0x80, v3, vm0, $0xb8;
	[tilespmem:$0xC200] =	vst v63  }
0x9b: {  	_ = 	snop  }
0x9c: {  	[hbm4b:s6+s3] =	stream.indirect_vreg.scatter [tilespmem:s28], [sflag:$0x1], $0x80, v3, vm0, $0xb8;
	[tilespmem:$0xC200] =	vst v63  }
0x9d: {  	v3 =	vld [tilespmem:$0xA0];
	_ =	sdelay $0x4  }
0x9e: {  	v62 =	vshrl.u32 v3, $0x3  }
0x9f: {  	v4 =	vmul.u32 $0x30, v62  }
0xa0: {  	v3 =	vand.u32 $0x7, v3  }
0xa1: {  	v3 =	vor.u32 v3, v4  }
0xa2: {  	v4 =	vperm.xlane v3, v0;
	_ =	sdelay $0x1  }
0xa3: {  	v4 =	vadd.s32 v1, v4;
	_ =	sdelay $0x3  }
0xa4: {  	v3 =	vperm.xlane v3, v2  }
0xa5: {  	[hbm4b:s4+s3] =	stream.indirect_vreg.scatter [tilespmem:s29], [sflag:$0x1], $0x80, v4, vm0, $0xb8;
	[tilespmem:$0xC200] =	vst v63  }
0xa6: {  	v3 =	vadd.s32 v1, v3  }
0xa7: {  	[hbm4b:s5+s3] =	stream.indirect_vreg.scatter [tilespmem:s30], [sflag:$0x1], $0x80, v4, vm0, $0xb8;
	[tilespmem:$0xC200] =	vst v63  }
0xa8: {  	_ = 	snop  }
0xa9: {  	[hbm4b:s6+s3] =	stream.indirect_vreg.scatter [tilespmem:s31], [sflag:$0x1], $0x80, v4, vm0, $0xb8;
	[tilespmem:$0xC200] =	vst v63  }
0xaa: {  	_ = 	snop  }
0xab: {  	[hbm4b:s4+s3] =	stream.indirect_vreg.scatter [tilespmem:s1], [sflag:$0x1], $0x80, v3, vm0, $0xb8;
	[tilespmem:$0xC200] =	vst v63  }
0xac: {  	_ = 	snop  }
0xad: {  	[hbm4b:s5+s3] =	stream.indirect_vreg.scatter [tilespmem:s15], [sflag:$0x1], $0x80, v3, vm0, $0xb8;
	[tilespmem:$0xC200] =	vst v63  }
0xae: {  	_ = 	snop  }
0xaf: {  	[hbm4b:s6+s3] =	stream.indirect_vreg.scatter [tilespmem:s2], [sflag:$0x1], $0x80, v3, vm0, $0xb8;
	[tilespmem:$0xC200] =	vst v63  }
0xb0: {  	v3 =	vld [tilespmem:$0xB0];
	_ =	sdelay $0x4  }
0xb1: {  	v63 =	vshrl.u32 v3, $0x3  }
0xb2: {  	v4 =	vmul.u32 $0x30, v63  }
0xb3: {  	v3 =	vand.u32 $0x7, v3  }
0xb4: {  	v3 =	vor.u32 v3, v4  }
0xb5: {  	v4 =	vperm.xlane v3, v0;
	_ =	sdelay $0x1  }
0xb6: {  	v4 =	vadd.s32 v1, v4;
	_ =	sdelay $0x3  }
0xb7: {  	v3 =	vperm.xlane v3, v2  }
0xb8: {  	[hbm4b:s4+s3] =	stream.indirect_vreg.scatter [tilespmem:s9], [sflag:$0x1], $0x80, v4, vm0, $0xb8;
	[tilespmem:$0xC200] =	vst v63  }
0xb9: {  	v3 =	vadd.s32 v1, v3  }
0xba: {  	[hbm4b:s5+s3] =	stream.indirect_vreg.scatter [tilespmem:s10], [sflag:$0x1], $0x80, v4, vm0, $0xb8;
	[tilespmem:$0xC200] =	vst v63  }
0xbb: {  	_ = 	snop  }
0xbc: {  	[hbm4b:s6+s3] =	stream.indirect_vreg.scatter [tilespmem:s11], [sflag:$0x1], $0x80, v4, vm0, $0xb8;
	[tilespmem:$0xC200] =	vst v63  }
0xbd: {  	_ = 	snop  }
0xbe: {  	[hbm4b:s4+s3] =	stream.indirect_vreg.scatter [tilespmem:s12], [sflag:$0x1], $0x80, v3, vm0, $0xb8;
	[tilespmem:$0xC200] =	vst v63  }
0xbf: {  	_ = 	snop  }
0xc0: {  	[hbm4b:s5+s3] =	stream.indirect_vreg.scatter [tilespmem:s16], [sflag:$0x1], $0x80, v3, vm0, $0xb8;
	[tilespmem:$0xC200] =	vst v63  }
0xc1: {  	_ = 	snop  }
0xc2: {  	[hbm4b:s6+s3] =	stream.indirect_vreg.scatter [tilespmem:s17], [sflag:$0x1], $0x80, v3, vm0, $0xb8;
	[tilespmem:$0xC200] =	vst v63  }
0xc3: {  	s0 =	simm.s32 $0x40;
	s14 =	rddreg [dreg:$0x2];
	s2 =	simm.s32 $0x100  }
0xc4: {  	[hbm4b:s14+s0] =	stream.indirect.scatter [tilespmem:s2], [sflag:$0x1], $0x1, s3, s0, $0xb8;
	[tilespmem:$0xC200] =	vst v63  }
0xc5: {  	s1 =	simm.s32 $0x80;
	s2 =	simm.s32 $0x180  }
0xc6: {  	[hbm4b:s14+s0] =	stream.indirect.scatter [tilespmem:s2], [sflag:$0x1], $0x1, s1, s0, $0xb8;
	[tilespmem:$0xC200] =	vst v63  }
0xc7: {  	_ =	swait.ge [sflag:s13], $0xC000  }
0xc8: {  	[sflag:s13] =	ssyncset.done $0x0  }
0xc9: {  	[sflag:s13] =	ssyncadd.s32 $0xFFFF4000  }
0xca: {  	_ =	swait.ge [sflag:s13], $0xC000  }
0xcb: {  	[sflag:s13] =	ssyncset.done $0x0  }
0xcc: {  	[sflag:s13] =	ssyncadd.s32 $0xFFFF4000  }
0xcd: {  	p0 =	sne.s32 s7, $0x1;
	_ =	swait.ge [sflag:s13], $0x40  }
.Ltmp0:
0xce: {  	[sflag:s13] =	ssyncset.done $0x0;
	(pc) =	sbr.rel @p0 .LBB2_1-.Ltmp0, $4  }
0xcf: {  	[sflag:s13] =	ssyncadd.s32 $0xFFFFFFC0  }
0xd0: {  	_ =	swait.ge [sflag:s13], $0x40  }
0xd1: {  	[sflag:s13] =	ssyncset.done $0x0  }
0xd2: {  	s7 =	sadd.s32 $0xFFFFFFFF, s7;
	[sflag:s13] =	ssyncadd.s32 $0xFFFFFFC0  }
0xd3: {  	_ =	sfence.sel $0x180000  }
0xd4: {  	[bflag:$0x0] =	sbarrier.arrive $0xFFFF  }
0xd5: {  	_ =	strace $0x90000047  }
0xd6: {  	s0 =	stileid.u32;
	[bflag:$0x2] =	sbarrier.arrive $0xFFFF  }
0xd7: {  	p0 =	sne.s32 s0, $0x0;
	s0 =	rddreg [dreg:$0x3]  }
0xd8: {  	s0 =	sadd.s32 @!p0 $0x100000, s0  }
0xd9: {  	[sflag:s0] =	ssyncadd.tile.s32 @!p0 $0x1;
	_ =	shalt  }
.Lfunc_end2:
_tile_overlayer_lowered:
.L_overlay_start_2:
0xda: {  	(tag) =	ssettag $0x2  }
0xdb: {  	s0 =	rddreg [dreg:$0x0];
	s2 =	stileid.u32  }
0xdc: {  	s1 =	rddreg [dreg:$0x1];
	p0 =	sne.s32 s2, $0x0  }
0xdd: {  	s3 =	rddreg [dreg:$0x2];
	[bflag:$0x3] =	sbarrier.arrive $0xFFFF;
	s2 =	simm.s32 @!p0 $0x1C02  }
0xde: {  	[timem:s3], [sflag:s2] =	dma.local @!p0 [hbm:s0], s1  }
0xdf: {  	s0 =	simm.s32 @!p0 $0x2  }
0xe0: {  	_ =	swait.ge @!p0 [sflag:s0], s1  }
0xe1: {  	s1 =	ssub.s32 @!p0 $0x0, s1;
	[sflag:s0] =	ssyncset.done @!p0 $0x0  }
0xe2: {  	[sflag:s0] =	ssyncadd.s32 @!p0 s1  }
0xe3: {  	[bflag:$0x3] =	sbarrier.arrive $0xFFFF  }
0xe4: {  	_ =	shalt  }

// kernel: kernel.9.cloned.1.call-start
scs
__scs_entry_jumppad:
0x0: {  	(pc) =	sbr.rel $0x88, $3  }
0x1: {  	(tag) =	ssettag $0x0;
	lr =	simm.s32 $0x1  }
0x2: {  	[smem:$0x3F9A] =	sst lr;
	_ =	strace $0xD0000000  }
0x3: {  	_ = 	snop  }
0x4: {  	_ = 	snop  }
0x5: {  	_ = 	snop  }
0x6: {  	_ = 	snop  }
0x7: {  	_ = 	snop  }
__scs_overlays_trampoline_lowered:
0x8: {  	[smem:$0x3FA9] =	sst s0  }
0x9: {  	[smem:$0x3FAA] =	sst s1  }
0xa: {  	[smem:$0x3FAB] =	sst s2  }
0xb: {  	[smem:$0x3FAC] =	sst s3  }
0xc: {  	[smem:$0x3FAD] =	sst s4  }
0xd: {  	[smem:$0x3FAE] =	sst s5  }
0xe: {  	[smem:$0x3FAF] =	sst s6  }
0xf: {  	[smem:$0x3FB0] =	sst s7  }
0x10: {  	[smem:$0x3FB1] =	sst s8  }
0x11: {  	[smem:$0x3FB2] =	sst s9;
	s0 =	simm.s32 @!p0 $0x0  }
0x12: {  	s1 =	sld [smem:$0x3F98];
	s0 =	simm.s32 @p0 $0x1  }
0x13: {  	[smem:$0x3FB3] =	sst s0;
	s0 =	simm.s32 @!p1 $0x0  }
0x14: {  	s2 =	sld [smem:$0x3F97];
	s0 =	simm.s32 @p1 $0x1  }
0x15: {  	[smem:$0x3FB4] =	sst s0;
	s0 =	simm.s32 @!p2 $0x0  }
0x16: {  	s3 =	sld [smem:$0x3FDB];
	s0 =	simm.s32 @p2 $0x1  }
0x17: {  	s4 =	simm.s32 $0x1BF5;
	[smem:$0x3FB6] =	sst s0  }
0x18: {  	s0 =	sld [smem:$0x3F99];
	_ =	swait.ge [sflag:s4], $0x0  }
0x19: {  	s7 =	sld [smem:$0x3F9A]  }
0x1a: {  	s8 =	sadd.s32 $0xFFFFE003, lr  }
0x1b: {  	s9 =	sadd.s32 $0xFFFFFEF7, lr;
	s5 =	simm.s32 $0xFFFFFFFF;
	p2 =	slt.u32 s8, $0xFFFFF086  }
0x1c: {  	p1 =	slt.u32 s9, $0xF7A;
	s5 =	simm.s32 @!p2 $0x0  }
0x1d: {  	s5 =	simm.s32 @p1 $0x1;
	p0 =	seq.s32 s7, s2  }
0x1e: {  	s7 =	smul.u32 @!p0 $0xF7A, s2;
	p2 =	seq.s32 @!p0 s5, $0x0  }
0x1f: {  	s9 =	smul.u32 $0xF7A, s1;
	s8 =	simm.s32 @!p0 $0x1BF5;
	p2 =	por !p2, p0  }
0x20: {  	[sflag:s8] =	ssyncset.s32 @!p0 $0xFFFFF086;
	s6 =	sadd.s32 @!p0 s3, s7;
	s7 =	simm.s32 @!p0 $0x108  }
0x21: {  	s3 =	sadd.s32 s3, s9;
	s6 =	sadd.s32 @!p0 $0x88, s6;
	s7 =	simm.s32 @p2 $0x1082  }
0x22: {  	[simem:s7], [sflag:s8] =	dma.local @!p0 [hbm:s6], $0xF7A  }
0x23: {  	s9 =	sor.u32 $0xD0000000, s2;
	s6 =	simm.s32 $0x108;
	_ =	swait.ge @!p0 [sflag:s8], $0x0  }
0x24: {  	s3 =	sadd.s32 $0x88, s3;
	s6 =	simm.s32 @!p1 $0x1082;
	[sflag:s4] =	ssyncset.s32 $0xFFFFF086  }
0x25: {  	[simem:s6], [sflag:s4] =	dma.local [hbm:s3], $0xF7A  }
0x26: {  	[smem:$0x3F9A] =	sst s1;
	(tag) =	ssettag s2;
	_ =	strace s9  }
0x27: {  	s1 =	sld [smem:$0x3FAA]  }
0x28: {  	s2 =	sld [smem:$0x3FAB]  }
0x29: {  	s4 =	sld [smem:$0x3FAD]  }
0x2a: {  	p0 =	seq.s32 s5, $0x0;
	s5 =	sld [smem:$0x3FAE]  }
0x2b: {  	s6 =	sld [smem:$0x3FAF]  }
0x2c: {  	s7 =	sld [smem:$0x3FB0]  }
0x2d: {  	s3 =	simm.s32 $0x108;
	s8 =	sld [smem:$0x3FB1]  }
0x2e: {  	s3 =	simm.s32 @!p0 $0x1082;
	s9 =	sld [smem:$0x3FB2]  }
0x2f: {  	lr =	sadd.s32 s0, s3;
	s0 =	sld [smem:$0x3FA9]  }
0x30: {  	s3 =	sld [smem:$0x3FAC]  }
0x31: {  	[smem:$0x3FB5] =	sst s10  }
0x32: {  	s10 =	sld [smem:$0x3FB3];
	_ =	sdelay $0x3  }
0x33: {  	p0 =	seq.s32 s10, $0x1;
	s10 =	sld [smem:$0x3FB5];
	_ =	sdelay $0x3  }
0x34: {  	[smem:$0x3FB5] =	sst s10  }
0x35: {  	s10 =	sld [smem:$0x3FB4];
	_ =	sdelay $0x3  }
0x36: {  	p1 =	seq.s32 s10, $0x1;
	s10 =	sld [smem:$0x3FB5];
	_ =	sdelay $0x3  }
0x37: {  	[smem:$0x3FB5] =	sst s10  }
0x38: {  	s10 =	sld [smem:$0x3FB6]  }
0x39: {  	_ = 	snop;
	(pc) =	sbr.ind lr, $3  }
0x3a: {  	_ = 	snop  }
0x3b: {  	_ = 	snop  }
0x3c: {  	p2 =	seq.s32 s10, $0x1;
	s10 =	sld [smem:$0x3FB5]  }
0x3d: {  	_ =	shalt  }
0x3e: {  	_ =	shalt  }
0x3f: {  	_ =	shalt  }
0x40: {  	_ =	shalt  }
0x41: {  	_ =	shalt  }
0x42: {  	_ =	shalt  }
0x43: {  	_ =	shalt  }
0x44: {  	_ =	shalt  }
0x45: {  	_ =	shalt  }
0x46: {  	_ =	shalt  }
0x47: {  	_ =	shalt  }
0x48: {  	_ =	shalt  }
0x49: {  	_ =	shalt  }
0x4a: {  	_ =	shalt  }
0x4b: {  	_ =	shalt  }
0x4c: {  	_ =	shalt  }
0x4d: {  	_ =	shalt  }
0x4e: {  	_ =	shalt  }
0x4f: {  	_ =	shalt  }
0x50: {  	_ =	shalt  }
0x51: {  	_ =	shalt  }
0x52: {  	_ =	shalt  }
0x53: {  	_ =	shalt  }
0x54: {  	_ =	shalt  }
0x55: {  	_ =	shalt  }
0x56: {  	_ =	shalt  }
0x57: {  	_ =	shalt  }
0x58: {  	_ =	shalt  }
0x59: {  	_ =	shalt  }
0x5a: {  	_ =	shalt  }
0x5b: {  	_ =	shalt  }
0x5c: {  	_ =	shalt  }
0x5d: {  	_ =	shalt  }
0x5e: {  	_ =	shalt  }
0x5f: {  	_ =	shalt  }
0x60: {  	_ =	shalt  }
0x61: {  	_ =	shalt  }
0x62: {  	_ =	shalt  }
0x63: {  	_ =	shalt  }
0x64: {  	_ =	shalt  }
0x65: {  	_ =	shalt  }
0x66: {  	_ =	shalt  }
0x67: {  	_ =	shalt  }
0x68: {  	_ =	shalt  }
0x69: {  	_ =	shalt  }
0x6a: {  	_ =	shalt  }
0x6b: {  	_ =	shalt  }
0x6c: {  	_ =	shalt  }
0x6d: {  	_ =	shalt  }
0x6e: {  	_ =	shalt  }
0x6f: {  	_ =	shalt  }
0x70: {  	_ =	shalt  }
0x71: {  	_ =	shalt  }
0x72: {  	_ =	shalt  }
0x73: {  	_ =	shalt  }
0x74: {  	_ =	shalt  }
0x75: {  	_ =	shalt  }
0x76: {  	_ =	shalt  }
0x77: {  	_ =	shalt  }
0x78: {  	_ =	shalt  }
0x79: {  	_ =	shalt  }
0x7a: {  	_ =	shalt  }
0x7b: {  	_ =	shalt  }
0x7c: {  	_ =	shalt  }
0x7d: {  	_ =	shalt  }
0x7e: {  	_ =	shalt  }
0x7f: {  	_ =	shalt  }
0x80: {  	_ =	shalt  }
0x81: {  	_ =	shalt  }
0x82: {  	_ =	shalt  }
0x83: {  	_ =	shalt  }
0x84: {  	_ =	shalt  }
0x85: {  	_ =	shalt  }
0x86: {  	_ =	shalt  }
0x87: {  	_ =	shalt  }
.Lfunc_end0:
.L_simem_size_0:
called_computation.1_lowered:
.L_overlay_start_0:
0x88: {  	s2 =	sld [smem:$0x3FD9]  }
0x89: {  	s3 =	sld [smem:$0x3FFE];
	_ =	sdelay $0x1  }
0x8a: {  	s1 =	srdreg.scid  }
0x8b: {  	s0 =	sand.u32 $0x1, s1  }
0x8c: {  	s17 =	sshll.u32 s0, $0xA;
	s2 =	sadd.s32 s3, s2  }
0x8d: {  	s2 =	sadd.s32 s2, s17  }
0x8e: {  	[smem:$0x3FC1] =	sst s2  }
0x8f: {  	_ = 	snop  }
0x90: {  	s2 =	sld [smem:$0x3FD0];
	(tm) =	ssettm $0x1  }
0x91: {  	s18 =	sld [smem:$0x3FFB];
	_ =	sdelay $0x3  }
0x92: {  	_ =	strace s18  }
0x93: {  	s3 =	sld [smem:$0x3FFC];
	_ =	sdelay $0x3  }
0x94: {  	_ =	strace s3  }
0x95: {  	s3 =	sld [smem:$0x3FFD];
	_ =	sdelay $0x3  }
0x96: {  	_ =	strace s3  }
0x97: {  	_ =	strace $0x8FFFFFFF  }
0x98: {  	s19 =	sld [smem:$0x3FDB];
	_ =	sdelay $0x1  }
0x99: {  	s4 =	simm.s32 $_scs_section_size  }
0x9a: {  	s5 =	simm.s32 $_size__tile_overlayer_lowered;
	s6 =	simm.s32 $_tile_overlayer_lowered  }
0x9b: {  	s22 =	simm.s32 $0x1BFF;
	s21 =	sshll.u32 s6, $0x1;
	s3 =	sadd.s32 s4, s19  }
0x9c: {  	s7 =	simm.s32 $0x0;
	s20 =	sshll.u32 s5, $0x1;
	s5 =	sadd.s32 s21, s3  }
0x9d: {  	[timem:s7], [sflag:s22] =	dma.local [hbm:s5], s20  }
0x9e: {  	_ =	swait.ge [sflag:s22], s20  }
0x9f: {  	s4 =	ssub.s32 $0x0, s20;
	[sflag:s22] =	ssyncset.done $0x0  }
0xa0: {  	[sflag:s22] =	ssyncadd.s32 s4;
	_ =	sdelay $0x1  }
0xa1: {  	s23 =	simm.s32 $0x1B8B  }
0xa2: {  	_ =	swait.ge [sflag:s23], $0x1  }
0xa3: {  	[sflag:s23] =	ssyncset.done $0x0  }
0xa4: {  	s25 =	simm.s32 $0x1B8E;
	s24 =	sld [smem:$0x3FFE];
	[sflag:s23] =	ssyncadd.s32 $0xFFFFFFFF  }
0xa5: {  	s26 =	simm.s32 $execute0_lowered;
	[smem:$0x3FD2] =	sst s25  }
0xa6: {  	s5 =	sshll.u32 s26, $0x1;
	_ =	strace $0x80000049;
	[dreg:$0x1] =	wrdreg $0xFFFFFFFF  }
0xa7: {  	s28 =	simm.s32 $_size_execute0_lowered;
	s3 =	sadd.s32 s3, s5;
	[dreg:$0x0] =	wrdreg $0x0  }
0xa8: {  	s5 =	sshll.u32 s28, $0x1;
	[dreg:$0x2] =	wrdreg s3  }
0xa9: {  	[dreg:$0x3] =	wrdreg s5  }
0xaa: {  	[dreg:$0x4] =	wrdreg $0xC0  }
0xab: {  	_ =	task [dreg:s7], $0x5FFFF  }
0xac: {  	[dreg:$0x1] =	wrdreg $0xFFFFFFFF  }
0xad: {  	[dreg:$0x0] =	wrdreg $0x60  }
0xae: {  	[dreg:$0x2] =	wrdreg s24  }
0xaf: {  	[dreg:$0x3] =	wrdreg s2  }
0xb0: {  	[dreg:$0x4] =	wrdreg $0x9  }
0xb1: {  	_ =	task.clear_ibuf [dreg:s7], $0x5FFFF;
	_ =	strace $0x90000049  }
0xb2: {  	s29 =	simm.s32 $0x9;
	_ =	strace $0x8000004B  }
0xb3: {  	_ =	swait.ge [sflag:s29], $0x1  }
0xb4: {  	[sflag:s29] =	ssyncadd.s32 $0xFFFFFFFF  }
0xb5: {  	_ =	strace $0x9000004B  }
0xb6: {  	_ =	sfence  }
0xb7: {  	s30 =	sld [smem:$0x0];
	_ =	sdelay $0x2  }
0xb8: {  	s31 =	sshll.u32 s1, $0xD;
	s1 =	sshrl.u32 s1, $0x2  }
0xb9: {  	s3 =	sand.u32 $0x4000, s31;
	s1 =	sadd.s32 s1, s30  }
0xba: {  	s0 =	sor.u32 s3, s0;
	s1 =	sshll.u32 s1, $0x11  }
0xbb: {  	s0 =	sor.u32 s1, s0  }
0xbc: {  	s0 =	sadd.s32 $0x8F2B, s0  }
0xbd: {  	[sflag:s0] =	ssyncadd.remote.s32 $0x1  }
0xbe: {  	_ =	sfence.sel $0xFFFF  }
0xbf: {  	[dreg:$0x0] =	wrdreg $0xFFFFFFFF;
	(pc) =	sbr.abs _section_cstart, $3  }
0xc0: {  	[dreg:$0x1] =	wrdreg $0xFFFFFFFF  }
0xc1: {  	_ =	task.clear_ibuf [dreg:s7], $0x2FFFF;
	_ =	strace $0x9FFFFFFF  }
0xc2: {  	(tm) =	ssettm $0x7FFFFFFF  }
0xc3: {  	_ =	shalt  }
tec
execute0_lowered:
.L_overlay_start_1:
0x0: {  	(tag) =	ssettag $0x1  }
0x1: {  	s0 =	rddreg [dreg:$0x0]  }
0x2: {  	s1 =	rddreg [dreg:$0x1];
	s3 =	srdreg.scid;
	s2 =	simm.s32 $0x0  }
0x3: {  	s5 =	stileid.u32;
	s12 =	simm.s32 $0x100;
	s28 =	simm.s32 $0x12100  }
0x4: {  	s29 =	simm.s32 $0x12900;
	s30 =	simm.s32 $0x13100;
	s31 =	simm.s32 $0x13900  }
0x5: {  	s11 =	simm.s32 $0x15100;
	s13 =	simm.s32 $0x15900;
	s14 =	simm.s32 $0x16100  }
0x6: {  	s15 =	simm.s32 $0x16900;
	s16 =	simm.s32 $0x17100;
	s17 =	simm.s32 $0x17900  }
0x7: {  	s18 =	simm.s32 $0x1;
	s19 =	simm.s32 $0x0;
	s4 =	sand.u32 $0x1, s3  }
0x8: {  	[smem:$0x7FF] =	sst s2;
	s23 =	sshll.u32 s5, $0x7;
	s3 =	sadd.s32 $0x2000, s0  }
0x9: {  	s8 =	sadd.s32 $0x1E00, s0;
	s24 =	sshll.u32 s4, $0x6;
	s4 =	ssub.s32 $0x2, s4  }
0xa: {  	_ =	strace $0x8000004A;
	s6 =	sor.u32 s24, s23;
	s9 =	sshrl.u32 s4, $0x1  }
0xb: {  	s7 =	sshll.u32 s6, $0x1;
	s9 =	ssub.s32 s4, s9;
	s6 =	sshrl.u32 s6, $0x3  }
0xc: {  	s10 =	sand.u32 $0xF00, s7;
	s5 =	sor.u32 s24, s7;
	s26 =	smul.u32 $0x300, s6  }
0xd: {  	s6 =	sadd.s32 $0x2100, s0;
	s7 =	sadd.s32 $0x2200, s0;
	s9 =	smax.u32 s9, $0x1  }
0xe: {  	s0 =	simm.s32 $0x14100;
	s25 =	sor.u32 s24, s10;
	s5 =	sshrl.u32 s5, $0x3  }
0xf: {  	v2 =	vlaneseq.u32;
	s10 =	simm.s32 $0x2;
	s4 =	sshrl.u32 s25, $0x3;
	s5 =	sor.u32 $0x10, s5  }
0x10: {  	vm0 =	vmmov $0xffff;
	v1 =	vshrl.u32 v2, $0x3;
	s25 =	simm.s32 $0x11100;
	s4 =	sadd.s32 s8, s4;
	s5 =	sadd.s32 s8, s5  }
0x11: {  	v0 =	vand.u32 $0x7, v2;
	v2 =	vor.u32 $0x8, v2;
	v1 =	vmul.u32 $0x8, v1;
	s8 =	sadd.s32 s1, s26;
	s26 =	simm.s32 $0x11900;
	s1 =	simm.s32 $0x14900  }
.LBB2_1:
0x12: {  	[tilespmem:s2], [sflag:$0x2] =	stream.linear.gather [hbm4b:s4+s2], $0x40, $0x38;
	[tilespmem:$0x18100] =	vst v63  }
0x13: {  	_ =	swait.ge [sflag:s10], $0x40  }
0x14: {  	[sflag:s10] =	ssyncset.done $0x0  }
0x15: {  	s20 =	simm.s32 $0x80;
	[sflag:s10] =	ssyncadd.s32 $0xFFFFFFC0  }
0x16: {  	[tilespmem:s20], [sflag:$0x2] =	stream.linear.gather [hbm4b:s5+s2], $0x40, $0x38;
	[tilespmem:$0x18100] =	vst v63  }
0x17: {  	_ =	swait.ge [sflag:s10], $0x40  }
0x18: {  	[sflag:s10] =	ssyncset.done $0x0  }
0x19: {  	[sflag:s10] =	ssyncadd.s32 $0xFFFFFFC0  }
0x1a: {  	v3 =	vld [tilespmem:$0x0];
	_ =	sdelay $0x4  }
0x1b: {  	v4 =	vshrl.u32 v3, $0x3  }
0x1c: {  	v4 =	vmul.u32 $0x30, v4  }
0x1d: {  	v3 =	vand.u32 $0x7, v3  }
0x1e: {  	v3 =	vor.u32 v3, v4  }
0x1f: {  	v4 =	vperm.xlane v3, v0;
	_ =	sdelay $0x1  }
0x20: {  	v4 =	vadd.s32 v1, v4;
	_ =	sdelay $0x3  }
0x21: {  	v3 =	vperm.xlane v3, v2  }
0x22: {  	[tilespmem:s12], [sflag:$0x1] =	stream.indirect_vreg.gather [hbm4b:s3+s2], $0x80, v4, vm0, $0xb8;
	[tilespmem:$0x18100] =	vst v63  }
0x23: {  	s23 =	simm.s32 $0x900;
	v3 =	vadd.s32 v1, v3  }
0x24: {  	[tilespmem:s23], [sflag:$0x1] =	stream.indirect_vreg.gather [hbm4b:s6+s2], $0x80, v4, vm0, $0xb8;
	[tilespmem:$0x18100] =	vst v63  }
0x25: {  	s24 =	simm.s32 $0x1100  }
0x26: {  	[tilespmem:s24], [sflag:$0x1] =	stream.indirect_vreg.gather [hbm4b:s7+s2], $0x80, v4, vm0, $0xb8;
	[tilespmem:$0x18100] =	vst v63  }
0x27: {  	s21 =	simm.s32 $0x1900  }
0x28: {  	[tilespmem:s21], [sflag:$0x1] =	stream.indirect_vreg.gather [hbm4b:s3+s2], $0x80, v3, vm0, $0xb8;
	[tilespmem:$0x18100] =	vst v63  }
0x29: {  	s22 =	simm.s32 $0x2100  }
0x2a: {  	[tilespmem:s22], [sflag:$0x1] =	stream.indirect_vreg.gather [hbm4b:s6+s2], $0x80, v3, vm0, $0xb8;
	[tilespmem:$0x18100] =	vst v63  }
0x2b: {  	s23 =	simm.s32 $0x2900  }
0x2c: {  	[tilespmem:s23], [sflag:$0x1] =	stream.indirect_vreg.gather [hbm4b:s7+s2], $0x80, v3, vm0, $0xb8;
	[tilespmem:$0x18100] =	vst v63  }
0x2d: {  	v3 =	vld [tilespmem:$0x10];
	_ =	sdelay $0x4  }
0x2e: {  	v4 =	vshrl.u32 v3, $0x3  }
0x2f: {  	v4 =	vmul.u32 $0x30, v4  }
0x30: {  	v3 =	vand.u32 $0x7, v3  }
0x31: {  	v3 =	vor.u32 v3, v4  }
0x32: {  	v4 =	vperm.xlane v3, v0;
	_ =	sdelay $0x1  }
0x33: {  	v4 =	vadd.s32 v1, v4;
	_ =	sdelay $0x3  }
0x34: {  	s24 =	simm.s32 $0x3100;
	v3 =	vperm.xlane v3, v2  }
0x35: {  	[tilespmem:s24], [sflag:$0x1] =	stream.indirect_vreg.gather [hbm4b:s3+s2], $0x80, v4, vm0, $0xb8;
	[tilespmem:$0x18100] =	vst v63  }
0x36: {  	s21 =	simm.s32 $0x3900;
	v3 =	vadd.s32 v1, v3  }
0x37: {  	[tilespmem:s21], [sflag:$0x1] =	stream.indirect_vreg.gather [hbm4b:s6+s2], $0x80, v4, vm0, $0xb8;
	[tilespmem:$0x18100] =	vst v63  }
0x38: {  	s22 =	simm.s32 $0x4100  }
0x39: {  	[tilespmem:s22], [sflag:$0x1] =	stream.indirect_vreg.gather [hbm4b:s7+s2], $0x80, v4, vm0, $0xb8;
	[tilespmem:$0x18100] =	vst v63  }
0x3a: {  	s23 =	simm.s32 $0x4900  }
0x3b: {  	[tilespmem:s23], [sflag:$0x1] =	stream.indirect_vreg.gather [hbm4b:s3+s2], $0x80, v3, vm0, $0xb8;
	[tilespmem:$0x18100] =	vst v63  }
0x3c: {  	s24 =	simm.s32 $0x5100  }
0x3d: {  	[tilespmem:s24], [sflag:$0x1] =	stream.indirect_vreg.gather [hbm4b:s6+s2], $0x80, v3, vm0, $0xb8;
	[tilespmem:$0x18100] =	vst v63  }
0x3e: {  	s21 =	simm.s32 $0x5900  }
0x3f: {  	[tilespmem:s21], [sflag:$0x1] =	stream.indirect_vreg.gather [hbm4b:s7+s2], $0x80, v3, vm0, $0xb8;
	[tilespmem:$0x18100] =	vst v63  }
0x40: {  	v3 =	vld [tilespmem:$0x20];
	_ =	sdelay $0x4  }
0x41: {  	v4 =	vshrl.u32 v3, $0x3  }
0x42: {  	v4 =	vmul.u32 $0x30, v4  }
0x43: {  	v3 =	vand.u32 $0x7, v3  }
0x44: {  	v3 =	vor.u32 v3, v4  }
0x45: {  	v4 =	vperm.xlane v3, v0;
	_ =	sdelay $0x1  }
0x46: {  	v4 =	vadd.s32 v1, v4;
	_ =	sdelay $0x3  }
0x47: {  	s22 =	simm.s32 $0x6100;
	v3 =	vperm.xlane v3, v2  }
0x48: {  	[tilespmem:s22], [sflag:$0x1] =	stream.indirect_vreg.gather [hbm4b:s3+s2], $0x80, v4, vm0, $0xb8;
	[tilespmem:$0x18100] =	vst v63  }
0x49: {  	s23 =	simm.s32 $0x6900;
	v3 =	vadd.s32 v1, v3  }
0x4a: {  	[tilespmem:s23], [sflag:$0x1] =	stream.indirect_vreg.gather [hbm4b:s6+s2], $0x80, v4, vm0, $0xb8;
	[tilespmem:$0x18100] =	vst v63  }
0x4b: {  	s24 =	simm.s32 $0x7100  }
0x4c: {  	[tilespmem:s24], [sflag:$0x1] =	stream.indirect_vreg.gather [hbm4b:s7+s2], $0x80, v4, vm0, $0xb8;
	[tilespmem:$0x18100] =	vst v63  }
0x4d: {  	s21 =	simm.s32 $0x7900  }
0x4e: {  	[tilespmem:s21], [sflag:$0x1] =	stream.indirect_vreg.gather [hbm4b:s3+s2], $0x80, v3, vm0, $0xb8;
	[tilespmem:$0x18100] =	vst v63  }
0x4f: {  	s22 =	simm.s32 $0x8100  }
0x50: {  	[tilespmem:s22], [sflag:$0x1] =	stream.indirect_vreg.gather [hbm4b:s6+s2], $0x80, v3, vm0, $0xb8;
	[tilespmem:$0x18100] =	vst v63  }
0x51: {  	s23 =	simm.s32 $0x8900  }
0x52: {  	[tilespmem:s23], [sflag:$0x1] =	stream.indirect_vreg.gather [hbm4b:s7+s2], $0x80, v3, vm0, $0xb8;
	[tilespmem:$0x18100] =	vst v63  }
0x53: {  	v3 =	vld [tilespmem:$0x30];
	_ =	sdelay $0x4  }
0x54: {  	v4 =	vshrl.u32 v3, $0x3  }
0x55: {  	v4 =	vmul.u32 $0x30, v4  }
0x56: {  	v3 =	vand.u32 $0x7, v3  }
0x57: {  	v3 =	vor.u32 v3, v4  }
0x58: {  	v4 =	vperm.xlane v3, v0;
	_ =	sdelay $0x1  }
0x59: {  	v4 =	vadd.s32 v1, v4;
	_ =	sdelay $0x3  }
0x5a: {  	s24 =	simm.s32 $0x9100;
	v3 =	vperm.xlane v3, v2  }
0x5b: {  	[tilespmem:s24], [sflag:$0x1] =	stream.indirect_vreg.gather [hbm4b:s3+s2], $0x80, v4, vm0, $0xb8;
	[tilespmem:$0x18100] =	vst v63  }
0x5c: {  	s21 =	simm.s32 $0x9900;
	v3 =	vadd.s32 v1, v3  }
0x5d: {  	[tilespmem:s21], [sflag:$0x1] =	stream.indirect_vreg.gather [hbm4b:s6+s2], $0x80, v4, vm0, $0xb8;
	[tilespmem:$0x18100] =	vst v63  }
0x5e: {  	s22 =	simm.s32 $0xA100  }
0x5f: {  	[tilespmem:s22], [sflag:$0x1] =	stream.indirect_vreg.gather [hbm4b:s7+s2], $0x80, v4, vm0, $0xb8;
	[tilespmem:$0x18100] =	vst v63  }
0x60: {  	s23 =	simm.s32 $0xA900  }
0x61: {  	[tilespmem:s23], [sflag:$0x1] =	stream.indirect_vreg.gather [hbm4b:s3+s2], $0x80, v3, vm0, $0xb8;
	[tilespmem:$0x18100] =	vst v63  }
0x62: {  	s24 =	simm.s32 $0xB100  }
0x63: {  	[tilespmem:s24], [sflag:$0x1] =	stream.indirect_vreg.gather [hbm4b:s6+s2], $0x80, v3, vm0, $0xb8;
	[tilespmem:$0x18100] =	vst v63  }
0x64: {  	s21 =	simm.s32 $0xB900  }
0x65: {  	[tilespmem:s21], [sflag:$0x1] =	stream.indirect_vreg.gather [hbm4b:s7+s2], $0x80, v3, vm0, $0xb8;
	[tilespmem:$0x18100] =	vst v63  }
0x66: {  	v3 =	vld [tilespmem:$0x80];
	_ =	sdelay $0x4  }
0x67: {  	v4 =	vshrl.u32 v3, $0x3  }
0x68: {  	v4 =	vmul.u32 $0x30, v4  }
0x69: {  	v3 =	vand.u32 $0x7, v3  }
0x6a: {  	v3 =	vor.u32 v3, v4  }
0x6b: {  	v4 =	vperm.xlane v3, v0;
	_ =	sdelay $0x1  }
0x6c: {  	v4 =	vadd.s32 v1, v4;
	_ =	sdelay $0x3  }
0x6d: {  	s22 =	simm.s32 $0xC100;
	v3 =	vperm.xlane v3, v2  }
0x6e: {  	[tilespmem:s22], [sflag:$0x1] =	stream.indirect_vreg.gather [hbm4b:s3+s2], $0x80, v4, vm0, $0xb8;
	[tilespmem:$0x18100] =	vst v63  }
0x6f: {  	s23 =	simm.s32 $0xC900;
	v3 =	vadd.s32 v1, v3  }
0x70: {  	[tilespmem:s23], [sflag:$0x1] =	stream.indirect_vreg.gather [hbm4b:s6+s2], $0x80, v4, vm0, $0xb8;
	[tilespmem:$0x18100] =	vst v63  }
0x71: {  	s24 =	simm.s32 $0xD100  }
0x72: {  	[tilespmem:s24], [sflag:$0x1] =	stream.indirect_vreg.gather [hbm4b:s7+s2], $0x80, v4, vm0, $0xb8;
	[tilespmem:$0x18100] =	vst v63  }
0x73: {  	s21 =	simm.s32 $0xD900  }
0x74: {  	[tilespmem:s21], [sflag:$0x1] =	stream.indirect_vreg.gather [hbm4b:s3+s2], $0x80, v3, vm0, $0xb8;
	[tilespmem:$0x18100] =	vst v63  }
0x75: {  	s22 =	simm.s32 $0xE100  }
0x76: {  	[tilespmem:s22], [sflag:$0x1] =	stream.indirect_vreg.gather [hbm4b:s6+s2], $0x80, v3, vm0, $0xb8;
	[tilespmem:$0x18100] =	vst v63  }
0x77: {  	s23 =	simm.s32 $0xE900  }
0x78: {  	[tilespmem:s23], [sflag:$0x1] =	stream.indirect_vreg.gather [hbm4b:s7+s2], $0x80, v3, vm0, $0xb8;
	[tilespmem:$0x18100] =	vst v63  }
0x79: {  	v3 =	vld [tilespmem:$0x90];
	_ =	sdelay $0x4  }
0x7a: {  	v4 =	vshrl.u32 v3, $0x3  }
0x7b: {  	v4 =	vmul.u32 $0x30, v4  }
0x7c: {  	v3 =	vand.u32 $0x7, v3  }
0x7d: {  	v3 =	vor.u32 v3, v4  }
0x7e: {  	v4 =	vperm.xlane v3, v0;
	_ =	sdelay $0x1  }
0x7f: {  	v4 =	vadd.s32 v1, v4;
	_ =	sdelay $0x3  }
0x80: {  	s24 =	simm.s32 $0xF100;
	v3 =	vperm.xlane v3, v2  }
0x81: {  	[tilespmem:s24], [sflag:$0x1] =	stream.indirect_vreg.gather [hbm4b:s3+s2], $0x80, v4, vm0, $0xb8;
	[tilespmem:$0x18100] =	vst v63  }
0x82: {  	s21 =	simm.s32 $0xF900;
	v3 =	vadd.s32 v1, v3  }
0x83: {  	[tilespmem:s21], [sflag:$0x1] =	stream.indirect_vreg.gather [hbm4b:s6+s2], $0x80, v4, vm0, $0xb8;
	[tilespmem:$0x18100] =	vst v63  }
0x84: {  	s22 =	simm.s32 $0x10100  }
0x85: {  	[tilespmem:s22], [sflag:$0x1] =	stream.indirect_vreg.gather [hbm4b:s7+s2], $0x80, v4, vm0, $0xb8;
	[tilespmem:$0x18100] =	vst v63  }
0x86: {  	s23 =	simm.s32 $0x10900  }
0x87: {  	[tilespmem:s23], [sflag:$0x1] =	stream.indirect_vreg.gather [hbm4b:s3+s2], $0x80, v3, vm0, $0xb8;
	[tilespmem:$0x18100] =	vst v63  }
0x88: {  	_ = 	snop  }
0x89: {  	[tilespmem:s25], [sflag:$0x1] =	stream.indirect_vreg.gather [hbm4b:s6+s2], $0x80, v3, vm0, $0xb8;
	[tilespmem:$0x18100] =	vst v63  }
0x8a: {  	_ = 	snop  }
0x8b: {  	[tilespmem:s26], [sflag:$0x1] =	stream.indirect_vreg.gather [hbm4b:s7+s2], $0x80, v3, vm0, $0xb8;
	[tilespmem:$0x18100] =	vst v63  }
0x8c: {  	v3 =	vld [tilespmem:$0xA0];
	_ =	sdelay $0x4  }
0x8d: {  	v4 =	vshrl.u32 v3, $0x3  }
0x8e: {  	v4 =	vmul.u32 $0x30, v4  }
0x8f: {  	v3 =	vand.u32 $0x7, v3  }
0x90: {  	v3 =	vor.u32 v3, v4  }
0x91: {  	v4 =	vperm.xlane v3, v0;
	_ =	sdelay $0x1  }
0x92: {  	v4 =	vadd.s32 v1, v4;
	_ =	sdelay $0x3  }
0x93: {  	v3 =	vperm.xlane v3, v2  }
0x94: {  	[tilespmem:s28], [sflag:$0x1] =	stream.indirect_vreg.gather [hbm4b:s3+s2], $0x80, v4, vm0, $0xb8;
	[tilespmem:$0x18100] =	vst v63  }
0x95: {  	v3 =	vadd.s32 v1, v3  }
0x96: {  	[tilespmem:s29], [sflag:$0x1] =	stream.indirect_vreg.gather [hbm4b:s6+s2], $0x80, v4, vm0, $0xb8;
	[tilespmem:$0x18100] =	vst v63  }
0x97: {  	_ = 	snop  }
0x98: {  	[tilespmem:s30], [sflag:$0x1] =	stream.indirect_vreg.gather [hbm4b:s7+s2], $0x80, v4, vm0, $0xb8;
	[tilespmem:$0x18100] =	vst v63  }
0x99: {  	_ = 	snop  }
0x9a: {  	[tilespmem:s31], [sflag:$0x1] =	stream.indirect_vreg.gather [hbm4b:s3+s2], $0x80, v3, vm0, $0xb8;
	[tilespmem:$0x18100] =	vst v63  }
0x9b: {  	_ = 	snop  }
0x9c: {  	[tilespmem:s0], [sflag:$0x1] =	stream.indirect_vreg.gather [hbm4b:s6+s2], $0x80, v3, vm0, $0xb8;
	[tilespmem:$0x18100] =	vst v63  }
0x9d: {  	_ = 	snop  }
0x9e: {  	[tilespmem:s1], [sflag:$0x1] =	stream.indirect_vreg.gather [hbm4b:s7+s2], $0x80, v3, vm0, $0xb8;
	[tilespmem:$0x18100] =	vst v63  }
0x9f: {  	v3 =	vld [tilespmem:$0xB0];
	_ =	sdelay $0x4  }
0xa0: {  	v4 =	vshrl.u32 v3, $0x3  }
0xa1: {  	v4 =	vmul.u32 $0x30, v4  }
0xa2: {  	v3 =	vand.u32 $0x7, v3  }
0xa3: {  	v3 =	vor.u32 v3, v4  }
0xa4: {  	v4 =	vperm.xlane v3, v0;
	_ =	sdelay $0x1  }
0xa5: {  	v4 =	vadd.s32 v1, v4;
	_ =	sdelay $0x3  }
0xa6: {  	v3 =	vperm.xlane v3, v2  }
0xa7: {  	[tilespmem:s11], [sflag:$0x1] =	stream.indirect_vreg.gather [hbm4b:s3+s2], $0x80, v4, vm0, $0xb8;
	[tilespmem:$0x18100] =	vst v63  }
0xa8: {  	v3 =	vadd.s32 v1, v3  }
0xa9: {  	[tilespmem:s13], [sflag:$0x1] =	stream.indirect_vreg.gather [hbm4b:s6+s2], $0x80, v4, vm0, $0xb8;
	[tilespmem:$0x18100] =	vst v63  }
0xaa: {  	_ = 	snop  }
0xab: {  	[tilespmem:s14], [sflag:$0x1] =	stream.indirect_vreg.gather [hbm4b:s7+s2], $0x80, v4, vm0, $0xb8;
	[tilespmem:$0x18100] =	vst v63  }
0xac: {  	_ = 	snop  }
0xad: {  	[tilespmem:s15], [sflag:$0x1] =	stream.indirect_vreg.gather [hbm4b:s3+s2], $0x80, v3, vm0, $0xb8;
	[tilespmem:$0x18100] =	vst v63  }
0xae: {  	_ = 	snop  }
0xaf: {  	[tilespmem:s16], [sflag:$0x1] =	stream.indirect_vreg.gather [hbm4b:s6+s2], $0x80, v3, vm0, $0xb8;
	[tilespmem:$0x18100] =	vst v63  }
0xb0: {  	_ = 	snop  }
0xb1: {  	[tilespmem:s17], [sflag:$0x1] =	stream.indirect_vreg.gather [hbm4b:s7+s2], $0x80, v3, vm0, $0xb8;
	[tilespmem:$0x18100] =	vst v63  }
0xb2: {  	_ =	swait.ge [sflag:s18], $0xC000  }
0xb3: {  	[sflag:s18] =	ssyncset.done $0x0  }
0xb4: {  	s24 =	simm.s32 $0x0;
	[sflag:s18] =	ssyncadd.s32 $0xFFFF4000  }
0xb5: {  	s20 =	smul.u32 $0x1800, s24;
	_ =	swait.ge [sflag:s18], $0xC000  }
0xb6: {  	s21 =	sand.u32 $0x380, s2;
	[sflag:s18] =	ssyncset.done $0x0  }
0xb7: {  	s20 =	sor.u32 s21, s20;
	[sflag:s18] =	ssyncadd.s32 $0xFFFF4000  }
0xb8: {  	v12 =	vld [tilespmem:s20+$0xC100]  }
0xb9: {  	v13 =	vld [tilespmem:s20+$0xC110]  }
0xba: {  	v14 =	vld [tilespmem:s20+$0xC120]  }
0xbb: {  	v15 =	vld [tilespmem:s20+$0xC130]  }
0xbc: {  	v16 =	vld [tilespmem:s20+$0xC140]  }
0xbd: {  	v17 =	vld [tilespmem:s20+$0xC150]  }
0xbe: {  	v18 =	vld [tilespmem:s20+$0xC160]  }
0xbf: {  	v19 =	vld [tilespmem:s20+$0xC170]  }
0xc0: {  	v20 =	vld [tilespmem:s20+$0xC500]  }
0xc1: {  	v21 =	vld [tilespmem:s20+$0xC510]  }
0xc2: {  	v22 =	vld [tilespmem:s20+$0xC520]  }
0xc3: {  	v23 =	vld [tilespmem:s20+$0xC530]  }
0xc4: {  	v24 =	vld [tilespmem:s20+$0xC540]  }
0xc5: {  	v25 =	vld [tilespmem:s20+$0xC550]  }
0xc6: {  	v26 =	vld [tilespmem:s20+$0xC560]  }
0xc7: {  	v27 =	vld [tilespmem:s20+$0xC570]  }
0xc8: {  	v28 =	vld [tilespmem:s20+$0xC900]  }
0xc9: {  	v29 =	vld [tilespmem:s20+$0xC910]  }
0xca: {  	v30 =	vld [tilespmem:s20+$0xC920]  }
0xcb: {  	v31 =	vld [tilespmem:s20+$0xC930]  }
0xcc: {  	v32 =	vld [tilespmem:s20+$0xC940]  }
0xcd: {  	v33 =	vld [tilespmem:s20+$0xC950]  }
0xce: {  	v34 =	vld [tilespmem:s20+$0xC960]  }
0xcf: {  	v35 =	vld [tilespmem:s20+$0xC970]  }
0xd0: {  	v36 =	vld [tilespmem:s20+$0xCD00]  }
0xd1: {  	v37 =	vld [tilespmem:s20+$0xCD10]  }
0xd2: {  	v38 =	vld [tilespmem:s20+$0xCD20]  }
0xd3: {  	v39 =	vld [tilespmem:s20+$0xCD30]  }
0xd4: {  	v40 =	vld [tilespmem:s20+$0xCD40]  }
0xd5: {  	v41 =	vld [tilespmem:s20+$0xCD50]  }
0xd6: {  	v42 =	vld [tilespmem:s20+$0xCD60]  }
0xd7: {  	v43 =	vld [tilespmem:s20+$0xCD70]  }
0xd8: {  	v44 =	vld [tilespmem:s20+$0xD100]  }
0xd9: {  	v45 =	vld [tilespmem:s20+$0xD110]  }
0xda: {  	v46 =	vld [tilespmem:s20+$0xD120]  }
0xdb: {  	v47 =	vld [tilespmem:s20+$0xD130]  }
0xdc: {  	v48 =	vld [tilespmem:s20+$0xD140]  }
0xdd: {  	v49 =	vld [tilespmem:s20+$0xD150]  }
0xde: {  	v50 =	vld [tilespmem:s20+$0xD160]  }
0xdf: {  	v11 =	vld [tilespmem:s20+$0xD170]  }
0xe0: {  	v10 =	vld [tilespmem:s20+$0xD500]  }
0xe1: {  	v9 =	vld [tilespmem:s20+$0xD510]  }
0xe2: {  	v8 =	vld [tilespmem:s20+$0xD520]  }
0xe3: {  	v7 =	vld [tilespmem:s20+$0xD530]  }
0xe4: {  	v6 =	vld [tilespmem:s20+$0xD540]  }
0xe5: {  	v51 =	vld [tilespmem:s20+$0x100]  }
0xe6: {  	v52 =	vld [tilespmem:s20+$0x110]  }
0xe7: {  	v53 =	vld [tilespmem:s20+$0x120]  }
0xe8: {  	v54 =	vld [tilespmem:s20+$0x130]  }
0xe9: {  	v55 =	vld [tilespmem:s20+$0x140]  }
0xea: {  	v62 =	vld [tilespmem:s20+$0x150];
	v12 =	vadd.f32 v12, v51  }
0xeb: {  	v63 =	vld [tilespmem:s20+$0x160];
	v13 =	vadd.f32 v13, v52  }
0xec: {  	[tilespmem:s20+$0x100] =	vst v12;
	v12 =	vadd.f32 v14, v53;
	v14 =	vld [tilespmem:s20+$0x170]  }
0xed: {  	[tilespmem:s20+$0x110] =	vst v13;
	v13 =	vadd.f32 v15, v54;
	v15 =	vld [tilespmem:s20+$0x500]  }
0xee: {  	[tilespmem:s20+$0x120] =	vst v12;
	v12 =	vadd.f32 v16, v55;
	v16 =	vld [tilespmem:s20+$0x510]  }
0xef: {  	[tilespmem:s20+$0x130] =	vst v13;
	v13 =	vadd.f32 v17, v62;
	v17 =	vld [tilespmem:s20+$0x520]  }
0xf0: {  	v5 =	vld [tilespmem:s20+$0xD550]  }
0xf1: {  	[tilespmem:s20+$0x140] =	vst v12;
	v12 =	vadd.f32 v18, v63;
	v18 =	vld [tilespmem:s20+$0x570]  }
0xf2: {  	[tilespmem:s20+$0x150] =	vst v13;
	v13 =	vadd.f32 v19, v14;
	v14 =	vld [tilespmem:s20+$0x530]  }
0xf3: {  	[tilespmem:s20+$0x160] =	vst v12;
	v12 =	vadd.f32 v20, v15;
	v15 =	vld [tilespmem:s20+$0x540]  }
0xf4: {  	[tilespmem:s20+$0x170] =	vst v13;
	v13 =	vadd.f32 v21, v16;
	v16 =	vadd.f32 v22, v17;
	v17 =	vld [tilespmem:s20+$0x560]  }
0xf5: {  	[tilespmem:s20+$0x500] =	vst v12;
	v12 =	vld [tilespmem:s20+$0x550]  }
0xf6: {  	[tilespmem:s20+$0x510] =	vst v13;
	v13 =	vld [tilespmem:s20+$0x900];
	v18 =	vadd.f32 v27, v18  }
0xf7: {  	[tilespmem:s20+$0x520] =	vst v16;
	v16 =	vld [tilespmem:s20+$0x910];
	v14 =	vadd.f32 v23, v14  }
0xf8: {  	v4 =	vld [tilespmem:s20+$0xD560];
	v15 =	vadd.f32 v24, v15;
	[tilespmem:s20+$0x570] =	vst v18  }
0xf9: {  	[tilespmem:s20+$0x530] =	vst v14;
	v14 =	vld [tilespmem:s20+$0x920];
	v17 =	vadd.f32 v26, v17  }
0xfa: {  	v12 =	vadd.f32 v25, v12;
	[tilespmem:s20+$0x540] =	vst v15;
	v15 =	vld [tilespmem:s20+$0x930]  }
0xfb: {  	v18 =	vld [tilespmem:s20+$0x970];
	[tilespmem:s20+$0x560] =	vst v17;
	v13 =	vadd.f32 v28, v13  }
0xfc: {  	v16 =	vadd.f32 v29, v16;
	[tilespmem:s20+$0x550] =	vst v12;
	v12 =	vld [tilespmem:s20+$0x940]  }
0xfd: {  	v17 =	vld [tilespmem:s20+$0x950];
	[tilespmem:s20+$0x900] =	vst v13  }
0xfe: {  	[tilespmem:s20+$0x910] =	vst v16;
	v16 =	vld [tilespmem:s20+$0x960];
	v13 =	vadd.f32 v30, v14  }
0xff: {  	v14 =	vld [tilespmem:s20+$0xD00];
	v15 =	vadd.f32 v31, v15  }
0x100: {  	[tilespmem:s20+$0x920] =	vst v13;
	v13 =	vld [tilespmem:s20+$0xD10]  }
0x101: {  	v12 =	vadd.f32 v32, v12;
	[tilespmem:s20+$0x930] =	vst v15;
	v15 =	vld [tilespmem:s20+$0xD20]  }
0x102: {  	v3 =	vld [tilespmem:s20+$0xD570];
	v17 =	vadd.f32 v33, v17  }
0x103: {  	v16 =	vadd.f32 v34, v16;
	[tilespmem:s20+$0x940] =	vst v12;
	v12 =	vld [tilespmem:s20+$0xD30]  }
0x104: {  	[tilespmem:s20+$0x950] =	vst v17;
	v17 =	vld [tilespmem:s20+$0xD40];
	v14 =	vadd.f32 v36, v14  }
0x105: {  	v18 =	vadd.f32 v35, v18;
	[tilespmem:s20+$0x960] =	vst v16;
	v16 =	vld [tilespmem:s20+$0xD50]  }
0x106: {  	v13 =	vadd.f32 v37, v13;
	[tilespmem:s20+$0xD00] =	vst v14;
	v14 =	vadd.f32 v38, v15;
	v15 =	vld [tilespmem:s20+$0xD60]  }
0x107: {  	[tilespmem:s20+$0x970] =	vst v18;
	v18 =	vld [tilespmem:s20+$0xD70]  }
0x108: {  	[tilespmem:s20+$0xD10] =	vst v13;
	v13 =	vld [tilespmem:s20+$0x1100];
	v12 =	vadd.f32 v39, v12  }
0x109: {  	v17 =	vadd.f32 v40, v17;
	[tilespmem:s20+$0xD20] =	vst v14;
	v14 =	vld [tilespmem:s20+$0x1110]  }
0x10a: {  	v16 =	vadd.f32 v41, v16;
	[tilespmem:s20+$0xD30] =	vst v12;
	v12 =	vld [tilespmem:s20+$0x1120]  }
0x10b: {  	[tilespmem:s20+$0xD40] =	vst v17;
	v17 =	vld [tilespmem:s20+$0x1130];
	v15 =	vadd.f32 v42, v15  }
0x10c: {  	v19 =	vld [tilespmem:s20+$0x1140];
	[tilespmem:s20+$0xD50] =	vst v16;
	v16 =	vadd.f32 v43, v18  }
0x10d: {  	v18 =	vld [tilespmem:s20+$0x1150];
	v13 =	vadd.f32 v44, v13;
	[tilespmem:s20+$0xD60] =	vst v15  }
0x10e: {  	v20 =	vld [tilespmem:s20+$0x1160];
	[tilespmem:s20+$0xD70] =	vst v16;
	v14 =	vadd.f32 v45, v14  }
0x10f: {  	v16 =	vld [tilespmem:s20+$0x1170];
	[tilespmem:s20+$0x1100] =	vst v13;
	v12 =	vadd.f32 v46, v12  }
0x110: {  	v15 =	vld [tilespmem:s20+$0x1500];
	v13 =	vadd.f32 v47, v17;
	[tilespmem:s20+$0x1110] =	vst v14  }
0x111: {  	v14 =	vld [tilespmem:s20+$0x1510];
	[tilespmem:s20+$0x1120] =	vst v12;
	v12 =	vadd.f32 v48, v19  }
0x112: {  	[tilespmem:s20+$0x1130] =	vst v13;
	v13 =	vld [tilespmem:s20+$0x1520];
	v18 =	vadd.f32 v49, v18  }
0x113: {  	s21 =	simm.s32 $0x1;
	s22 =	simm.s32 $0x0;
	v17 =	vadd.f32 v50, v20;
	[tilespmem:s20+$0x1140] =	vst v12;
	v12 =	vld [tilespmem:s20+$0x1530]  }
.LBB2_2:
0x114: {  	s23 =	sshrl.u32 s21, $0x3;
	p0 =	sne.s32 s21, $0x3F;
	[tilespmem:s20+$0x1150] =	vst v18;
	v11 =	vadd.f32 v11, v16;
	v16 =	vld [tilespmem:s20+$0x1540]  }
0x115: {  	s22 =	sadd.s32 $0x80, s22;
	s23 =	smul.u32 $0x1800, s23;
	[tilespmem:s20+$0x1160] =	vst v17;
	v10 =	vadd.f32 v10, v15;
	v15 =	vld [tilespmem:s20+$0x1550]  }
0x116: {  	s24 =	sand.u32 $0x380, s22;
	[tilespmem:s20+$0x1170] =	vst v11;
	v9 =	vadd.f32 v9, v14;
	v11 =	vld [tilespmem:s20+$0x1560]  }
0x117: {  	s23 =	sor.u32 s24, s23;
	[tilespmem:s20+$0x1500] =	vst v10;
	v8 =	vadd.f32 v8, v13;
	v10 =	vld [tilespmem:s20+$0x1570]  }
0x118: {  	v39 =	vld [tilespmem:s23+$0xC100];
	[tilespmem:s20+$0x1510] =	vst v9;
	v7 =	vadd.f32 v7, v12  }
0x119: {  	v40 =	vld [tilespmem:s23+$0xC110];
	[tilespmem:s20+$0x1520] =	vst v8;
	v6 =	vadd.f32 v6, v16  }
0x11a: {  	v41 =	vld [tilespmem:s23+$0xC120];
	[tilespmem:s20+$0x1530] =	vst v7;
	v5 =	vadd.f32 v5, v15  }
0x11b: {  	v42 =	vld [tilespmem:s23+$0xC130];
	[tilespmem:s20+$0x1540] =	vst v6;
	v4 =	vadd.f32 v4, v11  }
0x11c: {  	v43 =	vld [tilespmem:s23+$0xC140];
	[tilespmem:s20+$0x1550] =	vst v5;
	v3 =	vadd.f32 v3, v10  }
0x11d: {  	v44 =	vld [tilespmem:s23+$0xC150];
	[tilespmem:s20+$0x1560] =	vst v4  }
0x11e: {  	v45 =	vld [tilespmem:s23+$0xC160];
	[tilespmem:s20+$0x1570] =	vst v3;
	s20 =	smov.u32 s23  }
0x11f: {  	v46 =	vld [tilespmem:s20+$0xC170]  }
0x120: {  	v47 =	vld [tilespmem:s20+$0xC500]  }
0x121: {  	v48 =	vld [tilespmem:s20+$0xC510]  }
0x122: {  	v49 =	vld [tilespmem:s20+$0xC520]  }
0x123: {  	v50 =	vld [tilespmem:s20+$0xC530]  }
0x124: {  	v38 =	vld [tilespmem:s20+$0xC540]  }
0x125: {  	v37 =	vld [tilespmem:s20+$0xC550]  }
0x126: {  	v36 =	vld [tilespmem:s20+$0xC560]  }
0x127: {  	v35 =	vld [tilespmem:s20+$0xC570]  }
0x128: {  	v34 =	vld [tilespmem:s20+$0xC900]  }
0x129: {  	v33 =	vld [tilespmem:s20+$0xC910]  }
0x12a: {  	v32 =	vld [tilespmem:s20+$0xC920]  }
0x12b: {  	v31 =	vld [tilespmem:s20+$0xC930]  }
0x12c: {  	v30 =	vld [tilespmem:s20+$0xC940]  }
0x12d: {  	v29 =	vld [tilespmem:s20+$0xC950]  }
0x12e: {  	v28 =	vld [tilespmem:s20+$0xC960]  }
0x12f: {  	v27 =	vld [tilespmem:s20+$0xC970]  }
0x130: {  	v26 =	vld [tilespmem:s20+$0xCD00]  }
0x131: {  	v25 =	vld [tilespmem:s20+$0xCD10]  }
0x132: {  	v24 =	vld [tilespmem:s20+$0xCD20]  }
0x133: {  	v23 =	vld [tilespmem:s20+$0xCD30]  }
0x134: {  	v22 =	vld [tilespmem:s20+$0xCD40]  }
0x135: {  	v21 =	vld [tilespmem:s20+$0xCD50]  }
0x136: {  	v20 =	vld [tilespmem:s20+$0xCD60]  }
0x137: {  	v19 =	vld [tilespmem:s20+$0xCD70]  }
0x138: {  	v18 =	vld [tilespmem:s20+$0xD100]  }
0x139: {  	v17 =	vld [tilespmem:s20+$0xD110]  }
0x13a: {  	v16 =	vld [tilespmem:s20+$0xD120]  }
0x13b: {  	v15 =	vld [tilespmem:s20+$0xD130]  }
0x13c: {  	v14 =	vld [tilespmem:s20+$0xD140]  }
0x13d: {  	v13 =	vld [tilespmem:s20+$0xD150]  }
0x13e: {  	v12 =	vld [tilespmem:s20+$0xD160]  }
0x13f: {  	v11 =	vld [tilespmem:s20+$0xD170]  }
0x140: {  	v10 =	vld [tilespmem:s20+$0xD500]  }
0x141: {  	v9 =	vld [tilespmem:s20+$0xD510]  }
0x142: {  	v8 =	vld [tilespmem:s20+$0xD520]  }
0x143: {  	v7 =	vld [tilespmem:s20+$0xD530]  }
0x144: {  	v6 =	vld [tilespmem:s20+$0xD540]  }
0x145: {  	v5 =	vld [tilespmem:s20+$0xD550]  }
0x146: {  	v4 =	vld [tilespmem:s20+$0xD560]  }
0x147: {  	v3 =	vld [tilespmem:s20+$0xD570]  }
0x148: {  	v51 =	vld [tilespmem:s20+$0x100]  }
0x149: {  	v52 =	vld [tilespmem:s20+$0x110]  }
0x14a: {  	v53 =	vld [tilespmem:s20+$0x120]  }
0x14b: {  	v54 =	vld [tilespmem:s20+$0x130]  }
0x14c: {  	v55 =	vld [tilespmem:s20+$0x140]  }
0x14d: {  	v39 =	vadd.f32 v39, v51;
	v51 =	vld [tilespmem:s20+$0x150]  }
0x14e: {  	v40 =	vadd.f32 v40, v52;
	v52 =	vld [tilespmem:s20+$0x160]  }
0x14f: {  	[tilespmem:s20+$0x100] =	vst v39;
	v39 =	vadd.f32 v41, v53;
	v41 =	vld [tilespmem:s20+$0x170]  }
0x150: {  	[tilespmem:s20+$0x110] =	vst v40;
	v40 =	vadd.f32 v42, v54;
	v42 =	vld [tilespmem:s20+$0x500]  }
0x151: {  	[tilespmem:s20+$0x120] =	vst v39;
	v39 =	vadd.f32 v43, v55;
	v43 =	vld [tilespmem:s20+$0x510]  }
0x152: {  	[tilespmem:s20+$0x130] =	vst v40;
	v40 =	vadd.f32 v44, v51;
	v44 =	vld [tilespmem:s20+$0x520]  }
0x153: {  	[tilespmem:s20+$0x140] =	vst v39;
	v39 =	vadd.f32 v45, v52;
	v45 =	vld [tilespmem:s20+$0x530]  }
0x154: {  	[tilespmem:s20+$0x150] =	vst v40;
	v40 =	vadd.f32 v46, v41;
	v41 =	vld [tilespmem:s20+$0x540]  }
0x155: {  	[tilespmem:s20+$0x160] =	vst v39;
	v39 =	vadd.f32 v47, v42;
	v42 =	vld [tilespmem:s20+$0x550]  }
0x156: {  	[tilespmem:s20+$0x170] =	vst v40;
	v40 =	vadd.f32 v48, v43;
	v43 =	vld [tilespmem:s20+$0x560]  }
0x157: {  	[tilespmem:s20+$0x500] =	vst v39;
	v39 =	vadd.f32 v49, v44;
	v44 =	vld [tilespmem:s20+$0x570]  }
0x158: {  	[tilespmem:s20+$0x510] =	vst v40;
	v40 =	vadd.f32 v50, v45;
	v45 =	vld [tilespmem:s20+$0x900]  }
0x159: {  	[tilespmem:s20+$0x520] =	vst v39;
	v38 =	vadd.f32 v38, v41;
	v39 =	vld [tilespmem:s20+$0x910]  }
0x15a: {  	[tilespmem:s20+$0x530] =	vst v40;
	v37 =	vadd.f32 v37, v42;
	v40 =	vld [tilespmem:s20+$0x920]  }
0x15b: {  	[tilespmem:s20+$0x540] =	vst v38;
	v36 =	vadd.f32 v36, v43;
	v38 =	vld [tilespmem:s20+$0x930]  }
0x15c: {  	[tilespmem:s20+$0x550] =	vst v37;
	v35 =	vadd.f32 v35, v44;
	v37 =	vld [tilespmem:s20+$0x940]  }
0x15d: {  	[tilespmem:s20+$0x560] =	vst v36;
	v34 =	vadd.f32 v34, v45;
	v36 =	vld [tilespmem:s20+$0x950]  }
0x15e: {  	[tilespmem:s20+$0x570] =	vst v35;
	v33 =	vadd.f32 v33, v39;
	v35 =	vld [tilespmem:s20+$0x960]  }
0x15f: {  	[tilespmem:s20+$0x900] =	vst v34;
	v32 =	vadd.f32 v32, v40;
	v34 =	vld [tilespmem:s20+$0x970]  }
0x160: {  	[tilespmem:s20+$0x910] =	vst v33;
	v31 =	vadd.f32 v31, v38;
	v33 =	vld [tilespmem:s20+$0xD00]  }
0x161: {  	[tilespmem:s20+$0x920] =	vst v32;
	v30 =	vadd.f32 v30, v37;
	v32 =	vld [tilespmem:s20+$0xD10]  }
0x162: {  	[tilespmem:s20+$0x930] =	vst v31;
	v29 =	vadd.f32 v29, v36;
	v31 =	vld [tilespmem:s20+$0xD20]  }
0x163: {  	[tilespmem:s20+$0x940] =	vst v30;
	v28 =	vadd.f32 v28, v35;
	v30 =	vld [tilespmem:s20+$0xD30]  }
0x164: {  	[tilespmem:s20+$0x950] =	vst v29;
	v27 =	vadd.f32 v27, v34;
	v29 =	vld [tilespmem:s20+$0xD40]  }
0x165: {  	[tilespmem:s20+$0x960] =	vst v28;
	v26 =	vadd.f32 v26, v33;
	v28 =	vld [tilespmem:s20+$0xD50]  }
0x166: {  	[tilespmem:s20+$0x970] =	vst v27;
	v25 =	vadd.f32 v25, v32;
	v27 =	vld [tilespmem:s20+$0xD60]  }
0x167: {  	[tilespmem:s20+$0xD00] =	vst v26;
	v24 =	vadd.f32 v24, v31;
	v26 =	vld [tilespmem:s20+$0xD70]  }
0x168: {  	[tilespmem:s20+$0xD10] =	vst v25;
	v23 =	vadd.f32 v23, v30;
	v25 =	vld [tilespmem:s20+$0x1100]  }
0x169: {  	[tilespmem:s20+$0xD20] =	vst v24;
	v22 =	vadd.f32 v22, v29;
	v24 =	vld [tilespmem:s20+$0x1110]  }
0x16a: {  	[tilespmem:s20+$0xD30] =	vst v23;
	v21 =	vadd.f32 v21, v28;
	v23 =	vld [tilespmem:s20+$0x1120]  }
0x16b: {  	[tilespmem:s20+$0xD40] =	vst v22;
	v20 =	vadd.f32 v20, v27;
	v22 =	vld [tilespmem:s20+$0x1130]  }
0x16c: {  	[tilespmem:s20+$0xD50] =	vst v21;
	v19 =	vadd.f32 v19, v26;
	v21 =	vld [tilespmem:s20+$0x1140]  }
0x16d: {  	[tilespmem:s20+$0xD60] =	vst v20;
	v18 =	vadd.f32 v18, v25;
	v20 =	vld [tilespmem:s20+$0x1150]  }
0x16e: {  	[tilespmem:s20+$0xD70] =	vst v19;
	v17 =	vadd.f32 v17, v24;
	v19 =	vld [tilespmem:s20+$0x1160]  }
.Ltmp0:
0x16f: {  	[tilespmem:s20+$0x1100] =	vst v18;
	v18 =	vadd.f32 v16, v23;
	v16 =	vld [tilespmem:s20+$0x1170];
	(pc) =	sbr.rel @p0 .LBB2_2-.Ltmp0, $4  }
0x170: {  	[tilespmem:s20+$0x1110] =	vst v17;
	v17 =	vadd.f32 v15, v22;
	v15 =	vld [tilespmem:s20+$0x1500]  }
0x171: {  	[tilespmem:s20+$0x1120] =	vst v18;
	v21 =	vadd.f32 v14, v21;
	v14 =	vld [tilespmem:s20+$0x1510]  }
0x172: {  	[tilespmem:s20+$0x1130] =	vst v17;
	v18 =	vadd.f32 v13, v20;
	v13 =	vld [tilespmem:s20+$0x1520]  }
0x173: {  	s21 =	sadd.s32 $0x1, s21;
	[tilespmem:s20+$0x1140] =	vst v21;
	v17 =	vadd.f32 v12, v19;
	v12 =	vld [tilespmem:s20+$0x1530]  }
0x174: {  	[tilespmem:s20+$0x1150] =	vst v18;
	v60 =	vld [tilespmem:s20+$0x1540];
	v11 =	vadd.f32 v11, v16  }
0x175: {  	v61 =	vld [tilespmem:s20+$0x1550];
	[tilespmem:s20+$0x1160] =	vst v17;
	v10 =	vadd.f32 v10, v15  }
0x176: {  	v62 =	vld [tilespmem:s20+$0x1560];
	[tilespmem:s20+$0x1170] =	vst v11;
	v9 =	vadd.f32 v9, v14  }
0x177: {  	v63 =	vld [tilespmem:s20+$0x1570];
	[tilespmem:s20+$0x1500] =	vst v10;
	v8 =	vadd.f32 v8, v13  }
0x178: {  	[tilespmem:s20+$0x1510] =	vst v9;
	v7 =	vadd.f32 v7, v12  }
0x179: {  	[tilespmem:s20+$0x1520] =	vst v8;
	v6 =	vadd.f32 v6, v60  }
0x17a: {  	v5 =	vadd.f32 v5, v61;
	[tilespmem:s20+$0x1530] =	vst v7  }
0x17b: {  	v4 =	vadd.f32 v4, v62;
	[tilespmem:s20+$0x1540] =	vst v6  }
0x17c: {  	s19 =	sadd.s32 $0x1, s19;
	v3 =	vadd.f32 v3, v63;
	[tilespmem:s20+$0x1550] =	vst v5  }
0x17d: {  	p0 =	sne.s32 s19, s9;
	[tilespmem:s20+$0x1560] =	vst v4  }
.Ltmp1:
0x17e: {  	[tilespmem:s20+$0x1570] =	vst v3;
	(pc) =	sbr.rel @p0 .LBB2_1-.Ltmp1, $4  }
0x17f: {  	[hbm4b:s8+s2] =	stream.linear.scatter [tilespmem:s12], [sflag:$0x2], $0xC000, $0x38;
	[tilespmem:$0x18100] =	vst v63  }
0x180: {  	_ =	swait.ge [sflag:s10], $0xC000  }
0x181: {  	[sflag:s10] =	ssyncset.done $0x0  }
0x182: {  	[sflag:s10] =	ssyncadd.s32 $0xFFFF4000  }
0x183: {  	_ =	sfence.sel $0x180000  }
0x184: {  	[bflag:$0x0] =	sbarrier.arrive $0xFFFF  }
0x185: {  	_ =	strace $0x9000004A  }
0x186: {  	s0 =	stileid.u32;
	[bflag:$0x2] =	sbarrier.arrive $0xFFFF  }
0x187: {  	p0 =	sne.s32 s0, $0x0;
	s0 =	rddreg [dreg:$0x2]  }
0x188: {  	s0 =	sadd.s32 @!p0 $0x100000, s0  }
0x189: {  	[sflag:s0] =	ssyncadd.tile.s32 @!p0 $0x1;
	_ =	shalt  }
.Lfunc_end2:
_tile_overlayer_lowered:
.L_overlay_start_2:
0x18a: {  	(tag) =	ssettag $0x2  }
0x18b: {  	s0 =	rddreg [dreg:$0x0];
	s2 =	stileid.u32  }
0x18c: {  	s1 =	rddreg [dreg:$0x1];
	p0 =	sne.s32 s2, $0x0  }
0x18d: {  	s3 =	rddreg [dreg:$0x2];
	[bflag:$0x3] =	sbarrier.arrive $0xFFFF;
	s2 =	simm.s32 @!p0 $0x1C02  }
0x18e: {  	[timem:s3], [sflag:s2] =	dma.local @!p0 [hbm:s0], s1  }
0x18f: {  	s0 =	simm.s32 @!p0 $0x2  }
0x190: {  	_ =	swait.ge @!p0 [sflag:s0], s1  }
0x191: {  	s1 =	ssub.s32 @!p0 $0x0, s1;
	[sflag:s0] =	ssyncset.done @!p0 $0x0  }
0x192: {  	[sflag:s0] =	ssyncadd.s32 @!p0 s1  }
0x193: {  	[bflag:$0x3] =	sbarrier.arrive $0xFFFF  }
0x194: {  	_ =	shalt  }

</sc_bundles>
